<compile_context>
chip_gen: v7x
topology: tpu7x:2x2x1
jax: 0.10.2.dev20260603
libtpu: 0.0.44.dev20260713+nightly
codegen_flags: <defaults>
</compile_context>

<pallas_src>
import functools

import jax
import jax.numpy as jnp
import numpy as np
from jax import lax
from jax.experimental import pallas as pl
from jax.experimental.pallas import tpu as pltpu
from jax.experimental.pallas import tpu_sc as plsc

CUTOFF = 8.0
KNOTS = 7
NSEG = KNOTS - 1
NC, NS, LANES = 2, 16, 16
NW = NC * NS
K = 16
B = K * 128
W = 256


def _nat_cubic_coeffs(t0, t1, y):
    t = jnp.linspace(t0, t1, KNOTS)
    h = t[1:] - t[:-1]
    main = 2.0 * (h[:-1] + h[1:])
    off = h[1:-1]
    rhs = 6.0 * ((y[2:] - y[1:-1]) / h[1:, None] - (y[1:-1] - y[:-2]) / h[:-1, None])
    n = main.shape[0]
    cp = [off[0] / main[0]]
    dp = [rhs[0] / main[0]]
    for i in range(1, n):
        beta = main[i] - off[i - 1] * cp[i - 1]
        if i < n - 1:
            cp.append(off[i] / beta)
        dp.append((rhs[i] - off[i - 1] * dp[i - 1]) / beta)
    x = [None] * n
    x[n - 1] = dp[n - 1]
    for i in range(n - 2, -1, -1):
        x[i] = dp[i] - cp[i] * x[i + 1]
    M_inner = jnp.stack(x, axis=0)
    z = jnp.zeros((1, y.shape[1]), y.dtype)
    M = jnp.concatenate([z, M_inner, z], axis=0)
    a = y[:-1]
    b = (y[1:] - y[:-1]) / h[:, None] - h[:, None] * (2.0 * M[:-1] + M[1:]) / 6.0
    c = M[:-1] / 2.0
    d = (M[1:] - M[:-1]) / (6.0 * h[:, None])
    return a[:, 0], b[:, 0], c[:, 0], d[:, 0]


def _edge_kernel(cf_ref, x_ref, y_ref, z_ref, ux_ref, uy_ref, uz_ref, fl_ref):
    x = x_ref[...]
    y = y_ref[...]
    z = z_ref[...]
    l = jnp.sqrt(x * x + y * y + z * z)
    inv = 1.0 / l
    ux_ref[...] = x * inv
    uy_ref[...] = y * inv
    uz_ref[...] = z * inv
    hseg = np.float32(CUTOFF / NSEG)
    ii = jnp.minimum((l * np.float32(1.0 / hseg)).astype(jnp.int32), NSEG - 1)
    dt = l - ii.astype(jnp.float32) * hseg
    acc = jnp.zeros_like(l)
    for k in range(NSEG):
        p = cf_ref[k, 0] + dt * (cf_ref[k, 1] + dt * (cf_ref[k, 2] + dt * cf_ref[k, 3]))
        acc = jnp.where(ii == k, p, acc)
    fl_ref[...] = acc


def _add_kernel(a_ref, b_ref, o_ref):
    o_ref[...] = a_ref[...] + b_ref[...]


def _interleave_body(epad, ux, uy, uz, fl, table,
                     pbx, pby, pbz, pbf, obuf, sem):
    c = lax.axis_index("c")
    s = lax.axis_index("s")
    wid = c * NS + s
    per_tile = epad // NW
    chunk = pbx.shape[0]
    nch = per_tile // chunk

    @pl.loop(0, chunk * 8 // LANES)
    def _z(i):
        obuf_flat = obuf
        zv = jnp.zeros((LANES,), jnp.float32)
        r0 = i * 2
        plsc.store_scatter(
            obuf_flat,
            [r0 + jnp.arange(LANES, dtype=jnp.int32) // 8,
             jnp.arange(LANES, dtype=jnp.int32) % 8],
            zv)

    @pl.loop(0, nch)
    def _ch(ci):
        e0 = wid * per_tile + ci * chunk
        pltpu.sync_copy(ux.at[pl.ds(e0, chunk)], pbx)
        pltpu.sync_copy(uy.at[pl.ds(e0, chunk)], pby)
        pltpu.sync_copy(uz.at[pl.ds(e0, chunk)], pbz)
        pltpu.sync_copy(fl.at[pl.ds(e0, chunk)], pbf)

        @pl.loop(0, chunk // LANES)
        def _g(g):
            rows = g * LANES + jnp.arange(LANES, dtype=jnp.int32)
            for ci_, pb_ in ((0, pbx), (1, pby), (2, pbz), (3, pbf)):
                v = pb_[pl.ds(g * LANES, LANES)]
                cv = jnp.full((LANES,), ci_, jnp.int32)
                plsc.store_scatter(obuf, [rows, cv], v)

        pltpu.sync_copy(obuf, table.at[pl.ds(e0, chunk)])


def _sc_body(nblk, total_blocks, pb, epad, edata, lgs, lgd, tail_s, tail_d,
             gtab, zeros, out, *refs):
    bufs = (refs[0:7], refs[7:14])
    gtab_v, accum = refs[14], refs[15]
    c = lax.axis_index("c")
    s = lax.axis_index("s")
    wid = c * NS + s
    sl = epad // NS

    pltpu.sync_copy(zeros.at[pl.ds(s * sl, sl)], accum.at[pl.ds(s * sl, sl)])
    pltpu.sync_copy(gtab, gtab_v)
    plsc.subcore_barrier()

    h3 = np.float32(3.0)
    ih = np.float32(1.0 / 3.0)

    def block_base(idx_s):
        return jnp.bitwise_and(jnp.min(idx_s[pl.ds(0, LANES)]),
                               jnp.int32(-8))

    def fetch(bidx, p):
        idx_s, idx_d, estage, rows2, _, semg, _ = bufs[p]
        is_last = bidx == total_blocks - 1
        t0 = jnp.where(bidx < total_blocks, bidx * B, 0)

        @pl.when(is_last)
        def _():
            pltpu.sync_copy(tail_s, idx_s)
            pltpu.sync_copy(tail_d, idx_d)

        @pl.when(jnp.logical_not(is_last))
        def _():
            pltpu.sync_copy(lgs.at[pl.ds(t0, B)], idx_s)
            pltpu.sync_copy(lgd.at[pl.ds(t0, B)], idx_d)

        base8 = block_base(idx_s)
        pltpu.async_copy(edata.at[pl.ds(base8, W)], estage, semg)
        pltpu.async_copy(edata.at[idx_d], rows2, semg)

    def wait_gathers(p):
        idx_s, idx_d, estage, rows2, _, semg, _ = bufs[p]
        pltpu.make_async_copy(edata.at[pl.ds(0, W)], estage, semg).wait()
        pltpu.make_async_copy(edata.at[idx_d], rows2, semg).wait()

    def wait_scatter(p):
        _, idx_d, _, _, mbuf, _, sems = bufs[p]
        pltpu.make_async_copy(mbuf, accum.at[idx_d], sems).wait()


    def compute(bidx, p):
        idx_s, _, estage, rows2, mbuf, _, _ = bufs[p]
        is_last = bidx == total_blocks - 1
        oob = bidx >= total_blocks
        base8 = block_base(idx_s)

        @pl.loop(0, B // LANES, unroll=4)
        def _cmp(g):
            lane = g * LANES + jnp.arange(LANES, dtype=jnp.int32)
            lidx = idx_s[pl.ds(g * LANES, LANES)] - base8

            def ld1(comp):
                cv = jnp.full((LANES,), comp, jnp.int32)
                return plsc.load_gather(estage, [lidx, cv])

            def ld(ref, comp):
                cv = jnp.full((LANES,), comp, jnp.int32)
                return plsc.load_gather(ref, [lane, cv])

            x1 = ld1(0)
            y1 = ld1(1)
            z1 = ld1(2)
            f1 = ld1(3)
            x2 = ld(rows2, 0)
            y2 = ld(rows2, 1)
            z2 = ld(rows2, 2)
            f2 = ld(rows2, 3)
            cos = -(x1 * x2 + y1 * y2 + z1 * z2)
            cos = jnp.minimum(jnp.maximum(cos, -1.0), 1.0)
            ii = jnp.minimum(((cos + 1.0) * h3).astype(jnp.int32), NSEG - 1)
            dt = cos - (ii.astype(jnp.float32) * ih - 1.0)
            ga = plsc.load_gather(gtab_v, [ii])
            gb = plsc.load_gather(gtab_v, [ii + 8])
            gc = plsc.load_gather(gtab_v, [ii + 16])
            gd = plsc.load_gather(gtab_v, [ii + 24])
            gv = ga + dt * (gb + dt * (gc + dt * gd))
            mv = f1 * f2 * gv
            dup = jnp.logical_or(jnp.logical_and(is_last, lane < pb), oob)
            mv = jnp.where(dup, 0.0, mv)
            mbuf[pl.ds(g * LANES, LANES)] = mv

    def fire_scatter(p):
        _, idx_d, _, _, mbuf, _, sems = bufs[p]
        pltpu.async_copy(mbuf, accum.at[idx_d], sems, add=True)

    base = wid * nblk
    fetch(base, 0)

    @pl.loop(0, nblk // 2)
    def _blk(jj):
        for p in (0, 1):
            j = jj * 2 + p
            bidx = base + j

            @pl.when(j >= 1)
            def _():
                wait_scatter(1 - p)

            @pl.when(j + 1 < nblk)
            def _():
                fetch(bidx + 1, 1 - p)

            wait_gathers(p)
            compute(bidx, p)
            fire_scatter(p)

    wait_scatter(1)

    plsc.subcore_barrier()
    pltpu.sync_copy(accum.at[pl.ds(s * sl, sl)],
                    out.at[pl.ds(c * epad + s * sl, sl)])


def _round_up(x, m):
    return (x + m - 1) // m * m


def kernel(r, f_coeffs, g_coeffs, edge_index, lg_src, lg_dst):
    E = r.shape[0]
    T = lg_src.shape[0]
    EPAD = _round_up(E + 1, NS * 8 * 128)
    RA = EPAD // 128

    fa, fb, fc_, fd = _nat_cubic_coeffs(0.0, CUTOFF, f_coeffs)
    ga, gb, gc_, gd = _nat_cubic_coeffs(-1.0, 1.0, g_coeffs)
    f_tab = jnp.stack([fa, fb, fc_, fd], axis=1)

    def pad8(v):
        return jnp.concatenate([v, jnp.zeros((8 - NSEG,), v.dtype)])

    g_tab = jnp.concatenate([pad8(ga), pad8(gb), pad8(gc_), pad8(gd)])

    rp = jnp.concatenate([r, jnp.ones((EPAD - E, 3), r.dtype)], axis=0)
    rx = rp[:, 0].reshape(RA, 128)
    ry = rp[:, 1].reshape(RA, 128)
    rz = rp[:, 2].reshape(RA, 128)
    grid = 8
    br = RA // grid
    bspec = pl.BlockSpec((br, 128), lambda i: (i, 0))
    ux, uy, uz, fl = pl.pallas_call(
        _edge_kernel,
        grid=(grid,),
        in_specs=[pl.BlockSpec(memory_space=pltpu.SMEM), bspec, bspec, bspec],
        out_specs=[bspec, bspec, bspec, bspec],
        out_shape=[jax.ShapeDtypeStruct((RA, 128), jnp.float32)] * 4,
    )(f_tab, rx, ry, rz)
    mesh = plsc.VectorSubcoreMesh(core_axis_name="c", subcore_axis_name="s",
                                  num_cores=NC, num_subcores=NS)
    CHUNK = EPAD // NW // 16
    edata = pl.kernel(
        functools.partial(_interleave_body, EPAD),
        out_type=jax.ShapeDtypeStruct((EPAD, 8), jnp.float32),
        mesh=mesh,
        scratch_types=[
            pltpu.VMEM((CHUNK,), jnp.float32),
            pltpu.VMEM((CHUNK,), jnp.float32),
            pltpu.VMEM((CHUNK,), jnp.float32),
            pltpu.VMEM((CHUNK,), jnp.float32),
            pltpu.VMEM((CHUNK, 8), jnp.float32),
            pltpu.SemaphoreType.DMA,
        ],
        compiler_params=pltpu.CompilerParams(needs_layout_passes=False,
                                             use_tc_tiling_on_sc=False),
    )(ux.reshape(EPAD), uy.reshape(EPAD), uz.reshape(EPAD), fl.reshape(EPAD))

    lgs = lg_src.astype(jnp.int32)
    lgd = lg_dst.astype(jnp.int32)
    tail_s = lgs[T - B:]
    tail_d = lgd[T - B:]
    zeros = jnp.zeros((EPAD,), jnp.float32)
    total_blocks = (T + B - 1) // B
    nblk = _round_up((total_blocks + NW - 1) // NW, 2)
    pb = B - (T - (total_blocks - 1) * B)

    partials = pl.kernel(
        functools.partial(_sc_body, nblk, total_blocks, pb, EPAD),
        out_type=jax.ShapeDtypeStruct((NC * EPAD,), jnp.float32),
        mesh=mesh,
        scratch_types=(
            [pltpu.VMEM((B,), jnp.int32),
             pltpu.VMEM((B,), jnp.int32),
             pltpu.VMEM((W, 8), jnp.float32),
             pltpu.VMEM((B, 8), jnp.float32),
             pltpu.VMEM((B,), jnp.float32),
             pltpu.SemaphoreType.DMA,
             pltpu.SemaphoreType.DMA] * 2
            + [pltpu.VMEM((32,), jnp.float32),
               pltpu.VMEM_SHARED((EPAD,), jnp.float32)]
        ),
        compiler_params=pltpu.CompilerParams(needs_layout_passes=False,
                                             use_tc_tiling_on_sc=False),
    )(edata, lgs, lgd, tail_s, tail_d, g_tab, zeros)

    p0 = partials[:EPAD].reshape(RA, 128)
    p1 = partials[EPAD:].reshape(RA, 128)
    ft = pl.pallas_call(
        _add_kernel,
        grid=(grid,),
        in_specs=[bspec, bspec],
        out_specs=bspec,
        out_shape=jax.ShapeDtypeStruct((RA, 128), jnp.float32),
    )(p0, p1)
    return ft.reshape(EPAD)[:E].reshape(E, 1)

# --- scband reference (transcript-rebuilt; emitter-appended) ---
"""Pipeline reference for scband-smeam-4337916969315 (READ-ONLY COPY).

The authoritative reference and input builder live on the scoring server;
editing this copy changes nothing except your own understanding.
"""

import jax, jax.numpy as jnp
import numpy as np

CUTOFF = 8.0
KNOTS = 7


def _solve_tridiag(main, off, rhs):
    # Solve a symmetric tridiagonal system (diag=main, off-diag=off) for rhs [n, C].
    # Statically unrolled Thomas algorithm; n is known from the shape.
    n = main.shape[0]
    cp = [off[0] / main[0]]
    dp = [rhs[0] / main[0]]
    for i in range(1, n):
        beta = main[i] - off[i - 1] * cp[i - 1]
        if i < n - 1:
            cp.append(off[i] / beta)
        dp.append((rhs[i] - off[i - 1] * dp[i - 1]) / beta)
    x = [None] * n
    x[n - 1] = dp[n - 1]
    for i in range(n - 2, -1, -1):
        x[i] = dp[i] - cp[i] * x[i + 1]
    return jnp.stack(x, axis=0)


def _natural_cubic_coeffs(t, y):
    # t: [K] knots, y: [K, C] values. Natural BC: second deriv = 0 at ends.
    h = t[1:] - t[:-1]
    main = 2.0 * (h[:-1] + h[1:])
    off = h[1:-1]
    rhs = 6.0 * ((y[2:] - y[1:-1]) / h[1:, None] - (y[1:-1] - y[:-2]) / h[:-1, None])
    M_inner = _solve_tridiag(main, off, rhs)
    zeros = jnp.zeros((1, y.shape[1]), y.dtype)
    M = jnp.concatenate([zeros, M_inner, zeros], axis=0)
    a = y[:-1]
    b = (y[1:] - y[:-1]) / h[:, None] - h[:, None] * (2.0 * M[:-1] + M[1:]) / 6.0
    c = M[:-1] / 2.0
    d = (M[1:] - M[:-1]) / (6.0 * h[:, None])
    return a, b, c, d


def _spline_eval(t, coeffs, x):
    a, b, c, d = coeffs
    idx = jnp.clip(jnp.searchsorted(t, x, side='right') - 1, 0, t.shape[0] - 2)
    dt = (x - t[idx])[:, None]
    return a[idx] + b[idx] * dt + c[idx] * dt * dt + d[idx] * dt * dt * dt


def setup_inputs(seed: int = 0) -> dict:
    N = 50000
    AVG_DEG = 16
    E = N * AVG_DEG
    rng = np.random.default_rng(0)
    src = rng.integers(0, N, size=E).astype(np.int64)
    dst = rng.integers(0, N, size=E).astype(np.int64)
    edge_index = np.stack([src, dst], axis=0)
    # non-backtracking line graph of g: lg edge e1 -> e2 iff dst(e1) == src(e2) and dst(e2) != src(e1)
    counts = np.bincount(src, minlength=N).astype(np.int64)
    starts = np.cumsum(counts) - counts
    perm = np.argsort(src, kind='stable').astype(np.int64)
    deg_e = counts[dst]
    T = int(deg_e.sum())
    lg_e1 = np.repeat(np.arange(E, dtype=np.int64), deg_e)
    offs = np.arange(T, dtype=np.int64) - np.repeat(np.cumsum(deg_e) - deg_e, deg_e)
    lg_e2 = perm[starts[np.repeat(dst, deg_e)] + offs]
    mask = dst[lg_e2] != src[lg_e1]
    lg_e1 = lg_e1[mask]
    lg_e2 = lg_e2[mask]
    key = jax.random.key(seed)
    k1, k2, k3 = jax.random.split(key, 3)
    r = jax.random.normal(k1, (E, 3), dtype=jnp.float32)
    f_coeffs = jax.random.uniform(k2, (KNOTS, 1), dtype=jnp.float32)
    g_coeffs = jax.random.uniform(k3, (KNOTS, 1), dtype=jnp.float32)
    return {
        'r': r,
        'f_coeffs': f_coeffs,
        'g_coeffs': g_coeffs,
        'edge_index': jnp.asarray(edge_index),
        'lg_src': jnp.asarray(lg_e1),
        'lg_dst': jnp.asarray(lg_e2),
    }


def reference(r, f_coeffs, g_coeffs, edge_index, lg_src, lg_dst):
    knots_radial = jnp.linspace(0.0, CUTOFF, KNOTS)
    knots_angular = jnp.linspace(-1.0, 1.0, KNOTS)
    f_c = _natural_cubic_coeffs(knots_radial, f_coeffs)
    g_c = _natural_cubic_coeffs(knots_angular, g_coeffs)
    E = r.shape[0]
    # triplet interaction over non-backtracking line-graph edges
    r1 = -r[lg_src]
    r2 = r[lg_dst]
    l1 = jnp.linalg.norm(r1, axis=1)
    l2 = jnp.linalg.norm(r2, axis=1)
    bond_cosine = jnp.clip(jnp.sum(r1 * r2, axis=1) / (l1 * l2), -1.0, 1.0)
    m = (_spline_eval(knots_radial, f_c, l1)
         * _spline_eval(knots_radial, f_c, l2)
         * _spline_eval(knots_angular, g_c, bond_cosine))
    # sum triplet messages onto each lg node (= edge of g): fn.sum('m', 'ft')
    ft = jnp.zeros((E, 1), r.dtype).at[lg_dst].add(m)
    bondlength = jnp.linalg.norm(r, axis=1)  # computed (unused) as in original
    return ft

if __name__ == "__main__":
    import jax
    _d = setup_inputs()
    print(jax.jit(kernel)(*tuple(_d.values())))

</pallas_src>

<mosaic_0001>
#map = affine_map<(d0, d1) -> (0, 0)>
#map1 = affine_map<(d0, d1) -> (0)>
module attributes {stable_mosaic.version = 14 : i64} {
  func.func @_sc_body(%arg0: i32, %arg1: i32, %arg2: memref<802816x8xf32, #tpu.memory_space<hbm>>, %arg3: memref<12799450xi32, #tpu.memory_space<hbm>>, %arg4: memref<12799450xi32, #tpu.memory_space<hbm>>, %arg5: memref<2048xi32, #tpu.memory_space<hbm>>, %arg6: memref<2048xi32, #tpu.memory_space<hbm>>, %arg7: memref<32xf32, #tpu.memory_space<hbm>>, %arg8: memref<802816xf32, #tpu.memory_space<hbm>>, %arg9: memref<1605632xf32, #tpu.memory_space<hbm>>, %arg10: memref<2048xi32, #tpu.memory_space<vmem>>, %arg11: memref<2048xi32, #tpu.memory_space<vmem>>, %arg12: memref<256x8xf32, #tpu.memory_space<vmem>>, %arg13: memref<2048x8xf32, #tpu.memory_space<vmem>>, %arg14: memref<2048xf32, #tpu.memory_space<vmem>>, %arg15: memref<!tpu.dma_semaphore, #tpu.memory_space<semaphore_mem>>, %arg16: memref<!tpu.dma_semaphore, #tpu.memory_space<semaphore_mem>>, %arg17: memref<2048xi32, #tpu.memory_space<vmem>>, %arg18: memref<2048xi32, #tpu.memory_space<vmem>>, %arg19: memref<256x8xf32, #tpu.memory_space<vmem>>, %arg20: memref<2048x8xf32, #tpu.memory_space<vmem>>, %arg21: memref<2048xf32, #tpu.memory_space<vmem>>, %arg22: memref<!tpu.dma_semaphore, #tpu.memory_space<semaphore_mem>>, %arg23: memref<!tpu.dma_semaphore, #tpu.memory_space<semaphore_mem>>, %arg24: memref<32xf32, #tpu.memory_space<vmem>>, %arg25: memref<802816xf32, #tpu.memory_space<vmem_shared>>) attributes {dimension_semantics = [#tpu.dimension_semantics<core_parallel>, #tpu.dimension_semantics<subcore_parallel>], iteration_bounds = array<i64: 2, 16>, scalar_prefetch = 0 : i64, scratch_operands = 16 : i64, tpu.core_type = #tpu.core_type<sc_vector_subcore>, window_params = [{transform_indices = #map}, {transform_indices = #map1}, {transform_indices = #map1}, {transform_indices = #map1}, {transform_indices = #map1}, {transform_indices = #map1}, {transform_indices = #map1}, {transform_indices = #map1}]} {
    %mul3A = arith.constant 16 : i32
    %mul3A_0 = arith.muli %arg0, %mul3A : i32
    %add3A = arith.addi %mul3A_0, %arg1 : i32
    %mul3A_1 = arith.constant 50176 : i32
    %mul3A_2 = arith.muli %arg1, %mul3A_1 : i32
    %mul3A_3 = arith.constant 50176 : i32
    %mul3A_4 = arith.muli %arg1, %mul3A_3 : i32
    "tpu.region"() ({
      %run_scoped3A = tpu.sem_alloc : memref<!tpu.dma_semaphore, #tpu.memory_space<semaphore_mem>>
      %dma_start3A_44 = tpu.memref_slice %arg25[%mul3A_4] : memref<802816xf32, #tpu.memory_space<vmem_shared>> -> memref<50176xf32, #tpu.memory_space<vmem_shared>>
      %dma_start3A_45 = tpu.memref_slice %arg8[%mul3A_2] : memref<802816xf32, #tpu.memory_space<hbm>> -> memref<50176xf32, #tpu.memory_space<hbm>>
      tpu.enqueue_dma source(%dma_start3A_45 : memref<50176xf32, #tpu.memory_space<hbm>>) target(%dma_start3A_44 : memref<50176xf32, #tpu.memory_space<vmem_shared>>) target_semaphore(%run_scoped3A : memref<!tpu.dma_semaphore, #tpu.memory_space<semaphore_mem>>)
      %dma_wait3A_46 = tpu.memref_slice %arg25[%mul3A_4] : memref<802816xf32, #tpu.memory_space<vmem_shared>> -> memref<50176xf32, #tpu.memory_space<vmem_shared>>
      %dma_wait3A_47 = tpu.memref_slice %arg8[%mul3A_2] : memref<802816xf32, #tpu.memory_space<hbm>> -> memref<50176xf32, #tpu.memory_space<hbm>>
      tpu.wait_dma2 semaphore(%run_scoped3A : memref<!tpu.dma_semaphore, #tpu.memory_space<semaphore_mem>>) src(%dma_wait3A_47 : memref<50176xf32, #tpu.memory_space<hbm>>) dst(%dma_wait3A_46 : memref<50176xf32, #tpu.memory_space<vmem_shared>>)
      tpu.yield
    }) : () -> ()
    "tpu.region"() ({
      %run_scoped3A = tpu.sem_alloc : memref<!tpu.dma_semaphore, #tpu.memory_space<semaphore_mem>>
      tpu.enqueue_dma source(%arg7 : memref<32xf32, #tpu.memory_space<hbm>>) target(%arg24 : memref<32xf32, #tpu.memory_space<vmem>>) target_semaphore(%run_scoped3A : memref<!tpu.dma_semaphore, #tpu.memory_space<semaphore_mem>>)
      tpu.wait_dma2 semaphore(%run_scoped3A : memref<!tpu.dma_semaphore, #tpu.memory_space<semaphore_mem>>) src(%arg7 : memref<32xf32, #tpu.memory_space<hbm>>) dst(%arg24 : memref<32xf32, #tpu.memory_space<vmem>>)
      tpu.yield
    }) : () -> ()
    %barrier3A = arith.constant 0 : index
    tpu.barrier barrier_id(%barrier3A)
    %mul3A_5 = arith.constant 196 : i32
    %mul3A_6 = arith.muli %add3A, %mul3A_5 : i32
    %eq3A = arith.constant 6249 : i32
    %eq3A_7 = arith.cmpi eq, %mul3A_6, %eq3A : i32
    %lt3A = arith.constant 6250 : i32
    %lt3A_8 = arith.cmpi slt, %mul3A_6, %lt3A : i32
    %mul3A_9 = arith.constant 2048 : i32
    %mul3A_10 = arith.muli %mul3A_6, %mul3A_9 : i32
    %jit3A = arith.constant 0 : i32
    %select_n3A = arith.select %lt3A_8, %mul3A_10, %jit3A : i32
    %convert_element_type3A = arith.extui %eq3A_7 : i1 to i32
    %cond3A = arith.constant 0 : i32
    %cond3A_11 = arith.cmpi ne, %convert_element_type3A, %cond3A : i32
    scf.if %cond3A_11 {
      "tpu.region"() ({
        %run_scoped3A = tpu.sem_alloc : memref<!tpu.dma_semaphore, #tpu.memory_space<semaphore_mem>>
        tpu.enqueue_dma source(%arg5 : memref<2048xi32, #tpu.memory_space<hbm>>) target(%arg10 : memref<2048xi32, #tpu.memory_space<vmem>>) target_semaphore(%run_scoped3A : memref<!tpu.dma_semaphore, #tpu.memory_space<semaphore_mem>>)
        tpu.wait_dma2 semaphore(%run_scoped3A : memref<!tpu.dma_semaphore, #tpu.memory_space<semaphore_mem>>) src(%arg5 : memref<2048xi32, #tpu.memory_space<hbm>>) dst(%arg10 : memref<2048xi32, #tpu.memory_space<vmem>>)
        tpu.yield
      }) : () -> ()
      "tpu.region"() ({
        %run_scoped3A = tpu.sem_alloc : memref<!tpu.dma_semaphore, #tpu.memory_space<semaphore_mem>>
        tpu.enqueue_dma source(%arg6 : memref<2048xi32, #tpu.memory_space<hbm>>) target(%arg11 : memref<2048xi32, #tpu.memory_space<vmem>>) target_semaphore(%run_scoped3A : memref<!tpu.dma_semaphore, #tpu.memory_space<semaphore_mem>>)
        tpu.wait_dma2 semaphore(%run_scoped3A : memref<!tpu.dma_semaphore, #tpu.memory_space<semaphore_mem>>) src(%arg6 : memref<2048xi32, #tpu.memory_space<hbm>>) dst(%arg11 : memref<2048xi32, #tpu.memory_space<vmem>>)
        tpu.yield
      }) : () -> ()
    } else {
    }
    %not3A = arith.constant true
    %not3A_12 = arith.xori %eq3A_7, %not3A : i1
    %convert_element_type3A_13 = arith.extui %not3A_12 : i1 to i32
    %cond3A_14 = arith.constant 0 : i32
    %cond3A_15 = arith.cmpi ne, %convert_element_type3A_13, %cond3A_14 : i32
    scf.if %cond3A_15 {
      "tpu.region"() ({
        %run_scoped3A = tpu.sem_alloc : memref<!tpu.dma_semaphore, #tpu.memory_space<semaphore_mem>>
        %dma_start3A_44 = tpu.memref_slice %arg3[%select_n3A] : memref<12799450xi32, #tpu.memory_space<hbm>> -> memref<2048xi32, #tpu.memory_space<hbm>>
        %dma_start3A_45 = tpu.memref_slice %arg3[%select_n3A] : memref<12799450xi32, #tpu.memory_space<hbm>> -> memref<2048xi32, #tpu.memory_space<hbm>>
        tpu.enqueue_dma source(%dma_start3A_45 : memref<2048xi32, #tpu.memory_space<hbm>>) target(%arg10 : memref<2048xi32, #tpu.memory_space<vmem>>) target_semaphore(%run_scoped3A : memref<!tpu.dma_semaphore, #tpu.memory_space<semaphore_mem>>)
        %dma_wait3A_46 = tpu.memref_slice %arg3[%select_n3A] : memref<12799450xi32, #tpu.memory_space<hbm>> -> memref<2048xi32, #tpu.memory_space<hbm>>
        %dma_wait3A_47 = tpu.memref_slice %arg3[%select_n3A] : memref<12799450xi32, #tpu.memory_space<hbm>> -> memref<2048xi32, #tpu.memory_space<hbm>>
        tpu.wait_dma2 semaphore(%run_scoped3A : memref<!tpu.dma_semaphore, #tpu.memory_space<semaphore_mem>>) src(%dma_wait3A_47 : memref<2048xi32, #tpu.memory_space<hbm>>) dst(%arg10 : memref<2048xi32, #tpu.memory_space<vmem>>)
        tpu.yield
      }) : () -> ()
      "tpu.region"() ({
        %run_scoped3A = tpu.sem_alloc : memref<!tpu.dma_semaphore, #tpu.memory_space<semaphore_mem>>
        %dma_start3A_44 = tpu.memref_slice %arg4[%select_n3A] : memref<12799450xi32, #tpu.memory_space<hbm>> -> memref<2048xi32, #tpu.memory_space<hbm>>
        %dma_start3A_45 = tpu.memref_slice %arg4[%select_n3A] : memref<12799450xi32, #tpu.memory_space<hbm>> -> memref<2048xi32, #tpu.memory_space<hbm>>
        tpu.enqueue_dma source(%dma_start3A_45 : memref<2048xi32, #tpu.memory_space<hbm>>) target(%arg11 : memref<2048xi32, #tpu.memory_space<vmem>>) target_semaphore(%run_scoped3A : memref<!tpu.dma_semaphore, #tpu.memory_space<semaphore_mem>>)
        %dma_wait3A_46 = tpu.memref_slice %arg4[%select_n3A] : memref<12799450xi32, #tpu.memory_space<hbm>> -> memref<2048xi32, #tpu.memory_space<hbm>>
        %dma_wait3A_47 = tpu.memref_slice %arg4[%select_n3A] : memref<12799450xi32, #tpu.memory_space<hbm>> -> memref<2048xi32, #tpu.memory_space<hbm>>
        tpu.wait_dma2 semaphore(%run_scoped3A : memref<!tpu.dma_semaphore, #tpu.memory_space<semaphore_mem>>) src(%dma_wait3A_47 : memref<2048xi32, #tpu.memory_space<hbm>>) dst(%arg11 : memref<2048xi32, #tpu.memory_space<vmem>>)
        tpu.yield
      }) : () -> ()
    } else {
    }
    %get3A = arith.constant 0 : index
    %get3A_16 = tpu.vector_load %arg10[%get3A] {strides = array<i32>} : memref<2048xi32, #tpu.memory_space<vmem>>, vector<16xi32>,
    %reduce_min3A = arith.constant true
    %reduce_min3A_17 = vector.broadcast %reduce_min3A : i1 to vector<16xi1>
    %reduce_min3A_18 = arith.constant -2147483648 : i32
    %reduce_min3A_19 = vector.broadcast %reduce_min3A_18 : i32 to vector<16xi32>
    %reduce_min3A_20 = arith.xori %get3A_16, %reduce_min3A_19 : vector<16xi32>
    %reduce_min3A_21 = tpu.scan <min>, %reduce_min3A_20 masked %reduce_min3A_17 : vector<16xi32>, vector<16xi1> -> vector<16xi32>
    %reduce_min3A_22 = arith.xori %reduce_min3A_21, %reduce_min3A_19 : vector<16xi32>
    %reduce_min3A_23 = vector.extract %reduce_min3A_22[15] : i32 from vector<16xi32>
    %and3A = arith.constant -8 : i32
    %and3A_24 = arith.andi %reduce_min3A_23, %and3A : i32
    %dma_start3A = arith.constant 0 : i32
    %dma_start3A_25 = tpu.memref_slice %arg2[%and3A_24, %dma_start3A] : memref<802816x8xf32, #tpu.memory_space<hbm>> -> memref<256x8xf32, #tpu.memory_space<hbm>>
    %dma_start3A_26 = arith.constant 0 : i32
    %dma_start3A_27 = tpu.memref_slice %arg2[%and3A_24, %dma_start3A_26] : memref<802816x8xf32, #tpu.memory_space<hbm>> -> memref<256x8xf32, #tpu.memory_space<hbm>>
    tpu.enqueue_dma source(%dma_start3A_27 : memref<256x8xf32, #tpu.memory_space<hbm>>) target(%arg12 : memref<256x8xf32, #tpu.memory_space<vmem>>) target_semaphore(%arg15 : memref<!tpu.dma_semaphore, #tpu.memory_space<semaphore_mem>>)
    %dma_start3A_28 = arith.constant 0 : i32
    %dma_start3A_29 = arith.constant 0 : i32
    %dma_start3A_30 = tpu.memref_slice %arg2[%dma_start3A_28, %dma_start3A_29] : memref<802816x8xf32, #tpu.memory_space<hbm>> -> memref<802816x8xf32, #tpu.memory_space<hbm>>
    tpu.enqueue_indirect_dma source(%dma_start3A_30 : memref<802816x8xf32, #tpu.memory_space<hbm>>) target(%arg13 : memref<2048x8xf32, #tpu.memory_space<vmem>>) offsets(%arg11 : memref<2048xi32, #tpu.memory_space<vmem>>) semaphore(%arg15 : memref<!tpu.dma_semaphore, #tpu.memory_space<semaphore_mem>>)
    %scan3A = arith.constant 0 : i32
    %scan3A_31 = arith.constant 98 : i32
    %scan3A_32 = arith.addi %scan3A, %scan3A_31 : i32
    %scan3A_33 = arith.constant 1 : i32
    scf.for %scan3A_44 = %scan3A to %scan3A_32 step %scan3A_33  : i32 {
      %mul3A_45 = arith.constant 1 : i32
      %mul3A_46 = arith.muli %scan3A_44, %mul3A_45 : i32
      %add3A_47 = arith.constant 0 : i32
      %add3A_48 = arith.addi %add3A_47, %mul3A_46 : i32
      %mul3A_49 = arith.constant 2 : i32
      %mul3A_50 = arith.muli %add3A_48, %mul3A_49 : i32
      %add3A_51 = arith.constant 0 : i32
      %add3A_52 = arith.addi %mul3A_50, %add3A_51 : i32
      %add3A_53 = arith.addi %mul3A_6, %add3A_52 : i32
      %ge3A = arith.constant 1 : i32
      %ge3A_54 = arith.cmpi sge, %add3A_52, %ge3A : i32
      %convert_element_type3A_55 = arith.extui %ge3A_54 : i1 to i32
      %cond3A_56 = arith.constant 0 : i32
      %cond3A_57 = arith.cmpi ne, %convert_element_type3A_55, %cond3A_56 : i32
      scf.if %cond3A_57 {
        %dma_wait3A_146 = arith.constant 0 : i32
        %dma_wait3A_147 = tpu.memref_slice %arg25[%dma_wait3A_146] : memref<802816xf32, #tpu.memory_space<vmem_shared>> -> memref<802816xf32, #tpu.memory_space<vmem_shared>>
        tpu.wait_indirect_dma semaphore(%arg23 : memref<!tpu.dma_semaphore, #tpu.memory_space<semaphore_mem>>) src(%arg21 : memref<2048xf32, #tpu.memory_space<vmem>>) dst(%dma_wait3A_147 : memref<802816xf32, #tpu.memory_space<vmem_shared>>)
      } else {
      }
      %add3A_58 = arith.constant 1 : i32
      %add3A_59 = arith.addi %add3A_52, %add3A_58 : i32
      %lt3A_60 = arith.constant 196 : i32
      %lt3A_61 = arith.cmpi slt, %add3A_59, %lt3A_60 : i32
      %convert_element_type3A_62 = arith.extui %lt3A_61 : i1 to i32
      %cond3A_63 = arith.constant 0 : i32
      %cond3A_64 = arith.cmpi ne, %convert_element_type3A_62, %cond3A_63 : i32
      scf.if %cond3A_64 {
        %add3A_146 = arith.constant 1 : i32
        %add3A_147 = arith.addi %add3A_53, %add3A_146 : i32
        %eq3A_148 = arith.constant 6249 : i32
        %eq3A_149 = arith.cmpi eq, %add3A_147, %eq3A_148 : i32
        %lt3A_150 = arith.constant 6250 : i32
        %lt3A_151 = arith.cmpi slt, %add3A_147, %lt3A_150 : i32
        %mul3A_152 = arith.constant 2048 : i32
        %mul3A_153 = arith.muli %add3A_147, %mul3A_152 : i32
        %jit3A_154 = arith.constant 0 : i32
        %select_n3A_155 = arith.select %lt3A_151, %mul3A_153, %jit3A_154 : i32
        %convert_element_type3A_156 = arith.extui %eq3A_149 : i1 to i32
        %cond3A_157 = arith.constant 0 : i32
        %cond3A_158 = arith.cmpi ne, %convert_element_type3A_156, %cond3A_157 : i32
        scf.if %cond3A_158 {
          "tpu.region"() ({
            %run_scoped3A = tpu.sem_alloc : memref<!tpu.dma_semaphore, #tpu.memory_space<semaphore_mem>>
            tpu.enqueue_dma source(%arg5 : memref<2048xi32, #tpu.memory_space<hbm>>) target(%arg17 : memref<2048xi32, #tpu.memory_space<vmem>>) target_semaphore(%run_scoped3A : memref<!tpu.dma_semaphore, #tpu.memory_space<semaphore_mem>>)
            tpu.wait_dma2 semaphore(%run_scoped3A : memref<!tpu.dma_semaphore, #tpu.memory_space<semaphore_mem>>) src(%arg5 : memref<2048xi32, #tpu.memory_space<hbm>>) dst(%arg17 : memref<2048xi32, #tpu.memory_space<vmem>>)
            tpu.yield
          }) : () -> ()
          "tpu.region"() ({
            %run_scoped3A = tpu.sem_alloc : memref<!tpu.dma_semaphore, #tpu.memory_space<semaphore_mem>>
            tpu.enqueue_dma source(%arg6 : memref<2048xi32, #tpu.memory_space<hbm>>) target(%arg18 : memref<2048xi32, #tpu.memory_space<vmem>>) target_semaphore(%run_scoped3A : memref<!tpu.dma_semaphore, #tpu.memory_space<semaphore_mem>>)
            tpu.wait_dma2 semaphore(%run_scoped3A : memref<!tpu.dma_semaphore, #tpu.memory_space<semaphore_mem>>) src(%arg6 : memref<2048xi32, #tpu.memory_space<hbm>>) dst(%arg18 : memref<2048xi32, #tpu.memory_space<vmem>>)
            tpu.yield
          }) : () -> ()
        } else {
        }
        %not3A_159 = arith.constant true
        %not3A_160 = arith.xori %eq3A_149, %not3A_159 : i1
        %convert_element_type3A_161 = arith.extui %not3A_160 : i1 to i32
        %cond3A_162 = arith.constant 0 : i32
        %cond3A_163 = arith.cmpi ne, %convert_element_type3A_161, %cond3A_162 : i32
        scf.if %cond3A_163 {
          "tpu.region"() ({
            %run_scoped3A = tpu.sem_alloc : memref<!tpu.dma_semaphore, #tpu.memory_space<semaphore_mem>>
            %dma_start3A_183 = tpu.memref_slice %arg3[%select_n3A_155] : memref<12799450xi32, #tpu.memory_space<hbm>> -> memref<2048xi32, #tpu.memory_space<hbm>>
            %dma_start3A_184 = tpu.memref_slice %arg3[%select_n3A_155] : memref<12799450xi32, #tpu.memory_space<hbm>> -> memref<2048xi32, #tpu.memory_space<hbm>>
            tpu.enqueue_dma source(%dma_start3A_184 : memref<2048xi32, #tpu.memory_space<hbm>>) target(%arg17 : memref<2048xi32, #tpu.memory_space<vmem>>) target_semaphore(%run_scoped3A : memref<!tpu.dma_semaphore, #tpu.memory_space<semaphore_mem>>)
            %dma_wait3A_185 = tpu.memref_slice %arg3[%select_n3A_155] : memref<12799450xi32, #tpu.memory_space<hbm>> -> memref<2048xi32, #tpu.memory_space<hbm>>
            %dma_wait3A_186 = tpu.memref_slice %arg3[%select_n3A_155] : memref<12799450xi32, #tpu.memory_space<hbm>> -> memref<2048xi32, #tpu.memory_space<hbm>>
            tpu.wait_dma2 semaphore(%run_scoped3A : memref<!tpu.dma_semaphore, #tpu.memory_space<semaphore_mem>>) src(%dma_wait3A_186 : memref<2048xi32, #tpu.memory_space<hbm>>) dst(%arg17 : memref<2048xi32, #tpu.memory_space<vmem>>)
            tpu.yield
          }) : () -> ()
          "tpu.region"() ({
            %run_scoped3A = tpu.sem_alloc : memref<!tpu.dma_semaphore, #tpu.memory_space<semaphore_mem>>
            %dma_start3A_183 = tpu.memref_slice %arg4[%select_n3A_155] : memref<12799450xi32, #tpu.memory_space<hbm>> -> memref<2048xi32, #tpu.memory_space<hbm>>
            %dma_start3A_184 = tpu.memref_slice %arg4[%select_n3A_155] : memref<12799450xi32, #tpu.memory_space<hbm>> -> memref<2048xi32, #tpu.memory_space<hbm>>
            tpu.enqueue_dma source(%dma_start3A_184 : memref<2048xi32, #tpu.memory_space<hbm>>) target(%arg18 : memref<2048xi32, #tpu.memory_space<vmem>>) target_semaphore(%run_scoped3A : memref<!tpu.dma_semaphore, #tpu.memory_space<semaphore_mem>>)
            %dma_wait3A_185 = tpu.memref_slice %arg4[%select_n3A_155] : memref<12799450xi32, #tpu.memory_space<hbm>> -> memref<2048xi32, #tpu.memory_space<hbm>>
            %dma_wait3A_186 = tpu.memref_slice %arg4[%select_n3A_155] : memref<12799450xi32, #tpu.memory_space<hbm>> -> memref<2048xi32, #tpu.memory_space<hbm>>
            tpu.wait_dma2 semaphore(%run_scoped3A : memref<!tpu.dma_semaphore, #tpu.memory_space<semaphore_mem>>) src(%dma_wait3A_186 : memref<2048xi32, #tpu.memory_space<hbm>>) dst(%arg18 : memref<2048xi32, #tpu.memory_space<vmem>>)
            tpu.yield
          }) : () -> ()
        } else {
        }
        %get3A_164 = arith.constant 0 : index
        %get3A_165 = tpu.vector_load %arg17[%get3A_164] {strides = array<i32>} : memref<2048xi32, #tpu.memory_space<vmem>>, vector<16xi32>,
        %reduce_min3A_166 = arith.constant true
        %reduce_min3A_167 = vector.broadcast %reduce_min3A_166 : i1 to vector<16xi1>
        %reduce_min3A_168 = arith.constant -2147483648 : i32
        %reduce_min3A_169 = vector.broadcast %reduce_min3A_168 : i32 to vector<16xi32>
        %reduce_min3A_170 = arith.xori %get3A_165, %reduce_min3A_169 : vector<16xi32>
        %reduce_min3A_171 = tpu.scan <min>, %reduce_min3A_170 masked %reduce_min3A_167 : vector<16xi32>, vector<16xi1> -> vector<16xi32>
        %reduce_min3A_172 = arith.xori %reduce_min3A_171, %reduce_min3A_169 : vector<16xi32>
        %reduce_min3A_173 = vector.extract %reduce_min3A_172[15] : i32 from vector<16xi32>
        %and3A_174 = arith.constant -8 : i32
        %and3A_175 = arith.andi %reduce_min3A_173, %and3A_174 : i32
        %dma_start3A_176 = arith.constant 0 : i32
        %dma_start3A_177 = tpu.memref_slice %arg2[%and3A_175, %dma_start3A_176] : memref<802816x8xf32, #tpu.memory_space<hbm>> -> memref<256x8xf32, #tpu.memory_space<hbm>>
        %dma_start3A_178 = arith.constant 0 : i32
        %dma_start3A_179 = tpu.memref_slice %arg2[%and3A_175, %dma_start3A_178] : memref<802816x8xf32, #tpu.memory_space<hbm>> -> memref<256x8xf32, #tpu.memory_space<hbm>>
        tpu.enqueue_dma source(%dma_start3A_179 : memref<256x8xf32, #tpu.memory_space<hbm>>) target(%arg19 : memref<256x8xf32, #tpu.memory_space<vmem>>) target_semaphore(%arg22 : memref<!tpu.dma_semaphore, #tpu.memory_space<semaphore_mem>>)
        %dma_start3A_180 = arith.constant 0 : i32
        %dma_start3A_181 = arith.constant 0 : i32
        %dma_start3A_182 = tpu.memref_slice %arg2[%dma_start3A_180, %dma_start3A_181] : memref<802816x8xf32, #tpu.memory_space<hbm>> -> memref<802816x8xf32, #tpu.memory_space<hbm>>
        tpu.enqueue_indirect_dma source(%dma_start3A_182 : memref<802816x8xf32, #tpu.memory_space<hbm>>) target(%arg20 : memref<2048x8xf32, #tpu.memory_space<vmem>>) offsets(%arg18 : memref<2048xi32, #tpu.memory_space<vmem>>) semaphore(%arg22 : memref<!tpu.dma_semaphore, #tpu.memory_space<semaphore_mem>>)
      } else {
      }
      %dma_wait3A_65 = arith.constant 0 : i32
      %dma_wait3A_66 = arith.constant 0 : i32
      %dma_wait3A_67 = tpu.memref_slice %arg2[%dma_wait3A_65, %dma_wait3A_66] : memref<802816x8xf32, #tpu.memory_space<hbm>> -> memref<256x8xf32, #tpu.memory_space<hbm>>
      %dma_wait3A_68 = arith.constant 0 : i32
      %dma_wait3A_69 = arith.constant 0 : i32
      %dma_wait3A_70 = tpu.memref_slice %arg2[%dma_wait3A_68, %dma_wait3A_69] : memref<802816x8xf32, #tpu.memory_space<hbm>> -> memref<256x8xf32, #tpu.memory_space<hbm>>
      tpu.wait_dma2 semaphore(%arg15 : memref<!tpu.dma_semaphore, #tpu.memory_space<semaphore_mem>>) src(%dma_wait3A_70 : memref<256x8xf32, #tpu.memory_space<hbm>>) dst(%arg12 : memref<256x8xf32, #tpu.memory_space<vmem>>)
      %dma_wait3A_71 = arith.constant 0 : i32
      %dma_wait3A_72 = arith.constant 0 : i32
      %dma_wait3A_73 = tpu.memref_slice %arg2[%dma_wait3A_71, %dma_wait3A_72] : memref<802816x8xf32, #tpu.memory_space<hbm>> -> memref<802816x8xf32, #tpu.memory_space<hbm>>
      tpu.wait_indirect_dma semaphore(%arg15 : memref<!tpu.dma_semaphore, #tpu.memory_space<semaphore_mem>>) src(%dma_wait3A_73 : memref<802816x8xf32, #tpu.memory_space<hbm>>) dst(%arg13 : memref<2048x8xf32, #tpu.memory_space<vmem>>)
      %eq3A_74 = arith.constant 6249 : i32
      %eq3A_75 = arith.cmpi eq, %add3A_53, %eq3A_74 : i32
      %ge3A_76 = arith.constant 6250 : i32
      %ge3A_77 = arith.cmpi sge, %add3A_53, %ge3A_76 : i32
      %get3A_78 = arith.constant 0 : index
      %get3A_79 = tpu.vector_load %arg10[%get3A_78] {strides = array<i32>} : memref<2048xi32, #tpu.memory_space<vmem>>, vector<16xi32>,
      %reduce_min3A_80 = arith.constant true
      %reduce_min3A_81 = vector.broadcast %reduce_min3A_80 : i1 to vector<16xi1>
      %reduce_min3A_82 = arith.constant -2147483648 : i32
      %reduce_min3A_83 = vector.broadcast %reduce_min3A_82 : i32 to vector<16xi32>
      %reduce_min3A_84 = arith.xori %get3A_79, %reduce_min3A_83 : vector<16xi32>
      %reduce_min3A_85 = tpu.scan <min>, %reduce_min3A_84 masked %reduce_min3A_81 : vector<16xi32>, vector<16xi1> -> vector<16xi32>
      %reduce_min3A_86 = arith.xori %reduce_min3A_85, %reduce_min3A_83 : vector<16xi32>
      %reduce_min3A_87 = vector.extract %reduce_min3A_86[15] : i32 from vector<16xi32>
      %and3A_88 = arith.constant -8 : i32
      %and3A_89 = arith.andi %reduce_min3A_87, %and3A_88 : i32
      %scan3A_90 = arith.constant 0 : i32
      %scan3A_91 = arith.constant 128 : i32
      %scan3A_92 = arith.addi %scan3A_90, %scan3A_91 : i32
      %scan3A_93 = arith.constant 4 : i32
      scf.for %scan3A_146 = %scan3A_90 to %scan3A_92 step %scan3A_93  : i32 {
        %mul3A_147 = arith.constant 1 : i32
        %mul3A_148 = arith.muli %scan3A_146, %mul3A_147 : i32
        %add3A_149 = arith.constant 0 : i32
        %add3A_150 = arith.addi %add3A_149, %mul3A_148 : i32
        %mul3A_151 = arith.constant 16 : i32
        %mul3A_152 = arith.muli %add3A_150, %mul3A_151 : i32
        %iota3A = tpu.iota {dimensions = array<i32: 0>} : vector<16xi32>
        %add3A_153 = vector.broadcast %mul3A_152 : i32 to vector<16xi32>
        %add3A_154 = arith.addi %add3A_153, %iota3A : vector<16xi32>
        %mul3A_155 = arith.constant 16 : i32
        %mul3A_156 = arith.muli %add3A_150, %mul3A_155 : i32
        %get3A_157 = arith.index_cast %mul3A_156 : i32 to index
        %get3A_158 = tpu.vector_load %arg10[%get3A_157] {strides = array<i32>} : memref<2048xi32, #tpu.memory_space<vmem>>, vector<16xi32>,
        %sub3A = vector.broadcast %and3A_89 : i32 to vector<16xi32>
        %sub3A_159 = arith.subi %get3A_158, %sub3A : vector<16xi32>
        %broadcast_in_dim3A = arith.constant 0 : i32
        %broadcast_in_dim3A_160 = vector.broadcast %broadcast_in_dim3A : i32 to vector<16xi32>
        %gather3A = tpu.vector_load_idx %arg12[%sub3A_159, %broadcast_in_dim3A_160] : memref<256x8xf32, #tpu.memory_space<vmem>>[vector<16xi32>, vector<16xi32>], vector<16xf32>,
        %broadcast_in_dim3A_161 = arith.constant 1 : i32
        %broadcast_in_dim3A_162 = vector.broadcast %broadcast_in_dim3A_161 : i32 to vector<16xi32>
        %gather3A_163 = tpu.vector_load_idx %arg12[%sub3A_159, %broadcast_in_dim3A_162] : memref<256x8xf32, #tpu.memory_space<vmem>>[vector<16xi32>, vector<16xi32>], vector<16xf32>,
        %broadcast_in_dim3A_164 = arith.constant 2 : i32
        %broadcast_in_dim3A_165 = vector.broadcast %broadcast_in_dim3A_164 : i32 to vector<16xi32>
        %gather3A_166 = tpu.vector_load_idx %arg12[%sub3A_159, %broadcast_in_dim3A_165] : memref<256x8xf32, #tpu.memory_space<vmem>>[vector<16xi32>, vector<16xi32>], vector<16xf32>,
        %broadcast_in_dim3A_167 = arith.constant 3 : i32
        %broadcast_in_dim3A_168 = vector.broadcast %broadcast_in_dim3A_167 : i32 to vector<16xi32>
        %gather3A_169 = tpu.vector_load_idx %arg12[%sub3A_159, %broadcast_in_dim3A_168] : memref<256x8xf32, #tpu.memory_space<vmem>>[vector<16xi32>, vector<16xi32>], vector<16xf32>,
        %broadcast_in_dim3A_170 = arith.constant 0 : i32
        %broadcast_in_dim3A_171 = vector.broadcast %broadcast_in_dim3A_170 : i32 to vector<16xi32>
        %gather3A_172 = tpu.vector_load_idx %arg13[%add3A_154, %broadcast_in_dim3A_171] : memref<2048x8xf32, #tpu.memory_space<vmem>>[vector<16xi32>, vector<16xi32>], vector<16xf32>,
        %broadcast_in_dim3A_173 = arith.constant 1 : i32
        %broadcast_in_dim3A_174 = vector.broadcast %broadcast_in_dim3A_173 : i32 to vector<16xi32>
        %gather3A_175 = tpu.vector_load_idx %arg13[%add3A_154, %broadcast_in_dim3A_174] : memref<2048x8xf32, #tpu.memory_space<vmem>>[vector<16xi32>, vector<16xi32>], vector<16xf32>,
        %broadcast_in_dim3A_176 = arith.constant 2 : i32
        %broadcast_in_dim3A_177 = vector.broadcast %broadcast_in_dim3A_176 : i32 to vector<16xi32>
        %gather3A_178 = tpu.vector_load_idx %arg13[%add3A_154, %broadcast_in_dim3A_177] : memref<2048x8xf32, #tpu.memory_space<vmem>>[vector<16xi32>, vector<16xi32>], vector<16xf32>,
        %broadcast_in_dim3A_179 = arith.constant 3 : i32
        %broadcast_in_dim3A_180 = vector.broadcast %broadcast_in_dim3A_179 : i32 to vector<16xi32>
        %gather3A_181 = tpu.vector_load_idx %arg13[%add3A_154, %broadcast_in_dim3A_180] : memref<2048x8xf32, #tpu.memory_space<vmem>>[vector<16xi32>, vector<16xi32>], vector<16xf32>,
        %mul3A_182 = arith.mulf %gather3A, %gather3A_172 : vector<16xf32>
        %mul3A_183 = arith.mulf %gather3A_163, %gather3A_175 : vector<16xf32>
        %add3A_184 = arith.addf %mul3A_182, %mul3A_183 : vector<16xf32>
        %mul3A_185 = arith.mulf %gather3A_166, %gather3A_178 : vector<16xf32>
        %add3A_186 = arith.addf %add3A_184, %mul3A_185 : vector<16xf32>
        %neg3A = arith.constant 0.000000e+00 : f32
        %neg3A_187 = vector.broadcast %neg3A : f32 to vector<16xf32>
        %neg3A_188 = arith.subf %neg3A_187, %add3A_186 : vector<16xf32>
        %max3A = arith.constant -1.000000e+00 : f32
        %max3A_189 = vector.broadcast %max3A : f32 to vector<16xf32>
        %max3A_190 = arith.maximumf %neg3A_188, %max3A_189 : vector<16xf32>
        %min3A = arith.constant 1.000000e+00 : f32
        %min3A_191 = vector.broadcast %min3A : f32 to vector<16xf32>
        %min3A_192 = arith.minimumf %max3A_190, %min3A_191 : vector<16xf32>
        %add3A_193 = arith.constant 1.000000e+00 : f32
        %add3A_194 = vector.broadcast %add3A_193 : f32 to vector<16xf32>
        %add3A_195 = arith.addf %min3A_192, %add3A_194 : vector<16xf32>
        %mul3A_196 = arith.constant 3.000000e+00 : f32
        %mul3A_197 = vector.broadcast %mul3A_196 : f32 to vector<16xf32>
        %mul3A_198 = arith.mulf %add3A_195, %mul3A_197 : vector<16xf32>
        %convert_element_type3A_199 = arith.fptosi %mul3A_198 : vector<16xf32> to vector<16xi32>
        %min3A_200 = arith.constant 5 : i32
        %min3A_201 = vector.broadcast %min3A_200 : i32 to vector<16xi32>
        %min3A_202 = arith.minsi %convert_element_type3A_199, %min3A_201 : vector<16xi32>
        %convert_element_type3A_203 = arith.sitofp %min3A_202 : vector<16xi32> to vector<16xf32>
        %mul3A_204 = arith.constant 0.333333343 : f32
        %mul3A_205 = vector.broadcast %mul3A_204 : f32 to vector<16xf32>
        %mul3A_206 = arith.mulf %convert_element_type3A_203, %mul3A_205 : vector<16xf32>
        %sub3A_207 = arith.constant 1.000000e+00 : f32
        %sub3A_208 = vector.broadcast %sub3A_207 : f32 to vector<16xf32>
        %sub3A_209 = arith.subf %mul3A_206, %sub3A_208 : vector<16xf32>
        %sub3A_210 = arith.subf %min3A_192, %sub3A_209 : vector<16xf32>
        %gather3A_211 = tpu.vector_load_idx %arg24[%min3A_202] : memref<32xf32, #tpu.memory_space<vmem>>[vector<16xi32>], vector<16xf32>,
        %add3A_212 = arith.constant 8 : i32
        %add3A_213 = vector.broadcast %add3A_212 : i32 to vector<16xi32>
        %add3A_214 = arith.addi %min3A_202, %add3A_213 : vector<16xi32>
        %gather3A_215 = tpu.vector_load_idx %arg24[%add3A_214] : memref<32xf32, #tpu.memory_space<vmem>>[vector<16xi32>], vector<16xf32>,
        %add3A_216 = arith.constant 16 : i32
        %add3A_217 = vector.broadcast %add3A_216 : i32 to vector<16xi32>
        %add3A_218 = arith.addi %min3A_202, %add3A_217 : vector<16xi32>
        %gather3A_219 = tpu.vector_load_idx %arg24[%add3A_218] : memref<32xf32, #tpu.memory_space<vmem>>[vector<16xi32>], vector<16xf32>,
        %add3A_220 = arith.constant 24 : i32
        %add3A_221 = vector.broadcast %add3A_220 : i32 to vector<16xi32>
        %add3A_222 = arith.addi %min3A_202, %add3A_221 : vector<16xi32>
        %gather3A_223 = tpu.vector_load_idx %arg24[%add3A_222] : memref<32xf32, #tpu.memory_space<vmem>>[vector<16xi32>], vector<16xf32>,
        %mul3A_224 = arith.mulf %sub3A_210, %gather3A_223 : vector<16xf32>
        %add3A_225 = arith.addf %gather3A_219, %mul3A_224 : vector<16xf32>
        %mul3A_226 = arith.mulf %sub3A_210, %add3A_225 : vector<16xf32>
        %add3A_227 = arith.addf %gather3A_215, %mul3A_226 : vector<16xf32>
        %mul3A_228 = arith.mulf %sub3A_210, %add3A_227 : vector<16xf32>
        %add3A_229 = arith.addf %gather3A_211, %mul3A_228 : vector<16xf32>
        %mul3A_230 = arith.mulf %gather3A_169, %gather3A_181 : vector<16xf32>
        %mul3A_231 = arith.mulf %mul3A_230, %add3A_229 : vector<16xf32>
        %lt3A_232 = arith.constant 550 : i32
        %lt3A_233 = vector.broadcast %lt3A_232 : i32 to vector<16xi32>
        %lt3A_234 = arith.cmpi slt, %add3A_154, %lt3A_233 : vector<16xi32>
        %and3A_235 = vector.broadcast %eq3A_75 : i1 to vector<16xi1>
        %and3A_236 = arith.andi %and3A_235, %lt3A_234 : vector<16xi1>
        %or3A = vector.broadcast %ge3A_77 : i1 to vector<16xi1>
        %or3A_237 = arith.ori %and3A_236, %or3A : vector<16xi1>
        %jit3A_238 = arith.constant 0.000000e+00 : f32
        %broadcast_in_dim3A_239 = vector.broadcast %jit3A_238 : f32 to vector<16xf32>
        %select_n3A_240 = arith.select %or3A_237, %broadcast_in_dim3A_239, %mul3A_231 : vector<16xi1>, vector<16xf32>
        %mul3A_241 = arith.constant 16 : i32
        %mul3A_242 = arith.muli %add3A_150, %mul3A_241 : i32
        %swap3A = arith.index_cast %mul3A_242 : i32 to index
        %swap3A_243 = tpu.vector_load %arg14[%swap3A] {strides = array<i32>} : memref<2048xf32, #tpu.memory_space<vmem>>, vector<16xf32>,
        tpu.vector_store %arg14[%swap3A], %select_n3A_240 {strides = array<i32>} : memref<2048xf32, #tpu.memory_space<vmem>>, vector<16xf32>,
        %scan3A_244 = arith.constant 1 : i32
        %scan3A_245 = arith.addi %scan3A_146, %scan3A_244 : i32
        %mul3A_246 = arith.constant 1 : i32
        %mul3A_247 = arith.muli %scan3A_245, %mul3A_246 : i32
        %add3A_248 = arith.constant 0 : i32
        %add3A_249 = arith.addi %add3A_248, %mul3A_247 : i32
        %mul3A_250 = arith.constant 16 : i32
        %mul3A_251 = arith.muli %add3A_249, %mul3A_250 : i32
        %iota3A_252 = tpu.iota {dimensions = array<i32: 0>} : vector<16xi32>
        %add3A_253 = vector.broadcast %mul3A_251 : i32 to vector<16xi32>
        %add3A_254 = arith.addi %add3A_253, %iota3A_252 : vector<16xi32>
        %mul3A_255 = arith.constant 16 : i32
        %mul3A_256 = arith.muli %add3A_249, %mul3A_255 : i32
        %get3A_257 = arith.index_cast %mul3A_256 : i32 to index
        %get3A_258 = tpu.vector_load %arg10[%get3A_257] {strides = array<i32>} : memref<2048xi32, #tpu.memory_space<vmem>>, vector<16xi32>,
        %sub3A_259 = vector.broadcast %and3A_89 : i32 to vector<16xi32>
        %sub3A_260 = arith.subi %get3A_258, %sub3A_259 : vector<16xi32>
        %broadcast_in_dim3A_261 = arith.constant 0 : i32
        %broadcast_in_dim3A_262 = vector.broadcast %broadcast_in_dim3A_261 : i32 to vector<16xi32>
        %gather3A_263 = tpu.vector_load_idx %arg12[%sub3A_260, %broadcast_in_dim3A_262] : memref<256x8xf32, #tpu.memory_space<vmem>>[vector<16xi32>, vector<16xi32>], vector<16xf32>,
        %broadcast_in_dim3A_264 = arith.constant 1 : i32
        %broadcast_in_dim3A_265 = vector.broadcast %broadcast_in_dim3A_264 : i32 to vector<16xi32>
        %gather3A_266 = tpu.vector_load_idx %arg12[%sub3A_260, %broadcast_in_dim3A_265] : memref<256x8xf32, #tpu.memory_space<vmem>>[vector<16xi32>, vector<16xi32>], vector<16xf32>,
        %broadcast_in_dim3A_267 = arith.constant 2 : i32
        %broadcast_in_dim3A_268 = vector.broadcast %broadcast_in_dim3A_267 : i32 to vector<16xi32>
        %gather3A_269 = tpu.vector_load_idx %arg12[%sub3A_260, %broadcast_in_dim3A_268] : memref<256x8xf32, #tpu.memory_space<vmem>>[vector<16xi32>, vector<16xi32>], vector<16xf32>,
        %broadcast_in_dim3A_270 = arith.constant 3 : i32
        %broadcast_in_dim3A_271 = vector.broadcast %broadcast_in_dim3A_270 : i32 to vector<16xi32>
        %gather3A_272 = tpu.vector_load_idx %arg12[%sub3A_260, %broadcast_in_dim3A_271] : memref<256x8xf32, #tpu.memory_space<vmem>>[vector<16xi32>, vector<16xi32>], vector<16xf32>,
        %broadcast_in_dim3A_273 = arith.constant 0 : i32
        %broadcast_in_dim3A_274 = vector.broadcast %broadcast_in_dim3A_273 : i32 to vector<16xi32>
        %gather3A_275 = tpu.vector_load_idx %arg13[%add3A_254, %broadcast_in_dim3A_274] : memref<2048x8xf32, #tpu.memory_space<vmem>>[vector<16xi32>, vector<16xi32>], vector<16xf32>,
        %broadcast_in_dim3A_276 = arith.constant 1 : i32
        %broadcast_in_dim3A_277 = vector.broadcast %broadcast_in_dim3A_276 : i32 to vector<16xi32>
        %gather3A_278 = tpu.vector_load_idx %arg13[%add3A_254, %broadcast_in_dim3A_277] : memref<2048x8xf32, #tpu.memory_space<vmem>>[vector<16xi32>, vector<16xi32>], vector<16xf32>,
        %broadcast_in_dim3A_279 = arith.constant 2 : i32
        %broadcast_in_dim3A_280 = vector.broadcast %broadcast_in_dim3A_279 : i32 to vector<16xi32>
        %gather3A_281 = tpu.vector_load_idx %arg13[%add3A_254, %broadcast_in_dim3A_280] : memref<2048x8xf32, #tpu.memory_space<vmem>>[vector<16xi32>, vector<16xi32>], vector<16xf32>,
        %broadcast_in_dim3A_282 = arith.constant 3 : i32
        %broadcast_in_dim3A_283 = vector.broadcast %broadcast_in_dim3A_282 : i32 to vector<16xi32>
        %gather3A_284 = tpu.vector_load_idx %arg13[%add3A_254, %broadcast_in_dim3A_283] : memref<2048x8xf32, #tpu.memory_space<vmem>>[vector<16xi32>, vector<16xi32>], vector<16xf32>,
        %mul3A_285 = arith.mulf %gather3A_263, %gather3A_275 : vector<16xf32>
        %mul3A_286 = arith.mulf %gather3A_266, %gather3A_278 : vector<16xf32>
        %add3A_287 = arith.addf %mul3A_285, %mul3A_286 : vector<16xf32>
        %mul3A_288 = arith.mulf %gather3A_269, %gather3A_281 : vector<16xf32>
        %add3A_289 = arith.addf %add3A_287, %mul3A_288 : vector<16xf32>
        %neg3A_290 = arith.constant 0.000000e+00 : f32
        %neg3A_291 = vector.broadcast %neg3A_290 : f32 to vector<16xf32>
        %neg3A_292 = arith.subf %neg3A_291, %add3A_289 : vector<16xf32>
        %max3A_293 = arith.constant -1.000000e+00 : f32
        %max3A_294 = vector.broadcast %max3A_293 : f32 to vector<16xf32>
        %max3A_295 = arith.maximumf %neg3A_292, %max3A_294 : vector<16xf32>
        %min3A_296 = arith.constant 1.000000e+00 : f32
        %min3A_297 = vector.broadcast %min3A_296 : f32 to vector<16xf32>
        %min3A_298 = arith.minimumf %max3A_295, %min3A_297 : vector<16xf32>
        %add3A_299 = arith.constant 1.000000e+00 : f32
        %add3A_300 = vector.broadcast %add3A_299 : f32 to vector<16xf32>
        %add3A_301 = arith.addf %min3A_298, %add3A_300 : vector<16xf32>
        %mul3A_302 = arith.constant 3.000000e+00 : f32
        %mul3A_303 = vector.broadcast %mul3A_302 : f32 to vector<16xf32>
        %mul3A_304 = arith.mulf %add3A_301, %mul3A_303 : vector<16xf32>
        %convert_element_type3A_305 = arith.fptosi %mul3A_304 : vector<16xf32> to vector<16xi32>
        %min3A_306 = arith.constant 5 : i32
        %min3A_307 = vector.broadcast %min3A_306 : i32 to vector<16xi32>
        %min3A_308 = arith.minsi %convert_element_type3A_305, %min3A_307 : vector<16xi32>
        %convert_element_type3A_309 = arith.sitofp %min3A_308 : vector<16xi32> to vector<16xf32>
        %mul3A_310 = arith.constant 0.333333343 : f32
        %mul3A_311 = vector.broadcast %mul3A_310 : f32 to vector<16xf32>
        %mul3A_312 = arith.mulf %convert_element_type3A_309, %mul3A_311 : vector<16xf32>
        %sub3A_313 = arith.constant 1.000000e+00 : f32
        %sub3A_314 = vector.broadcast %sub3A_313 : f32 to vector<16xf32>
        %sub3A_315 = arith.subf %mul3A_312, %sub3A_314 : vector<16xf32>
        %sub3A_316 = arith.subf %min3A_298, %sub3A_315 : vector<16xf32>
        %gather3A_317 = tpu.vector_load_idx %arg24[%min3A_308] : memref<32xf32, #tpu.memory_space<vmem>>[vector<16xi32>], vector<16xf32>,
        %add3A_318 = arith.constant 8 : i32
        %add3A_319 = vector.broadcast %add3A_318 : i32 to vector<16xi32>
        %add3A_320 = arith.addi %min3A_308, %add3A_319 : vector<16xi32>
        %gather3A_321 = tpu.vector_load_idx %arg24[%add3A_320] : memref<32xf32, #tpu.memory_space<vmem>>[vector<16xi32>], vector<16xf32>,
        %add3A_322 = arith.constant 16 : i32
        %add3A_323 = vector.broadcast %add3A_322 : i32 to vector<16xi32>
        %add3A_324 = arith.addi %min3A_308, %add3A_323 : vector<16xi32>
        %gather3A_325 = tpu.vector_load_idx %arg24[%add3A_324] : memref<32xf32, #tpu.memory_space<vmem>>[vector<16xi32>], vector<16xf32>,
        %add3A_326 = arith.constant 24 : i32
        %add3A_327 = vector.broadcast %add3A_326 : i32 to vector<16xi32>
        %add3A_328 = arith.addi %min3A_308, %add3A_327 : vector<16xi32>
        %gather3A_329 = tpu.vector_load_idx %arg24[%add3A_328] : memref<32xf32, #tpu.memory_space<vmem>>[vector<16xi32>], vector<16xf32>,
        %mul3A_330 = arith.mulf %sub3A_316, %gather3A_329 : vector<16xf32>
        %add3A_331 = arith.addf %gather3A_325, %mul3A_330 : vector<16xf32>
        %mul3A_332 = arith.mulf %sub3A_316, %add3A_331 : vector<16xf32>
        %add3A_333 = arith.addf %gather3A_321, %mul3A_332 : vector<16xf32>
        %mul3A_334 = arith.mulf %sub3A_316, %add3A_333 : vector<16xf32>
        %add3A_335 = arith.addf %gather3A_317, %mul3A_334 : vector<16xf32>
        %mul3A_336 = arith.mulf %gather3A_272, %gather3A_284 : vector<16xf32>
        %mul3A_337 = arith.mulf %mul3A_336, %add3A_335 : vector<16xf32>
        %lt3A_338 = arith.constant 550 : i32
        %lt3A_339 = vector.broadcast %lt3A_338 : i32 to vector<16xi32>
        %lt3A_340 = arith.cmpi slt, %add3A_254, %lt3A_339 : vector<16xi32>
        %and3A_341 = vector.broadcast %eq3A_75 : i1 to vector<16xi1>
        %and3A_342 = arith.andi %and3A_341, %lt3A_340 : vector<16xi1>
        %or3A_343 = vector.broadcast %ge3A_77 : i1 to vector<16xi1>
        %or3A_344 = arith.ori %and3A_342, %or3A_343 : vector<16xi1>
        %jit3A_345 = arith.constant 0.000000e+00 : f32
        %broadcast_in_dim3A_346 = vector.broadcast %jit3A_345 : f32 to vector<16xf32>
        %select_n3A_347 = arith.select %or3A_344, %broadcast_in_dim3A_346, %mul3A_337 : vector<16xi1>, vector<16xf32>
        %mul3A_348 = arith.constant 16 : i32
        %mul3A_349 = arith.muli %add3A_249, %mul3A_348 : i32
        %swap3A_350 = arith.index_cast %mul3A_349 : i32 to index
        %swap3A_351 = tpu.vector_load %arg14[%swap3A_350] {strides = array<i32>} : memref<2048xf32, #tpu.memory_space<vmem>>, vector<16xf32>,
        tpu.vector_store %arg14[%swap3A_350], %select_n3A_347 {strides = array<i32>} : memref<2048xf32, #tpu.memory_space<vmem>>, vector<16xf32>,
        %scan3A_352 = arith.constant 2 : i32
        %scan3A_353 = arith.addi %scan3A_146, %scan3A_352 : i32
        %mul3A_354 = arith.constant 1 : i32
        %mul3A_355 = arith.muli %scan3A_353, %mul3A_354 : i32
        %add3A_356 = arith.constant 0 : i32
        %add3A_357 = arith.addi %add3A_356, %mul3A_355 : i32
        %mul3A_358 = arith.constant 16 : i32
        %mul3A_359 = arith.muli %add3A_357, %mul3A_358 : i32
        %iota3A_360 = tpu.iota {dimensions = array<i32: 0>} : vector<16xi32>
        %add3A_361 = vector.broadcast %mul3A_359 : i32 to vector<16xi32>
        %add3A_362 = arith.addi %add3A_361, %iota3A_360 : vector<16xi32>
        %mul3A_363 = arith.constant 16 : i32
        %mul3A_364 = arith.muli %add3A_357, %mul3A_363 : i32
        %get3A_365 = arith.index_cast %mul3A_364 : i32 to index
        %get3A_366 = tpu.vector_load %arg10[%get3A_365] {strides = array<i32>} : memref<2048xi32, #tpu.memory_space<vmem>>, vector<16xi32>,
        %sub3A_367 = vector.broadcast %and3A_89 : i32 to vector<16xi32>
        %sub3A_368 = arith.subi %get3A_366, %sub3A_367 : vector<16xi32>
        %broadcast_in_dim3A_369 = arith.constant 0 : i32
        %broadcast_in_dim3A_370 = vector.broadcast %broadcast_in_dim3A_369 : i32 to vector<16xi32>
        %gather3A_371 = tpu.vector_load_idx %arg12[%sub3A_368, %broadcast_in_dim3A_370] : memref<256x8xf32, #tpu.memory_space<vmem>>[vector<16xi32>, vector<16xi32>], vector<16xf32>,
        %broadcast_in_dim3A_372 = arith.constant 1 : i32
        %broadcast_in_dim3A_373 = vector.broadcast %broadcast_in_dim3A_372 : i32 to vector<16xi32>
        %gather3A_374 = tpu.vector_load_idx %arg12[%sub3A_368, %broadcast_in_dim3A_373] : memref<256x8xf32, #tpu.memory_space<vmem>>[vector<16xi32>, vector<16xi32>], vector<16xf32>,
        %broadcast_in_dim3A_375 = arith.constant 2 : i32
        %broadcast_in_dim3A_376 = vector.broadcast %broadcast_in_dim3A_375 : i32 to vector<16xi32>
        %gather3A_377 = tpu.vector_load_idx %arg12[%sub3A_368, %broadcast_in_dim3A_376] : memref<256x8xf32, #tpu.memory_space<vmem>>[vector<16xi32>, vector<16xi32>], vector<16xf32>,
        %broadcast_in_dim3A_378 = arith.constant 3 : i32
        %broadcast_in_dim3A_379 = vector.broadcast %broadcast_in_dim3A_378 : i32 to vector<16xi32>
        %gather3A_380 = tpu.vector_load_idx %arg12[%sub3A_368, %broadcast_in_dim3A_379] : memref<256x8xf32, #tpu.memory_space<vmem>>[vector<16xi32>, vector<16xi32>], vector<16xf32>,
        %broadcast_in_dim3A_381 = arith.constant 0 : i32
        %broadcast_in_dim3A_382 = vector.broadcast %broadcast_in_dim3A_381 : i32 to vector<16xi32>
        %gather3A_383 = tpu.vector_load_idx %arg13[%add3A_362, %broadcast_in_dim3A_382] : memref<2048x8xf32, #tpu.memory_space<vmem>>[vector<16xi32>, vector<16xi32>], vector<16xf32>,
        %broadcast_in_dim3A_384 = arith.constant 1 : i32
        %broadcast_in_dim3A_385 = vector.broadcast %broadcast_in_dim3A_384 : i32 to vector<16xi32>
        %gather3A_386 = tpu.vector_load_idx %arg13[%add3A_362, %broadcast_in_dim3A_385] : memref<2048x8xf32, #tpu.memory_space<vmem>>[vector<16xi32>, vector<16xi32>], vector<16xf32>,
        %broadcast_in_dim3A_387 = arith.constant 2 : i32
        %broadcast_in_dim3A_388 = vector.broadcast %broadcast_in_dim3A_387 : i32 to vector<16xi32>
        %gather3A_389 = tpu.vector_load_idx %arg13[%add3A_362, %broadcast_in_dim3A_388] : memref<2048x8xf32, #tpu.memory_space<vmem>>[vector<16xi32>, vector<16xi32>], vector<16xf32>,
        %broadcast_in_dim3A_390 = arith.constant 3 : i32
        %broadcast_in_dim3A_391 = vector.broadcast %broadcast_in_dim3A_390 : i32 to vector<16xi32>
        %gather3A_392 = tpu.vector_load_idx %arg13[%add3A_362, %broadcast_in_dim3A_391] : memref<2048x8xf32, #tpu.memory_space<vmem>>[vector<16xi32>, vector<16xi32>], vector<16xf32>,
        %mul3A_393 = arith.mulf %gather3A_371, %gather3A_383 : vector<16xf32>
        %mul3A_394 = arith.mulf %gather3A_374, %gather3A_386 : vector<16xf32>
        %add3A_395 = arith.addf %mul3A_393, %mul3A_394 : vector<16xf32>
        %mul3A_396 = arith.mulf %gather3A_377, %gather3A_389 : vector<16xf32>
        %add3A_397 = arith.addf %add3A_395, %mul3A_396 : vector<16xf32>
        %neg3A_398 = arith.constant 0.000000e+00 : f32
        %neg3A_399 = vector.broadcast %neg3A_398 : f32 to vector<16xf32>
        %neg3A_400 = arith.subf %neg3A_399, %add3A_397 : vector<16xf32>
        %max3A_401 = arith.constant -1.000000e+00 : f32
        %max3A_402 = vector.broadcast %max3A_401 : f32 to vector<16xf32>
        %max3A_403 = arith.maximumf %neg3A_400, %max3A_402 : vector<16xf32>
        %min3A_404 = arith.constant 1.000000e+00 : f32
        %min3A_405 = vector.broadcast %min3A_404 : f32 to vector<16xf32>
        %min3A_406 = arith.minimumf %max3A_403, %min3A_405 : vector<16xf32>
        %add3A_407 = arith.constant 1.000000e+00 : f32
        %add3A_408 = vector.broadcast %add3A_407 : f32 to vector<16xf32>
        %add3A_409 = arith.addf %min3A_406, %add3A_408 : vector<16xf32>
        %mul3A_410 = arith.constant 3.000000e+00 : f32
        %mul3A_411 = vector.broadcast %mul3A_410 : f32 to vector<16xf32>
        %mul3A_412 = arith.mulf %add3A_409, %mul3A_411 : vector<16xf32>
        %convert_element_type3A_413 = arith.fptosi %mul3A_412 : vector<16xf32> to vector<16xi32>
        %min3A_414 = arith.constant 5 : i32
        %min3A_415 = vector.broadcast %min3A_414 : i32 to vector<16xi32>
        %min3A_416 = arith.minsi %convert_element_type3A_413, %min3A_415 : vector<16xi32>
        %convert_element_type3A_417 = arith.sitofp %min3A_416 : vector<16xi32> to vector<16xf32>
        %mul3A_418 = arith.constant 0.333333343 : f32
        %mul3A_419 = vector.broadcast %mul3A_418 : f32 to vector<16xf32>
        %mul3A_420 = arith.mulf %convert_element_type3A_417, %mul3A_419 : vector<16xf32>
        %sub3A_421 = arith.constant 1.000000e+00 : f32
        %sub3A_422 = vector.broadcast %sub3A_421 : f32 to vector<16xf32>
        %sub3A_423 = arith.subf %mul3A_420, %sub3A_422 : vector<16xf32>
        %sub3A_424 = arith.subf %min3A_406, %sub3A_423 : vector<16xf32>
        %gather3A_425 = tpu.vector_load_idx %arg24[%min3A_416] : memref<32xf32, #tpu.memory_space<vmem>>[vector<16xi32>], vector<16xf32>,
        %add3A_426 = arith.constant 8 : i32
        %add3A_427 = vector.broadcast %add3A_426 : i32 to vector<16xi32>
        %add3A_428 = arith.addi %min3A_416, %add3A_427 : vector<16xi32>
        %gather3A_429 = tpu.vector_load_idx %arg24[%add3A_428] : memref<32xf32, #tpu.memory_space<vmem>>[vector<16xi32>], vector<16xf32>,
        %add3A_430 = arith.constant 16 : i32
        %add3A_431 = vector.broadcast %add3A_430 : i32 to vector<16xi32>
        %add3A_432 = arith.addi %min3A_416, %add3A_431 : vector<16xi32>
        %gather3A_433 = tpu.vector_load_idx %arg24[%add3A_432] : memref<32xf32, #tpu.memory_space<vmem>>[vector<16xi32>], vector<16xf32>,
        %add3A_434 = arith.constant 24 : i32
        %add3A_435 = vector.broadcast %add3A_434 : i32 to vector<16xi32>
        %add3A_436 = arith.addi %min3A_416, %add3A_435 : vector<16xi32>
        %gather3A_437 = tpu.vector_load_idx %arg24[%add3A_436] : memref<32xf32, #tpu.memory_space<vmem>>[vector<16xi32>], vector<16xf32>,
        %mul3A_438 = arith.mulf %sub3A_424, %gather3A_437 : vector<16xf32>
        %add3A_439 = arith.addf %gather3A_433, %mul3A_438 : vector<16xf32>
        %mul3A_440 = arith.mulf %sub3A_424, %add3A_439 : vector<16xf32>
        %add3A_441 = arith.addf %gather3A_429, %mul3A_440 : vector<16xf32>
        %mul3A_442 = arith.mulf %sub3A_424, %add3A_441 : vector<16xf32>
        %add3A_443 = arith.addf %gather3A_425, %mul3A_442 : vector<16xf32>
        %mul3A_444 = arith.mulf %gather3A_380, %gather3A_392 : vector<16xf32>
        %mul3A_445 = arith.mulf %mul3A_444, %add3A_443 : vector<16xf32>
        %lt3A_446 = arith.constant 550 : i32
        %lt3A_447 = vector.broadcast %lt3A_446 : i32 to vector<16xi32>
        %lt3A_448 = arith.cmpi slt, %add3A_362, %lt3A_447 : vector<16xi32>
        %and3A_449 = vector.broadcast %eq3A_75 : i1 to vector<16xi1>
        %and3A_450 = arith.andi %and3A_449, %lt3A_448 : vector<16xi1>
        %or3A_451 = vector.broadcast %ge3A_77 : i1 to vector<16xi1>
        %or3A_452 = arith.ori %and3A_450, %or3A_451 : vector<16xi1>
        %jit3A_453 = arith.constant 0.000000e+00 : f32
        %broadcast_in_dim3A_454 = vector.broadcast %jit3A_453 : f32 to vector<16xf32>
        %select_n3A_455 = arith.select %or3A_452, %broadcast_in_dim3A_454, %mul3A_445 : vector<16xi1>, vector<16xf32>
        %mul3A_456 = arith.constant 16 : i32
        %mul3A_457 = arith.muli %add3A_357, %mul3A_456 : i32
        %swap3A_458 = arith.index_cast %mul3A_457 : i32 to index
        %swap3A_459 = tpu.vector_load %arg14[%swap3A_458] {strides = array<i32>} : memref<2048xf32, #tpu.memory_space<vmem>>, vector<16xf32>,
        tpu.vector_store %arg14[%swap3A_458], %select_n3A_455 {strides = array<i32>} : memref<2048xf32, #tpu.memory_space<vmem>>, vector<16xf32>,
        %scan3A_460 = arith.constant 3 : i32
        %scan3A_461 = arith.addi %scan3A_146, %scan3A_460 : i32
        %mul3A_462 = arith.constant 1 : i32
        %mul3A_463 = arith.muli %scan3A_461, %mul3A_462 : i32
        %add3A_464 = arith.constant 0 : i32
        %add3A_465 = arith.addi %add3A_464, %mul3A_463 : i32
        %mul3A_466 = arith.constant 16 : i32
        %mul3A_467 = arith.muli %add3A_465, %mul3A_466 : i32
        %iota3A_468 = tpu.iota {dimensions = array<i32: 0>} : vector<16xi32>
        %add3A_469 = vector.broadcast %mul3A_467 : i32 to vector<16xi32>
        %add3A_470 = arith.addi %add3A_469, %iota3A_468 : vector<16xi32>
        %mul3A_471 = arith.constant 16 : i32
        %mul3A_472 = arith.muli %add3A_465, %mul3A_471 : i32
        %get3A_473 = arith.index_cast %mul3A_472 : i32 to index
        %get3A_474 = tpu.vector_load %arg10[%get3A_473] {strides = array<i32>} : memref<2048xi32, #tpu.memory_space<vmem>>, vector<16xi32>,
        %sub3A_475 = vector.broadcast %and3A_89 : i32 to vector<16xi32>
        %sub3A_476 = arith.subi %get3A_474, %sub3A_475 : vector<16xi32>
        %broadcast_in_dim3A_477 = arith.constant 0 : i32
        %broadcast_in_dim3A_478 = vector.broadcast %broadcast_in_dim3A_477 : i32 to vector<16xi32>
        %gather3A_479 = tpu.vector_load_idx %arg12[%sub3A_476, %broadcast_in_dim3A_478] : memref<256x8xf32, #tpu.memory_space<vmem>>[vector<16xi32>, vector<16xi32>], vector<16xf32>,
        %broadcast_in_dim3A_480 = arith.constant 1 : i32
        %broadcast_in_dim3A_481 = vector.broadcast %broadcast_in_dim3A_480 : i32 to vector<16xi32>
        %gather3A_482 = tpu.vector_load_idx %arg12[%sub3A_476, %broadcast_in_dim3A_481] : memref<256x8xf32, #tpu.memory_space<vmem>>[vector<16xi32>, vector<16xi32>], vector<16xf32>,
        %broadcast_in_dim3A_483 = arith.constant 2 : i32
        %broadcast_in_dim3A_484 = vector.broadcast %broadcast_in_dim3A_483 : i32 to vector<16xi32>
        %gather3A_485 = tpu.vector_load_idx %arg12[%sub3A_476, %broadcast_in_dim3A_484] : memref<256x8xf32, #tpu.memory_space<vmem>>[vector<16xi32>, vector<16xi32>], vector<16xf32>,
        %broadcast_in_dim3A_486 = arith.constant 3 : i32
        %broadcast_in_dim3A_487 = vector.broadcast %broadcast_in_dim3A_486 : i32 to vector<16xi32>
        %gather3A_488 = tpu.vector_load_idx %arg12[%sub3A_476, %broadcast_in_dim3A_487] : memref<256x8xf32, #tpu.memory_space<vmem>>[vector<16xi32>, vector<16xi32>], vector<16xf32>,
        %broadcast_in_dim3A_489 = arith.constant 0 : i32
        %broadcast_in_dim3A_490 = vector.broadcast %broadcast_in_dim3A_489 : i32 to vector<16xi32>
        %gather3A_491 = tpu.vector_load_idx %arg13[%add3A_470, %broadcast_in_dim3A_490] : memref<2048x8xf32, #tpu.memory_space<vmem>>[vector<16xi32>, vector<16xi32>], vector<16xf32>,
        %broadcast_in_dim3A_492 = arith.constant 1 : i32
        %broadcast_in_dim3A_493 = vector.broadcast %broadcast_in_dim3A_492 : i32 to vector<16xi32>
        %gather3A_494 = tpu.vector_load_idx %arg13[%add3A_470, %broadcast_in_dim3A_493] : memref<2048x8xf32, #tpu.memory_space<vmem>>[vector<16xi32>, vector<16xi32>], vector<16xf32>,
        %broadcast_in_dim3A_495 = arith.constant 2 : i32
        %broadcast_in_dim3A_496 = vector.broadcast %broadcast_in_dim3A_495 : i32 to vector<16xi32>
        %gather3A_497 = tpu.vector_load_idx %arg13[%add3A_470, %broadcast_in_dim3A_496] : memref<2048x8xf32, #tpu.memory_space<vmem>>[vector<16xi32>, vector<16xi32>], vector<16xf32>,
        %broadcast_in_dim3A_498 = arith.constant 3 : i32
        %broadcast_in_dim3A_499 = vector.broadcast %broadcast_in_dim3A_498 : i32 to vector<16xi32>
        %gather3A_500 = tpu.vector_load_idx %arg13[%add3A_470, %broadcast_in_dim3A_499] : memref<2048x8xf32, #tpu.memory_space<vmem>>[vector<16xi32>, vector<16xi32>], vector<16xf32>,
        %mul3A_501 = arith.mulf %gather3A_479, %gather3A_491 : vector<16xf32>
        %mul3A_502 = arith.mulf %gather3A_482, %gather3A_494 : vector<16xf32>
        %add3A_503 = arith.addf %mul3A_501, %mul3A_502 : vector<16xf32>
        %mul3A_504 = arith.mulf %gather3A_485, %gather3A_497 : vector<16xf32>
        %add3A_505 = arith.addf %add3A_503, %mul3A_504 : vector<16xf32>
        %neg3A_506 = arith.constant 0.000000e+00 : f32
        %neg3A_507 = vector.broadcast %neg3A_506 : f32 to vector<16xf32>
        %neg3A_508 = arith.subf %neg3A_507, %add3A_505 : vector<16xf32>
        %max3A_509 = arith.constant -1.000000e+00 : f32
        %max3A_510 = vector.broadcast %max3A_509 : f32 to vector<16xf32>
        %max3A_511 = arith.maximumf %neg3A_508, %max3A_510 : vector<16xf32>
        %min3A_512 = arith.constant 1.000000e+00 : f32
        %min3A_513 = vector.broadcast %min3A_512 : f32 to vector<16xf32>
        %min3A_514 = arith.minimumf %max3A_511, %min3A_513 : vector<16xf32>
        %add3A_515 = arith.constant 1.000000e+00 : f32
        %add3A_516 = vector.broadcast %add3A_515 : f32 to vector<16xf32>
        %add3A_517 = arith.addf %min3A_514, %add3A_516 : vector<16xf32>
        %mul3A_518 = arith.constant 3.000000e+00 : f32
        %mul3A_519 = vector.broadcast %mul3A_518 : f32 to vector<16xf32>
        %mul3A_520 = arith.mulf %add3A_517, %mul3A_519 : vector<16xf32>
        %convert_element_type3A_521 = arith.fptosi %mul3A_520 : vector<16xf32> to vector<16xi32>
        %min3A_522 = arith.constant 5 : i32
        %min3A_523 = vector.broadcast %min3A_522 : i32 to vector<16xi32>
        %min3A_524 = arith.minsi %convert_element_type3A_521, %min3A_523 : vector<16xi32>
        %convert_element_type3A_525 = arith.sitofp %min3A_524 : vector<16xi32> to vector<16xf32>
        %mul3A_526 = arith.constant 0.333333343 : f32
        %mul3A_527 = vector.broadcast %mul3A_526 : f32 to vector<16xf32>
        %mul3A_528 = arith.mulf %convert_element_type3A_525, %mul3A_527 : vector<16xf32>
        %sub3A_529 = arith.constant 1.000000e+00 : f32
        %sub3A_530 = vector.broadcast %sub3A_529 : f32 to vector<16xf32>
        %sub3A_531 = arith.subf %mul3A_528, %sub3A_530 : vector<16xf32>
        %sub3A_532 = arith.subf %min3A_514, %sub3A_531 : vector<16xf32>
        %gather3A_533 = tpu.vector_load_idx %arg24[%min3A_524] : memref<32xf32, #tpu.memory_space<vmem>>[vector<16xi32>], vector<16xf32>,
        %add3A_534 = arith.constant 8 : i32
        %add3A_535 = vector.broadcast %add3A_534 : i32 to vector<16xi32>
        %add3A_536 = arith.addi %min3A_524, %add3A_535 : vector<16xi32>
        %gather3A_537 = tpu.vector_load_idx %arg24[%add3A_536] : memref<32xf32, #tpu.memory_space<vmem>>[vector<16xi32>], vector<16xf32>,
        %add3A_538 = arith.constant 16 : i32
        %add3A_539 = vector.broadcast %add3A_538 : i32 to vector<16xi32>
        %add3A_540 = arith.addi %min3A_524, %add3A_539 : vector<16xi32>
        %gather3A_541 = tpu.vector_load_idx %arg24[%add3A_540] : memref<32xf32, #tpu.memory_space<vmem>>[vector<16xi32>], vector<16xf32>,
        %add3A_542 = arith.constant 24 : i32
        %add3A_543 = vector.broadcast %add3A_542 : i32 to vector<16xi32>
        %add3A_544 = arith.addi %min3A_524, %add3A_543 : vector<16xi32>
        %gather3A_545 = tpu.vector_load_idx %arg24[%add3A_544] : memref<32xf32, #tpu.memory_space<vmem>>[vector<16xi32>], vector<16xf32>,
        %mul3A_546 = arith.mulf %sub3A_532, %gather3A_545 : vector<16xf32>
        %add3A_547 = arith.addf %gather3A_541, %mul3A_546 : vector<16xf32>
        %mul3A_548 = arith.mulf %sub3A_532, %add3A_547 : vector<16xf32>
        %add3A_549 = arith.addf %gather3A_537, %mul3A_548 : vector<16xf32>
        %mul3A_550 = arith.mulf %sub3A_532, %add3A_549 : vector<16xf32>
        %add3A_551 = arith.addf %gather3A_533, %mul3A_550 : vector<16xf32>
        %mul3A_552 = arith.mulf %gather3A_488, %gather3A_500 : vector<16xf32>
        %mul3A_553 = arith.mulf %mul3A_552, %add3A_551 : vector<16xf32>
        %lt3A_554 = arith.constant 550 : i32
        %lt3A_555 = vector.broadcast %lt3A_554 : i32 to vector<16xi32>
        %lt3A_556 = arith.cmpi slt, %add3A_470, %lt3A_555 : vector<16xi32>
        %and3A_557 = vector.broadcast %eq3A_75 : i1 to vector<16xi1>
        %and3A_558 = arith.andi %and3A_557, %lt3A_556 : vector<16xi1>
        %or3A_559 = vector.broadcast %ge3A_77 : i1 to vector<16xi1>
        %or3A_560 = arith.ori %and3A_558, %or3A_559 : vector<16xi1>
        %jit3A_561 = arith.constant 0.000000e+00 : f32
        %broadcast_in_dim3A_562 = vector.broadcast %jit3A_561 : f32 to vector<16xf32>
        %select_n3A_563 = arith.select %or3A_560, %broadcast_in_dim3A_562, %mul3A_553 : vector<16xi1>, vector<16xf32>
        %mul3A_564 = arith.constant 16 : i32
        %mul3A_565 = arith.muli %add3A_465, %mul3A_564 : i32
        %swap3A_566 = arith.index_cast %mul3A_565 : i32 to index
        %swap3A_567 = tpu.vector_load %arg14[%swap3A_566] {strides = array<i32>} : memref<2048xf32, #tpu.memory_space<vmem>>, vector<16xf32>,
        tpu.vector_store %arg14[%swap3A_566], %select_n3A_563 {strides = array<i32>} : memref<2048xf32, #tpu.memory_space<vmem>>, vector<16xf32>,
      }
      %scan3A_94 = arith.constant 128 : i32
      %dma_start3A_95 = arith.constant 0 : i32
      %dma_start3A_96 = tpu.memref_slice %arg25[%dma_start3A_95] : memref<802816xf32, #tpu.memory_space<vmem_shared>> -> memref<802816xf32, #tpu.memory_space<vmem_shared>>
      tpu.enqueue_indirect_dma source(%arg14 : memref<2048xf32, #tpu.memory_space<vmem>>) target(%dma_start3A_96 : memref<802816xf32, #tpu.memory_space<vmem_shared>>) offsets(%arg11 : memref<2048xi32, #tpu.memory_space<vmem>>) semaphore(%arg16 : memref<!tpu.dma_semaphore, #tpu.memory_space<semaphore_mem>>) {add = true}
      %mul3A_97 = arith.constant 2 : i32
      %mul3A_98 = arith.muli %add3A_48, %mul3A_97 : i32
      %add3A_99 = arith.constant 1 : i32
      %add3A_100 = arith.addi %mul3A_98, %add3A_99 : i32
      %add3A_101 = arith.addi %mul3A_6, %add3A_100 : i32
      %ge3A_102 = arith.constant 1 : i32
      %ge3A_103 = arith.cmpi sge, %add3A_100, %ge3A_102 : i32
      %convert_element_type3A_104 = arith.extui %ge3A_103 : i1 to i32
      %cond3A_105 = arith.constant 0 : i32
      %cond3A_106 = arith.cmpi ne, %convert_element_type3A_104, %cond3A_105 : i32
      scf.if %cond3A_106 {
        %dma_wait3A_146 = arith.constant 0 : i32
        %dma_wait3A_147 = tpu.memref_slice %arg25[%dma_wait3A_146] : memref<802816xf32, #tpu.memory_space<vmem_shared>> -> memref<802816xf32, #tpu.memory_space<vmem_shared>>
        tpu.wait_indirect_dma semaphore(%arg16 : memref<!tpu.dma_semaphore, #tpu.memory_space<semaphore_mem>>) src(%arg14 : memref<2048xf32, #tpu.memory_space<vmem>>) dst(%dma_wait3A_147 : memref<802816xf32, #tpu.memory_space<vmem_shared>>)
      } else {
      }
      %add3A_107 = arith.constant 1 : i32
      %add3A_108 = arith.addi %add3A_100, %add3A_107 : i32
      %lt3A_109 = arith.constant 196 : i32
      %lt3A_110 = arith.cmpi slt, %add3A_108, %lt3A_109 : i32
      %convert_element_type3A_111 = arith.extui %lt3A_110 : i1 to i32
      %cond3A_112 = arith.constant 0 : i32
      %cond3A_113 = arith.cmpi ne, %convert_element_type3A_111, %cond3A_112 : i32
      scf.if %cond3A_113 {
        %add3A_146 = arith.constant 1 : i32
        %add3A_147 = arith.addi %add3A_101, %add3A_146 : i32
        %eq3A_148 = arith.constant 6249 : i32
        %eq3A_149 = arith.cmpi eq, %add3A_147, %eq3A_148 : i32
        %lt3A_150 = arith.constant 6250 : i32
        %lt3A_151 = arith.cmpi slt, %add3A_147, %lt3A_150 : i32
        %mul3A_152 = arith.constant 2048 : i32
        %mul3A_153 = arith.muli %add3A_147, %mul3A_152 : i32
        %jit3A_154 = arith.constant 0 : i32
        %select_n3A_155 = arith.select %lt3A_151, %mul3A_153, %jit3A_154 : i32
        %convert_element_type3A_156 = arith.extui %eq3A_149 : i1 to i32
        %cond3A_157 = arith.constant 0 : i32
        %cond3A_158 = arith.cmpi ne, %convert_element_type3A_156, %cond3A_157 : i32
        scf.if %cond3A_158 {
          "tpu.region"() ({
            %run_scoped3A = tpu.sem_alloc : memref<!tpu.dma_semaphore, #tpu.memory_space<semaphore_mem>>
            tpu.enqueue_dma source(%arg5 : memref<2048xi32, #tpu.memory_space<hbm>>) target(%arg10 : memref<2048xi32, #tpu.memory_space<vmem>>) target_semaphore(%run_scoped3A : memref<!tpu.dma_semaphore, #tpu.memory_space<semaphore_mem>>)
            tpu.wait_dma2 semaphore(%run_scoped3A : memref<!tpu.dma_semaphore, #tpu.memory_space<semaphore_mem>>) src(%arg5 : memref<2048xi32, #tpu.memory_space<hbm>>) dst(%arg10 : memref<2048xi32, #tpu.memory_space<vmem>>)
            tpu.yield
          }) : () -> ()
          "tpu.region"() ({
            %run_scoped3A = tpu.sem_alloc : memref<!tpu.dma_semaphore, #tpu.memory_space<semaphore_mem>>
            tpu.enqueue_dma source(%arg6 : memref<2048xi32, #tpu.memory_space<hbm>>) target(%arg11 : memref<2048xi32, #tpu.memory_space<vmem>>) target_semaphore(%run_scoped3A : memref<!tpu.dma_semaphore, #tpu.memory_space<semaphore_mem>>)
            tpu.wait_dma2 semaphore(%run_scoped3A : memref<!tpu.dma_semaphore, #tpu.memory_space<semaphore_mem>>) src(%arg6 : memref<2048xi32, #tpu.memory_space<hbm>>) dst(%arg11 : memref<2048xi32, #tpu.memory_space<vmem>>)
            tpu.yield
          }) : () -> ()
        } else {
        }
        %not3A_159 = arith.constant true
        %not3A_160 = arith.xori %eq3A_149, %not3A_159 : i1
        %convert_element_type3A_161 = arith.extui %not3A_160 : i1 to i32
        %cond3A_162 = arith.constant 0 : i32
        %cond3A_163 = arith.cmpi ne, %convert_element_type3A_161, %cond3A_162 : i32
        scf.if %cond3A_163 {
          "tpu.region"() ({
            %run_scoped3A = tpu.sem_alloc : memref<!tpu.dma_semaphore, #tpu.memory_space<semaphore_mem>>
            %dma_start3A_183 = tpu.memref_slice %arg3[%select_n3A_155] : memref<12799450xi32, #tpu.memory_space<hbm>> -> memref<2048xi32, #tpu.memory_space<hbm>>
            %dma_start3A_184 = tpu.memref_slice %arg3[%select_n3A_155] : memref<12799450xi32, #tpu.memory_space<hbm>> -> memref<2048xi32, #tpu.memory_space<hbm>>
            tpu.enqueue_dma source(%dma_start3A_184 : memref<2048xi32, #tpu.memory_space<hbm>>) target(%arg10 : memref<2048xi32, #tpu.memory_space<vmem>>) target_semaphore(%run_scoped3A : memref<!tpu.dma_semaphore, #tpu.memory_space<semaphore_mem>>)
            %dma_wait3A_185 = tpu.memref_slice %arg3[%select_n3A_155] : memref<12799450xi32, #tpu.memory_space<hbm>> -> memref<2048xi32, #tpu.memory_space<hbm>>
            %dma_wait3A_186 = tpu.memref_slice %arg3[%select_n3A_155] : memref<12799450xi32, #tpu.memory_space<hbm>> -> memref<2048xi32, #tpu.memory_space<hbm>>
            tpu.wait_dma2 semaphore(%run_scoped3A : memref<!tpu.dma_semaphore, #tpu.memory_space<semaphore_mem>>) src(%dma_wait3A_186 : memref<2048xi32, #tpu.memory_space<hbm>>) dst(%arg10 : memref<2048xi32, #tpu.memory_space<vmem>>)
            tpu.yield
          }) : () -> ()
          "tpu.region"() ({
            %run_scoped3A = tpu.sem_alloc : memref<!tpu.dma_semaphore, #tpu.memory_space<semaphore_mem>>
            %dma_start3A_183 = tpu.memref_slice %arg4[%select_n3A_155] : memref<12799450xi32, #tpu.memory_space<hbm>> -> memref<2048xi32, #tpu.memory_space<hbm>>
            %dma_start3A_184 = tpu.memref_slice %arg4[%select_n3A_155] : memref<12799450xi32, #tpu.memory_space<hbm>> -> memref<2048xi32, #tpu.memory_space<hbm>>
            tpu.enqueue_dma source(%dma_start3A_184 : memref<2048xi32, #tpu.memory_space<hbm>>) target(%arg11 : memref<2048xi32, #tpu.memory_space<vmem>>) target_semaphore(%run_scoped3A : memref<!tpu.dma_semaphore, #tpu.memory_space<semaphore_mem>>)
            %dma_wait3A_185 = tpu.memref_slice %arg4[%select_n3A_155] : memref<12799450xi32, #tpu.memory_space<hbm>> -> memref<2048xi32, #tpu.memory_space<hbm>>
            %dma_wait3A_186 = tpu.memref_slice %arg4[%select_n3A_155] : memref<12799450xi32, #tpu.memory_space<hbm>> -> memref<2048xi32, #tpu.memory_space<hbm>>
            tpu.wait_dma2 semaphore(%run_scoped3A : memref<!tpu.dma_semaphore, #tpu.memory_space<semaphore_mem>>) src(%dma_wait3A_186 : memref<2048xi32, #tpu.memory_space<hbm>>) dst(%arg11 : memref<2048xi32, #tpu.memory_space<vmem>>)
            tpu.yield
          }) : () -> ()
        } else {
        }
        %get3A_164 = arith.constant 0 : index
        %get3A_165 = tpu.vector_load %arg10[%get3A_164] {strides = array<i32>} : memref<2048xi32, #tpu.memory_space<vmem>>, vector<16xi32>,
        %reduce_min3A_166 = arith.constant true
        %reduce_min3A_167 = vector.broadcast %reduce_min3A_166 : i1 to vector<16xi1>
        %reduce_min3A_168 = arith.constant -2147483648 : i32
        %reduce_min3A_169 = vector.broadcast %reduce_min3A_168 : i32 to vector<16xi32>
        %reduce_min3A_170 = arith.xori %get3A_165, %reduce_min3A_169 : vector<16xi32>
        %reduce_min3A_171 = tpu.scan <min>, %reduce_min3A_170 masked %reduce_min3A_167 : vector<16xi32>, vector<16xi1> -> vector<16xi32>
        %reduce_min3A_172 = arith.xori %reduce_min3A_171, %reduce_min3A_169 : vector<16xi32>
        %reduce_min3A_173 = vector.extract %reduce_min3A_172[15] : i32 from vector<16xi32>
        %and3A_174 = arith.constant -8 : i32
        %and3A_175 = arith.andi %reduce_min3A_173, %and3A_174 : i32
        %dma_start3A_176 = arith.constant 0 : i32
        %dma_start3A_177 = tpu.memref_slice %arg2[%and3A_175, %dma_start3A_176] : memref<802816x8xf32, #tpu.memory_space<hbm>> -> memref<256x8xf32, #tpu.memory_space<hbm>>
        %dma_start3A_178 = arith.constant 0 : i32
        %dma_start3A_179 = tpu.memref_slice %arg2[%and3A_175, %dma_start3A_178] : memref<802816x8xf32, #tpu.memory_space<hbm>> -> memref<256x8xf32, #tpu.memory_space<hbm>>
        tpu.enqueue_dma source(%dma_start3A_179 : memref<256x8xf32, #tpu.memory_space<hbm>>) target(%arg12 : memref<256x8xf32, #tpu.memory_space<vmem>>) target_semaphore(%arg15 : memref<!tpu.dma_semaphore, #tpu.memory_space<semaphore_mem>>)
        %dma_start3A_180 = arith.constant 0 : i32
        %dma_start3A_181 = arith.constant 0 : i32
        %dma_start3A_182 = tpu.memref_slice %arg2[%dma_start3A_180, %dma_start3A_181] : memref<802816x8xf32, #tpu.memory_space<hbm>> -> memref<802816x8xf32, #tpu.memory_space<hbm>>
        tpu.enqueue_indirect_dma source(%dma_start3A_182 : memref<802816x8xf32, #tpu.memory_space<hbm>>) target(%arg13 : memref<2048x8xf32, #tpu.memory_space<vmem>>) offsets(%arg11 : memref<2048xi32, #tpu.memory_space<vmem>>) semaphore(%arg15 : memref<!tpu.dma_semaphore, #tpu.memory_space<semaphore_mem>>)
      } else {
      }
      %dma_wait3A_114 = arith.constant 0 : i32
      %dma_wait3A_115 = arith.constant 0 : i32
      %dma_wait3A_116 = tpu.memref_slice %arg2[%dma_wait3A_114, %dma_wait3A_115] : memref<802816x8xf32, #tpu.memory_space<hbm>> -> memref<256x8xf32, #tpu.memory_space<hbm>>
      %dma_wait3A_117 = arith.constant 0 : i32
      %dma_wait3A_118 = arith.constant 0 : i32
      %dma_wait3A_119 = tpu.memref_slice %arg2[%dma_wait3A_117, %dma_wait3A_118] : memref<802816x8xf32, #tpu.memory_space<hbm>> -> memref<256x8xf32, #tpu.memory_space<hbm>>
      tpu.wait_dma2 semaphore(%arg22 : memref<!tpu.dma_semaphore, #tpu.memory_space<semaphore_mem>>) src(%dma_wait3A_119 : memref<256x8xf32, #tpu.memory_space<hbm>>) dst(%arg19 : memref<256x8xf32, #tpu.memory_space<vmem>>)
      %dma_wait3A_120 = arith.constant 0 : i32
      %dma_wait3A_121 = arith.constant 0 : i32
      %dma_wait3A_122 = tpu.memref_slice %arg2[%dma_wait3A_120, %dma_wait3A_121] : memref<802816x8xf32, #tpu.memory_space<hbm>> -> memref<802816x8xf32, #tpu.memory_space<hbm>>
      tpu.wait_indirect_dma semaphore(%arg22 : memref<!tpu.dma_semaphore, #tpu.memory_space<semaphore_mem>>) src(%dma_wait3A_122 : memref<802816x8xf32, #tpu.memory_space<hbm>>) dst(%arg20 : memref<2048x8xf32, #tpu.memory_space<vmem>>)
      %eq3A_123 = arith.constant 6249 : i32
      %eq3A_124 = arith.cmpi eq, %add3A_101, %eq3A_123 : i32
      %ge3A_125 = arith.constant 6250 : i32
      %ge3A_126 = arith.cmpi sge, %add3A_101, %ge3A_125 : i32
      %get3A_127 = arith.constant 0 : index
      %get3A_128 = tpu.vector_load %arg17[%get3A_127] {strides = array<i32>} : memref<2048xi32, #tpu.memory_space<vmem>>, vector<16xi32>,
      %reduce_min3A_129 = arith.constant true
      %reduce_min3A_130 = vector.broadcast %reduce_min3A_129 : i1 to vector<16xi1>
      %reduce_min3A_131 = arith.constant -2147483648 : i32
      %reduce_min3A_132 = vector.broadcast %reduce_min3A_131 : i32 to vector<16xi32>
      %reduce_min3A_133 = arith.xori %get3A_128, %reduce_min3A_132 : vector<16xi32>
      %reduce_min3A_134 = tpu.scan <min>, %reduce_min3A_133 masked %reduce_min3A_130 : vector<16xi32>, vector<16xi1> -> vector<16xi32>
      %reduce_min3A_135 = arith.xori %reduce_min3A_134, %reduce_min3A_132 : vector<16xi32>
      %reduce_min3A_136 = vector.extract %reduce_min3A_135[15] : i32 from vector<16xi32>
      %and3A_137 = arith.constant -8 : i32
      %and3A_138 = arith.andi %reduce_min3A_136, %and3A_137 : i32
      %scan3A_139 = arith.constant 0 : i32
      %scan3A_140 = arith.constant 128 : i32
      %scan3A_141 = arith.addi %scan3A_139, %scan3A_140 : i32
      %scan3A_142 = arith.constant 4 : i32
      scf.for %scan3A_146 = %scan3A_139 to %scan3A_141 step %scan3A_142  : i32 {
        %mul3A_147 = arith.constant 1 : i32
        %mul3A_148 = arith.muli %scan3A_146, %mul3A_147 : i32
        %add3A_149 = arith.constant 0 : i32
        %add3A_150 = arith.addi %add3A_149, %mul3A_148 : i32
        %mul3A_151 = arith.constant 16 : i32
        %mul3A_152 = arith.muli %add3A_150, %mul3A_151 : i32
        %iota3A = tpu.iota {dimensions = array<i32: 0>} : vector<16xi32>
        %add3A_153 = vector.broadcast %mul3A_152 : i32 to vector<16xi32>
        %add3A_154 = arith.addi %add3A_153, %iota3A : vector<16xi32>
        %mul3A_155 = arith.constant 16 : i32
        %mul3A_156 = arith.muli %add3A_150, %mul3A_155 : i32
        %get3A_157 = arith.index_cast %mul3A_156 : i32 to index
        %get3A_158 = tpu.vector_load %arg17[%get3A_157] {strides = array<i32>} : memref<2048xi32, #tpu.memory_space<vmem>>, vector<16xi32>,
        %sub3A = vector.broadcast %and3A_138 : i32 to vector<16xi32>
        %sub3A_159 = arith.subi %get3A_158, %sub3A : vector<16xi32>
        %broadcast_in_dim3A = arith.constant 0 : i32
        %broadcast_in_dim3A_160 = vector.broadcast %broadcast_in_dim3A : i32 to vector<16xi32>
        %gather3A = tpu.vector_load_idx %arg19[%sub3A_159, %broadcast_in_dim3A_160] : memref<256x8xf32, #tpu.memory_space<vmem>>[vector<16xi32>, vector<16xi32>], vector<16xf32>,
        %broadcast_in_dim3A_161 = arith.constant 1 : i32
        %broadcast_in_dim3A_162 = vector.broadcast %broadcast_in_dim3A_161 : i32 to vector<16xi32>
        %gather3A_163 = tpu.vector_load_idx %arg19[%sub3A_159, %broadcast_in_dim3A_162] : memref<256x8xf32, #tpu.memory_space<vmem>>[vector<16xi32>, vector<16xi32>], vector<16xf32>,
        %broadcast_in_dim3A_164 = arith.constant 2 : i32
        %broadcast_in_dim3A_165 = vector.broadcast %broadcast_in_dim3A_164 : i32 to vector<16xi32>
        %gather3A_166 = tpu.vector_load_idx %arg19[%sub3A_159, %broadcast_in_dim3A_165] : memref<256x8xf32, #tpu.memory_space<vmem>>[vector<16xi32>, vector<16xi32>], vector<16xf32>,
        %broadcast_in_dim3A_167 = arith.constant 3 : i32
        %broadcast_in_dim3A_168 = vector.broadcast %broadcast_in_dim3A_167 : i32 to vector<16xi32>
        %gather3A_169 = tpu.vector_load_idx %arg19[%sub3A_159, %broadcast_in_dim3A_168] : memref<256x8xf32, #tpu.memory_space<vmem>>[vector<16xi32>, vector<16xi32>], vector<16xf32>,
        %broadcast_in_dim3A_170 = arith.constant 0 : i32
        %broadcast_in_dim3A_171 = vector.broadcast %broadcast_in_dim3A_170 : i32 to vector<16xi32>
        %gather3A_172 = tpu.vector_load_idx %arg20[%add3A_154, %broadcast_in_dim3A_171] : memref<2048x8xf32, #tpu.memory_space<vmem>>[vector<16xi32>, vector<16xi32>], vector<16xf32>,
        %broadcast_in_dim3A_173 = arith.constant 1 : i32
        %broadcast_in_dim3A_174 = vector.broadcast %broadcast_in_dim3A_173 : i32 to vector<16xi32>
        %gather3A_175 = tpu.vector_load_idx %arg20[%add3A_154, %broadcast_in_dim3A_174] : memref<2048x8xf32, #tpu.memory_space<vmem>>[vector<16xi32>, vector<16xi32>], vector<16xf32>,
        %broadcast_in_dim3A_176 = arith.constant 2 : i32
        %broadcast_in_dim3A_177 = vector.broadcast %broadcast_in_dim3A_176 : i32 to vector<16xi32>
        %gather3A_178 = tpu.vector_load_idx %arg20[%add3A_154, %broadcast_in_dim3A_177] : memref<2048x8xf32, #tpu.memory_space<vmem>>[vector<16xi32>, vector<16xi32>], vector<16xf32>,
        %broadcast_in_dim3A_179 = arith.constant 3 : i32
        %broadcast_in_dim3A_180 = vector.broadcast %broadcast_in_dim3A_179 : i32 to vector<16xi32>
        %gather3A_181 = tpu.vector_load_idx %arg20[%add3A_154, %broadcast_in_dim3A_180] : memref<2048x8xf32, #tpu.memory_space<vmem>>[vector<16xi32>, vector<16xi32>], vector<16xf32>,
        %mul3A_182 = arith.mulf %gather3A, %gather3A_172 : vector<16xf32>
        %mul3A_183 = arith.mulf %gather3A_163, %gather3A_175 : vector<16xf32>
        %add3A_184 = arith.addf %mul3A_182, %mul3A_183 : vector<16xf32>
        %mul3A_185 = arith.mulf %gather3A_166, %gather3A_178 : vector<16xf32>
        %add3A_186 = arith.addf %add3A_184, %mul3A_185 : vector<16xf32>
        %neg3A = arith.constant 0.000000e+00 : f32
        %neg3A_187 = vector.broadcast %neg3A : f32 to vector<16xf32>
        %neg3A_188 = arith.subf %neg3A_187, %add3A_186 : vector<16xf32>
        %max3A = arith.constant -1.000000e+00 : f32
        %max3A_189 = vector.broadcast %max3A : f32 to vector<16xf32>
        %max3A_190 = arith.maximumf %neg3A_188, %max3A_189 : vector<16xf32>
        %min3A = arith.constant 1.000000e+00 : f32
        %min3A_191 = vector.broadcast %min3A : f32 to vector<16xf32>
        %min3A_192 = arith.minimumf %max3A_190, %min3A_191 : vector<16xf32>
        %add3A_193 = arith.constant 1.000000e+00 : f32
        %add3A_194 = vector.broadcast %add3A_193 : f32 to vector<16xf32>
        %add3A_195 = arith.addf %min3A_192, %add3A_194 : vector<16xf32>
        %mul3A_196 = arith.constant 3.000000e+00 : f32
        %mul3A_197 = vector.broadcast %mul3A_196 : f32 to vector<16xf32>
        %mul3A_198 = arith.mulf %add3A_195, %mul3A_197 : vector<16xf32>
        %convert_element_type3A_199 = arith.fptosi %mul3A_198 : vector<16xf32> to vector<16xi32>
        %min3A_200 = arith.constant 5 : i32
        %min3A_201 = vector.broadcast %min3A_200 : i32 to vector<16xi32>
        %min3A_202 = arith.minsi %convert_element_type3A_199, %min3A_201 : vector<16xi32>
        %convert_element_type3A_203 = arith.sitofp %min3A_202 : vector<16xi32> to vector<16xf32>
        %mul3A_204 = arith.constant 0.333333343 : f32
        %mul3A_205 = vector.broadcast %mul3A_204 : f32 to vector<16xf32>
        %mul3A_206 = arith.mulf %convert_element_type3A_203, %mul3A_205 : vector<16xf32>
        %sub3A_207 = arith.constant 1.000000e+00 : f32
        %sub3A_208 = vector.broadcast %sub3A_207 : f32 to vector<16xf32>
        %sub3A_209 = arith.subf %mul3A_206, %sub3A_208 : vector<16xf32>
        %sub3A_210 = arith.subf %min3A_192, %sub3A_209 : vector<16xf32>
        %gather3A_211 = tpu.vector_load_idx %arg24[%min3A_202] : memref<32xf32, #tpu.memory_space<vmem>>[vector<16xi32>], vector<16xf32>,
        %add3A_212 = arith.constant 8 : i32
        %add3A_213 = vector.broadcast %add3A_212 : i32 to vector<16xi32>
        %add3A_214 = arith.addi %min3A_202, %add3A_213 : vector<16xi32>
        %gather3A_215 = tpu.vector_load_idx %arg24[%add3A_214] : memref<32xf32, #tpu.memory_space<vmem>>[vector<16xi32>], vector<16xf32>,
        %add3A_216 = arith.constant 16 : i32
        %add3A_217 = vector.broadcast %add3A_216 : i32 to vector<16xi32>
        %add3A_218 = arith.addi %min3A_202, %add3A_217 : vector<16xi32>
        %gather3A_219 = tpu.vector_load_idx %arg24[%add3A_218] : memref<32xf32, #tpu.memory_space<vmem>>[vector<16xi32>], vector<16xf32>,
        %add3A_220 = arith.constant 24 : i32
        %add3A_221 = vector.broadcast %add3A_220 : i32 to vector<16xi32>
        %add3A_222 = arith.addi %min3A_202, %add3A_221 : vector<16xi32>
        %gather3A_223 = tpu.vector_load_idx %arg24[%add3A_222] : memref<32xf32, #tpu.memory_space<vmem>>[vector<16xi32>], vector<16xf32>,
        %mul3A_224 = arith.mulf %sub3A_210, %gather3A_223 : vector<16xf32>
        %add3A_225 = arith.addf %gather3A_219, %mul3A_224 : vector<16xf32>
        %mul3A_226 = arith.mulf %sub3A_210, %add3A_225 : vector<16xf32>
        %add3A_227 = arith.addf %gather3A_215, %mul3A_226 : vector<16xf32>
        %mul3A_228 = arith.mulf %sub3A_210, %add3A_227 : vector<16xf32>
        %add3A_229 = arith.addf %gather3A_211, %mul3A_228 : vector<16xf32>
        %mul3A_230 = arith.mulf %gather3A_169, %gather3A_181 : vector<16xf32>
        %mul3A_231 = arith.mulf %mul3A_230, %add3A_229 : vector<16xf32>
        %lt3A_232 = arith.constant 550 : i32
        %lt3A_233 = vector.broadcast %lt3A_232 : i32 to vector<16xi32>
        %lt3A_234 = arith.cmpi slt, %add3A_154, %lt3A_233 : vector<16xi32>
        %and3A_235 = vector.broadcast %eq3A_124 : i1 to vector<16xi1>
        %and3A_236 = arith.andi %and3A_235, %lt3A_234 : vector<16xi1>
        %or3A = vector.broadcast %ge3A_126 : i1 to vector<16xi1>
        %or3A_237 = arith.ori %and3A_236, %or3A : vector<16xi1>
        %jit3A_238 = arith.constant 0.000000e+00 : f32
        %broadcast_in_dim3A_239 = vector.broadcast %jit3A_238 : f32 to vector<16xf32>
        %select_n3A_240 = arith.select %or3A_237, %broadcast_in_dim3A_239, %mul3A_231 : vector<16xi1>, vector<16xf32>
        %mul3A_241 = arith.constant 16 : i32
        %mul3A_242 = arith.muli %add3A_150, %mul3A_241 : i32
        %swap3A = arith.index_cast %mul3A_242 : i32 to index
        %swap3A_243 = tpu.vector_load %arg21[%swap3A] {strides = array<i32>} : memref<2048xf32, #tpu.memory_space<vmem>>, vector<16xf32>,
        tpu.vector_store %arg21[%swap3A], %select_n3A_240 {strides = array<i32>} : memref<2048xf32, #tpu.memory_space<vmem>>, vector<16xf32>,
        %scan3A_244 = arith.constant 1 : i32
        %scan3A_245 = arith.addi %scan3A_146, %scan3A_244 : i32
        %mul3A_246 = arith.constant 1 : i32
        %mul3A_247 = arith.muli %scan3A_245, %mul3A_246 : i32
        %add3A_248 = arith.constant 0 : i32
        %add3A_249 = arith.addi %add3A_248, %mul3A_247 : i32
        %mul3A_250 = arith.constant 16 : i32
        %mul3A_251 = arith.muli %add3A_249, %mul3A_250 : i32
        %iota3A_252 = tpu.iota {dimensions = array<i32: 0>} : vector<16xi32>
        %add3A_253 = vector.broadcast %mul3A_251 : i32 to vector<16xi32>
        %add3A_254 = arith.addi %add3A_253, %iota3A_252 : vector<16xi32>
        %mul3A_255 = arith.constant 16 : i32
        %mul3A_256 = arith.muli %add3A_249, %mul3A_255 : i32
        %get3A_257 = arith.index_cast %mul3A_256 : i32 to index
        %get3A_258 = tpu.vector_load %arg17[%get3A_257] {strides = array<i32>} : memref<2048xi32, #tpu.memory_space<vmem>>, vector<16xi32>,
        %sub3A_259 = vector.broadcast %and3A_138 : i32 to vector<16xi32>
        %sub3A_260 = arith.subi %get3A_258, %sub3A_259 : vector<16xi32>
        %broadcast_in_dim3A_261 = arith.constant 0 : i32
        %broadcast_in_dim3A_262 = vector.broadcast %broadcast_in_dim3A_261 : i32 to vector<16xi32>
        %gather3A_263 = tpu.vector_load_idx %arg19[%sub3A_260, %broadcast_in_dim3A_262] : memref<256x8xf32, #tpu.memory_space<vmem>>[vector<16xi32>, vector<16xi32>], vector<16xf32>,
        %broadcast_in_dim3A_264 = arith.constant 1 : i32
        %broadcast_in_dim3A_265 = vector.broadcast %broadcast_in_dim3A_264 : i32 to vector<16xi32>
        %gather3A_266 = tpu.vector_load_idx %arg19[%sub3A_260, %broadcast_in_dim3A_265] : memref<256x8xf32, #tpu.memory_space<vmem>>[vector<16xi32>, vector<16xi32>], vector<16xf32>,
        %broadcast_in_dim3A_267 = arith.constant 2 : i32
        %broadcast_in_dim3A_268 = vector.broadcast %broadcast_in_dim3A_267 : i32 to vector<16xi32>
        %gather3A_269 = tpu.vector_load_idx %arg19[%sub3A_260, %broadcast_in_dim3A_268] : memref<256x8xf32, #tpu.memory_space<vmem>>[vector<16xi32>, vector<16xi32>], vector<16xf32>,
        %broadcast_in_dim3A_270 = arith.constant 3 : i32
        %broadcast_in_dim3A_271 = vector.broadcast %broadcast_in_dim3A_270 : i32 to vector<16xi32>
        %gather3A_272 = tpu.vector_load_idx %arg19[%sub3A_260, %broadcast_in_dim3A_271] : memref<256x8xf32, #tpu.memory_space<vmem>>[vector<16xi32>, vector<16xi32>], vector<16xf32>,
        %broadcast_in_dim3A_273 = arith.constant 0 : i32
        %broadcast_in_dim3A_274 = vector.broadcast %broadcast_in_dim3A_273 : i32 to vector<16xi32>
        %gather3A_275 = tpu.vector_load_idx %arg20[%add3A_254, %broadcast_in_dim3A_274] : memref<2048x8xf32, #tpu.memory_space<vmem>>[vector<16xi32>, vector<16xi32>], vector<16xf32>,
        %broadcast_in_dim3A_276 = arith.constant 1 : i32
        %broadcast_in_dim3A_277 = vector.broadcast %broadcast_in_dim3A_276 : i32 to vector<16xi32>
        %gather3A_278 = tpu.vector_load_idx %arg20[%add3A_254, %broadcast_in_dim3A_277] : memref<2048x8xf32, #tpu.memory_space<vmem>>[vector<16xi32>, vector<16xi32>], vector<16xf32>,
        %broadcast_in_dim3A_279 = arith.constant 2 : i32
        %broadcast_in_dim3A_280 = vector.broadcast %broadcast_in_dim3A_279 : i32 to vector<16xi32>
        %gather3A_281 = tpu.vector_load_idx %arg20[%add3A_254, %broadcast_in_dim3A_280] : memref<2048x8xf32, #tpu.memory_space<vmem>>[vector<16xi32>, vector<16xi32>], vector<16xf32>,
        %broadcast_in_dim3A_282 = arith.constant 3 : i32
        %broadcast_in_dim3A_283 = vector.broadcast %broadcast_in_dim3A_282 : i32 to vector<16xi32>
        %gather3A_284 = tpu.vector_load_idx %arg20[%add3A_254, %broadcast_in_dim3A_283] : memref<2048x8xf32, #tpu.memory_space<vmem>>[vector<16xi32>, vector<16xi32>], vector<16xf32>,
        %mul3A_285 = arith.mulf %gather3A_263, %gather3A_275 : vector<16xf32>
        %mul3A_286 = arith.mulf %gather3A_266, %gather3A_278 : vector<16xf32>
        %add3A_287 = arith.addf %mul3A_285, %mul3A_286 : vector<16xf32>
        %mul3A_288 = arith.mulf %gather3A_269, %gather3A_281 : vector<16xf32>
        %add3A_289 = arith.addf %add3A_287, %mul3A_288 : vector<16xf32>
        %neg3A_290 = arith.constant 0.000000e+00 : f32
        %neg3A_291 = vector.broadcast %neg3A_290 : f32 to vector<16xf32>
        %neg3A_292 = arith.subf %neg3A_291, %add3A_289 : vector<16xf32>
        %max3A_293 = arith.constant -1.000000e+00 : f32
        %max3A_294 = vector.broadcast %max3A_293 : f32 to vector<16xf32>
        %max3A_295 = arith.maximumf %neg3A_292, %max3A_294 : vector<16xf32>
        %min3A_296 = arith.constant 1.000000e+00 : f32
        %min3A_297 = vector.broadcast %min3A_296 : f32 to vector<16xf32>
        %min3A_298 = arith.minimumf %max3A_295, %min3A_297 : vector<16xf32>
        %add3A_299 = arith.constant 1.000000e+00 : f32
        %add3A_300 = vector.broadcast %add3A_299 : f32 to vector<16xf32>
        %add3A_301 = arith.addf %min3A_298, %add3A_300 : vector<16xf32>
        %mul3A_302 = arith.constant 3.000000e+00 : f32
        %mul3A_303 = vector.broadcast %mul3A_302 : f32 to vector<16xf32>
        %mul3A_304 = arith.mulf %add3A_301, %mul3A_303 : vector<16xf32>
        %convert_element_type3A_305 = arith.fptosi %mul3A_304 : vector<16xf32> to vector<16xi32>
        %min3A_306 = arith.constant 5 : i32
        %min3A_307 = vector.broadcast %min3A_306 : i32 to vector<16xi32>
        %min3A_308 = arith.minsi %convert_element_type3A_305, %min3A_307 : vector<16xi32>
        %convert_element_type3A_309 = arith.sitofp %min3A_308 : vector<16xi32> to vector<16xf32>
        %mul3A_310 = arith.constant 0.333333343 : f32
        %mul3A_311 = vector.broadcast %mul3A_310 : f32 to vector<16xf32>
        %mul3A_312 = arith.mulf %convert_element_type3A_309, %mul3A_311 : vector<16xf32>
        %sub3A_313 = arith.constant 1.000000e+00 : f32
        %sub3A_314 = vector.broadcast %sub3A_313 : f32 to vector<16xf32>
        %sub3A_315 = arith.subf %mul3A_312, %sub3A_314 : vector<16xf32>
        %sub3A_316 = arith.subf %min3A_298, %sub3A_315 : vector<16xf32>
        %gather3A_317 = tpu.vector_load_idx %arg24[%min3A_308] : memref<32xf32, #tpu.memory_space<vmem>>[vector<16xi32>], vector<16xf32>,
        %add3A_318 = arith.constant 8 : i32
        %add3A_319 = vector.broadcast %add3A_318 : i32 to vector<16xi32>
        %add3A_320 = arith.addi %min3A_308, %add3A_319 : vector<16xi32>
        %gather3A_321 = tpu.vector_load_idx %arg24[%add3A_320] : memref<32xf32, #tpu.memory_space<vmem>>[vector<16xi32>], vector<16xf32>,
        %add3A_322 = arith.constant 16 : i32
        %add3A_323 = vector.broadcast %add3A_322 : i32 to vector<16xi32>
        %add3A_324 = arith.addi %min3A_308, %add3A_323 : vector<16xi32>
        %gather3A_325 = tpu.vector_load_idx %arg24[%add3A_324] : memref<32xf32, #tpu.memory_space<vmem>>[vector<16xi32>], vector<16xf32>,
        %add3A_326 = arith.constant 24 : i32
        %add3A_327 = vector.broadcast %add3A_326 : i32 to vector<16xi32>
        %add3A_328 = arith.addi %min3A_308, %add3A_327 : vector<16xi32>
        %gather3A_329 = tpu.vector_load_idx %arg24[%add3A_328] : memref<32xf32, #tpu.memory_space<vmem>>[vector<16xi32>], vector<16xf32>,
        %mul3A_330 = arith.mulf %sub3A_316, %gather3A_329 : vector<16xf32>
        %add3A_331 = arith.addf %gather3A_325, %mul3A_330 : vector<16xf32>
        %mul3A_332 = arith.mulf %sub3A_316, %add3A_331 : vector<16xf32>
        %add3A_333 = arith.addf %gather3A_321, %mul3A_332 : vector<16xf32>
        %mul3A_334 = arith.mulf %sub3A_316, %add3A_333 : vector<16xf32>
        %add3A_335 = arith.addf %gather3A_317, %mul3A_334 : vector<16xf32>
        %mul3A_336 = arith.mulf %gather3A_272, %gather3A_284 : vector<16xf32>
        %mul3A_337 = arith.mulf %mul3A_336, %add3A_335 : vector<16xf32>
        %lt3A_338 = arith.constant 550 : i32
        %lt3A_339 = vector.broadcast %lt3A_338 : i32 to vector<16xi32>
        %lt3A_340 = arith.cmpi slt, %add3A_254, %lt3A_339 : vector<16xi32>
        %and3A_341 = vector.broadcast %eq3A_124 : i1 to vector<16xi1>
        %and3A_342 = arith.andi %and3A_341, %lt3A_340 : vector<16xi1>
        %or3A_343 = vector.broadcast %ge3A_126 : i1 to vector<16xi1>
        %or3A_344 = arith.ori %and3A_342, %or3A_343 : vector<16xi1>
        %jit3A_345 = arith.constant 0.000000e+00 : f32
        %broadcast_in_dim3A_346 = vector.broadcast %jit3A_345 : f32 to vector<16xf32>
        %select_n3A_347 = arith.select %or3A_344, %broadcast_in_dim3A_346, %mul3A_337 : vector<16xi1>, vector<16xf32>
        %mul3A_348 = arith.constant 16 : i32
        %mul3A_349 = arith.muli %add3A_249, %mul3A_348 : i32
        %swap3A_350 = arith.index_cast %mul3A_349 : i32 to index
        %swap3A_351 = tpu.vector_load %arg21[%swap3A_350] {strides = array<i32>} : memref<2048xf32, #tpu.memory_space<vmem>>, vector<16xf32>,
        tpu.vector_store %arg21[%swap3A_350], %select_n3A_347 {strides = array<i32>} : memref<2048xf32, #tpu.memory_space<vmem>>, vector<16xf32>,
        %scan3A_352 = arith.constant 2 : i32
        %scan3A_353 = arith.addi %scan3A_146, %scan3A_352 : i32
        %mul3A_354 = arith.constant 1 : i32
        %mul3A_355 = arith.muli %scan3A_353, %mul3A_354 : i32
        %add3A_356 = arith.constant 0 : i32
        %add3A_357 = arith.addi %add3A_356, %mul3A_355 : i32
        %mul3A_358 = arith.constant 16 : i32
        %mul3A_359 = arith.muli %add3A_357, %mul3A_358 : i32
        %iota3A_360 = tpu.iota {dimensions = array<i32: 0>} : vector<16xi32>
        %add3A_361 = vector.broadcast %mul3A_359 : i32 to vector<16xi32>
        %add3A_362 = arith.addi %add3A_361, %iota3A_360 : vector<16xi32>
        %mul3A_363 = arith.constant 16 : i32
        %mul3A_364 = arith.muli %add3A_357, %mul3A_363 : i32
        %get3A_365 = arith.index_cast %mul3A_364 : i32 to index
        %get3A_366 = tpu.vector_load %arg17[%get3A_365] {strides = array<i32>} : memref<2048xi32, #tpu.memory_space<vmem>>, vector<16xi32>,
        %sub3A_367 = vector.broadcast %and3A_138 : i32 to vector<16xi32>
        %sub3A_368 = arith.subi %get3A_366, %sub3A_367 : vector<16xi32>
        %broadcast_in_dim3A_369 = arith.constant 0 : i32
        %broadcast_in_dim3A_370 = vector.broadcast %broadcast_in_dim3A_369 : i32 to vector<16xi32>
        %gather3A_371 = tpu.vector_load_idx %arg19[%sub3A_368, %broadcast_in_dim3A_370] : memref<256x8xf32, #tpu.memory_space<vmem>>[vector<16xi32>, vector<16xi32>], vector<16xf32>,
        %broadcast_in_dim3A_372 = arith.constant 1 : i32
        %broadcast_in_dim3A_373 = vector.broadcast %broadcast_in_dim3A_372 : i32 to vector<16xi32>
        %gather3A_374 = tpu.vector_load_idx %arg19[%sub3A_368, %broadcast_in_dim3A_373] : memref<256x8xf32, #tpu.memory_space<vmem>>[vector<16xi32>, vector<16xi32>], vector<16xf32>,
        %broadcast_in_dim3A_375 = arith.constant 2 : i32
        %broadcast_in_dim3A_376 = vector.broadcast %broadcast_in_dim3A_375 : i32 to vector<16xi32>
        %gather3A_377 = tpu.vector_load_idx %arg19[%sub3A_368, %broadcast_in_dim3A_376] : memref<256x8xf32, #tpu.memory_space<vmem>>[vector<16xi32>, vector<16xi32>], vector<16xf32>,
        %broadcast_in_dim3A_378 = arith.constant 3 : i32
        %broadcast_in_dim3A_379 = vector.broadcast %broadcast_in_dim3A_378 : i32 to vector<16xi32>
        %gather3A_380 = tpu.vector_load_idx %arg19[%sub3A_368, %broadcast_in_dim3A_379] : memref<256x8xf32, #tpu.memory_space<vmem>>[vector<16xi32>, vector<16xi32>], vector<16xf32>,
        %broadcast_in_dim3A_381 = arith.constant 0 : i32
        %broadcast_in_dim3A_382 = vector.broadcast %broadcast_in_dim3A_381 : i32 to vector<16xi32>
        %gather3A_383 = tpu.vector_load_idx %arg20[%add3A_362, %broadcast_in_dim3A_382] : memref<2048x8xf32, #tpu.memory_space<vmem>>[vector<16xi32>, vector<16xi32>], vector<16xf32>,
        %broadcast_in_dim3A_384 = arith.constant 1 : i32
        %broadcast_in_dim3A_385 = vector.broadcast %broadcast_in_dim3A_384 : i32 to vector<16xi32>
        %gather3A_386 = tpu.vector_load_idx %arg20[%add3A_362, %broadcast_in_dim3A_385] : memref<2048x8xf32, #tpu.memory_space<vmem>>[vector<16xi32>, vector<16xi32>], vector<16xf32>,
        %broadcast_in_dim3A_387 = arith.constant 2 : i32
        %broadcast_in_dim3A_388 = vector.broadcast %broadcast_in_dim3A_387 : i32 to vector<16xi32>
        %gather3A_389 = tpu.vector_load_idx %arg20[%add3A_362, %broadcast_in_dim3A_388] : memref<2048x8xf32, #tpu.memory_space<vmem>>[vector<16xi32>, vector<16xi32>], vector<16xf32>,
        %broadcast_in_dim3A_390 = arith.constant 3 : i32
        %broadcast_in_dim3A_391 = vector.broadcast %broadcast_in_dim3A_390 : i32 to vector<16xi32>
        %gather3A_392 = tpu.vector_load_idx %arg20[%add3A_362, %broadcast_in_dim3A_391] : memref<2048x8xf32, #tpu.memory_space<vmem>>[vector<16xi32>, vector<16xi32>], vector<16xf32>,
        %mul3A_393 = arith.mulf %gather3A_371, %gather3A_383 : vector<16xf32>
        %mul3A_394 = arith.mulf %gather3A_374, %gather3A_386 : vector<16xf32>
        %add3A_395 = arith.addf %mul3A_393, %mul3A_394 : vector<16xf32>
        %mul3A_396 = arith.mulf %gather3A_377, %gather3A_389 : vector<16xf32>
        %add3A_397 = arith.addf %add3A_395, %mul3A_396 : vector<16xf32>
        %neg3A_398 = arith.constant 0.000000e+00 : f32
        %neg3A_399 = vector.broadcast %neg3A_398 : f32 to vector<16xf32>
        %neg3A_400 = arith.subf %neg3A_399, %add3A_397 : vector<16xf32>
        %max3A_401 = arith.constant -1.000000e+00 : f32
        %max3A_402 = vector.broadcast %max3A_401 : f32 to vector<16xf32>
        %max3A_403 = arith.maximumf %neg3A_400, %max3A_402 : vector<16xf32>
        %min3A_404 = arith.constant 1.000000e+00 : f32
        %min3A_405 = vector.broadcast %min3A_404 : f32 to vector<16xf32>
        %min3A_406 = arith.minimumf %max3A_403, %min3A_405 : vector<16xf32>
        %add3A_407 = arith.constant 1.000000e+00 : f32
        %add3A_408 = vector.broadcast %add3A_407 : f32 to vector<16xf32>
        %add3A_409 = arith.addf %min3A_406, %add3A_408 : vector<16xf32>
        %mul3A_410 = arith.constant 3.000000e+00 : f32
        %mul3A_411 = vector.broadcast %mul3A_410 : f32 to vector<16xf32>
        %mul3A_412 = arith.mulf %add3A_409, %mul3A_411 : vector<16xf32>
        %convert_element_type3A_413 = arith.fptosi %mul3A_412 : vector<16xf32> to vector<16xi32>
        %min3A_414 = arith.constant 5 : i32
        %min3A_415 = vector.broadcast %min3A_414 : i32 to vector<16xi32>
        %min3A_416 = arith.minsi %convert_element_type3A_413, %min3A_415 : vector<16xi32>
        %convert_element_type3A_417 = arith.sitofp %min3A_416 : vector<16xi32> to vector<16xf32>
        %mul3A_418 = arith.constant 0.333333343 : f32
        %mul3A_419 = vector.broadcast %mul3A_418 : f32 to vector<16xf32>
        %mul3A_420 = arith.mulf %convert_element_type3A_417, %mul3A_419 : vector<16xf32>
        %sub3A_421 = arith.constant 1.000000e+00 : f32
        %sub3A_422 = vector.broadcast %sub3A_421 : f32 to vector<16xf32>
        %sub3A_423 = arith.subf %mul3A_420, %sub3A_422 : vector<16xf32>
        %sub3A_424 = arith.subf %min3A_406, %sub3A_423 : vector<16xf32>
        %gather3A_425 = tpu.vector_load_idx %arg24[%min3A_416] : memref<32xf32, #tpu.memory_space<vmem>>[vector<16xi32>], vector<16xf32>,
        %add3A_426 = arith.constant 8 : i32
        %add3A_427 = vector.broadcast %add3A_426 : i32 to vector<16xi32>
        %add3A_428 = arith.addi %min3A_416, %add3A_427 : vector<16xi32>
        %gather3A_429 = tpu.vector_load_idx %arg24[%add3A_428] : memref<32xf32, #tpu.memory_space<vmem>>[vector<16xi32>], vector<16xf32>,
        %add3A_430 = arith.constant 16 : i32
        %add3A_431 = vector.broadcast %add3A_430 : i32 to vector<16xi32>
        %add3A_432 = arith.addi %min3A_416, %add3A_431 : vector<16xi32>
        %gather3A_433 = tpu.vector_load_idx %arg24[%add3A_432] : memref<32xf32, #tpu.memory_space<vmem>>[vector<16xi32>], vector<16xf32>,
        %add3A_434 = arith.constant 24 : i32
        %add3A_435 = vector.broadcast %add3A_434 : i32 to vector<16xi32>
        %add3A_436 = arith.addi %min3A_416, %add3A_435 : vector<16xi32>
        %gather3A_437 = tpu.vector_load_idx %arg24[%add3A_436] : memref<32xf32, #tpu.memory_space<vmem>>[vector<16xi32>], vector<16xf32>,
        %mul3A_438 = arith.mulf %sub3A_424, %gather3A_437 : vector<16xf32>
        %add3A_439 = arith.addf %gather3A_433, %mul3A_438 : vector<16xf32>
        %mul3A_440 = arith.mulf %sub3A_424, %add3A_439 : vector<16xf32>
        %add3A_441 = arith.addf %gather3A_429, %mul3A_440 : vector<16xf32>
        %mul3A_442 = arith.mulf %sub3A_424, %add3A_441 : vector<16xf32>
        %add3A_443 = arith.addf %gather3A_425, %mul3A_442 : vector<16xf32>
        %mul3A_444 = arith.mulf %gather3A_380, %gather3A_392 : vector<16xf32>
        %mul3A_445 = arith.mulf %mul3A_444, %add3A_443 : vector<16xf32>
        %lt3A_446 = arith.constant 550 : i32
        %lt3A_447 = vector.broadcast %lt3A_446 : i32 to vector<16xi32>
        %lt3A_448 = arith.cmpi slt, %add3A_362, %lt3A_447 : vector<16xi32>
        %and3A_449 = vector.broadcast %eq3A_124 : i1 to vector<16xi1>
        %and3A_450 = arith.andi %and3A_449, %lt3A_448 : vector<16xi1>
        %or3A_451 = vector.broadcast %ge3A_126 : i1 to vector<16xi1>
        %or3A_452 = arith.ori %and3A_450, %or3A_451 : vector<16xi1>
        %jit3A_453 = arith.constant 0.000000e+00 : f32
        %broadcast_in_dim3A_454 = vector.broadcast %jit3A_453 : f32 to vector<16xf32>
        %select_n3A_455 = arith.select %or3A_452, %broadcast_in_dim3A_454, %mul3A_445 : vector<16xi1>, vector<16xf32>
        %mul3A_456 = arith.constant 16 : i32
        %mul3A_457 = arith.muli %add3A_357, %mul3A_456 : i32
        %swap3A_458 = arith.index_cast %mul3A_457 : i32 to index
        %swap3A_459 = tpu.vector_load %arg21[%swap3A_458] {strides = array<i32>} : memref<2048xf32, #tpu.memory_space<vmem>>, vector<16xf32>,
        tpu.vector_store %arg21[%swap3A_458], %select_n3A_455 {strides = array<i32>} : memref<2048xf32, #tpu.memory_space<vmem>>, vector<16xf32>,
        %scan3A_460 = arith.constant 3 : i32
        %scan3A_461 = arith.addi %scan3A_146, %scan3A_460 : i32
        %mul3A_462 = arith.constant 1 : i32
        %mul3A_463 = arith.muli %scan3A_461, %mul3A_462 : i32
        %add3A_464 = arith.constant 0 : i32
        %add3A_465 = arith.addi %add3A_464, %mul3A_463 : i32
        %mul3A_466 = arith.constant 16 : i32
        %mul3A_467 = arith.muli %add3A_465, %mul3A_466 : i32
        %iota3A_468 = tpu.iota {dimensions = array<i32: 0>} : vector<16xi32>
        %add3A_469 = vector.broadcast %mul3A_467 : i32 to vector<16xi32>
        %add3A_470 = arith.addi %add3A_469, %iota3A_468 : vector<16xi32>
        %mul3A_471 = arith.constant 16 : i32
        %mul3A_472 = arith.muli %add3A_465, %mul3A_471 : i32
        %get3A_473 = arith.index_cast %mul3A_472 : i32 to index
        %get3A_474 = tpu.vector_load %arg17[%get3A_473] {strides = array<i32>} : memref<2048xi32, #tpu.memory_space<vmem>>, vector<16xi32>,
        %sub3A_475 = vector.broadcast %and3A_138 : i32 to vector<16xi32>
        %sub3A_476 = arith.subi %get3A_474, %sub3A_475 : vector<16xi32>
        %broadcast_in_dim3A_477 = arith.constant 0 : i32
        %broadcast_in_dim3A_478 = vector.broadcast %broadcast_in_dim3A_477 : i32 to vector<16xi32>
        %gather3A_479 = tpu.vector_load_idx %arg19[%sub3A_476, %broadcast_in_dim3A_478] : memref<256x8xf32, #tpu.memory_space<vmem>>[vector<16xi32>, vector<16xi32>], vector<16xf32>,
        %broadcast_in_dim3A_480 = arith.constant 1 : i32
        %broadcast_in_dim3A_481 = vector.broadcast %broadcast_in_dim3A_480 : i32 to vector<16xi32>
        %gather3A_482 = tpu.vector_load_idx %arg19[%sub3A_476, %broadcast_in_dim3A_481] : memref<256x8xf32, #tpu.memory_space<vmem>>[vector<16xi32>, vector<16xi32>], vector<16xf32>,
        %broadcast_in_dim3A_483 = arith.constant 2 : i32
        %broadcast_in_dim3A_484 = vector.broadcast %broadcast_in_dim3A_483 : i32 to vector<16xi32>
        %gather3A_485 = tpu.vector_load_idx %arg19[%sub3A_476, %broadcast_in_dim3A_484] : memref<256x8xf32, #tpu.memory_space<vmem>>[vector<16xi32>, vector<16xi32>], vector<16xf32>,
        %broadcast_in_dim3A_486 = arith.constant 3 : i32
        %broadcast_in_dim3A_487 = vector.broadcast %broadcast_in_dim3A_486 : i32 to vector<16xi32>
        %gather3A_488 = tpu.vector_load_idx %arg19[%sub3A_476, %broadcast_in_dim3A_487] : memref<256x8xf32, #tpu.memory_space<vmem>>[vector<16xi32>, vector<16xi32>], vector<16xf32>,
        %broadcast_in_dim3A_489 = arith.constant 0 : i32
        %broadcast_in_dim3A_490 = vector.broadcast %broadcast_in_dim3A_489 : i32 to vector<16xi32>
        %gather3A_491 = tpu.vector_load_idx %arg20[%add3A_470, %broadcast_in_dim3A_490] : memref<2048x8xf32, #tpu.memory_space<vmem>>[vector<16xi32>, vector<16xi32>], vector<16xf32>,
        %broadcast_in_dim3A_492 = arith.constant 1 : i32
        %broadcast_in_dim3A_493 = vector.broadcast %broadcast_in_dim3A_492 : i32 to vector<16xi32>
        %gather3A_494 = tpu.vector_load_idx %arg20[%add3A_470, %broadcast_in_dim3A_493] : memref<2048x8xf32, #tpu.memory_space<vmem>>[vector<16xi32>, vector<16xi32>], vector<16xf32>,
        %broadcast_in_dim3A_495 = arith.constant 2 : i32
        %broadcast_in_dim3A_496 = vector.broadcast %broadcast_in_dim3A_495 : i32 to vector<16xi32>
        %gather3A_497 = tpu.vector_load_idx %arg20[%add3A_470, %broadcast_in_dim3A_496] : memref<2048x8xf32, #tpu.memory_space<vmem>>[vector<16xi32>, vector<16xi32>], vector<16xf32>,
        %broadcast_in_dim3A_498 = arith.constant 3 : i32
        %broadcast_in_dim3A_499 = vector.broadcast %broadcast_in_dim3A_498 : i32 to vector<16xi32>
        %gather3A_500 = tpu.vector_load_idx %arg20[%add3A_470, %broadcast_in_dim3A_499] : memref<2048x8xf32, #tpu.memory_space<vmem>>[vector<16xi32>, vector<16xi32>], vector<16xf32>,
        %mul3A_501 = arith.mulf %gather3A_479, %gather3A_491 : vector<16xf32>
        %mul3A_502 = arith.mulf %gather3A_482, %gather3A_494 : vector<16xf32>
        %add3A_503 = arith.addf %mul3A_501, %mul3A_502 : vector<16xf32>
        %mul3A_504 = arith.mulf %gather3A_485, %gather3A_497 : vector<16xf32>
        %add3A_505 = arith.addf %add3A_503, %mul3A_504 : vector<16xf32>
        %neg3A_506 = arith.constant 0.000000e+00 : f32
        %neg3A_507 = vector.broadcast %neg3A_506 : f32 to vector<16xf32>
        %neg3A_508 = arith.subf %neg3A_507, %add3A_505 : vector<16xf32>
        %max3A_509 = arith.constant -1.000000e+00 : f32
        %max3A_510 = vector.broadcast %max3A_509 : f32 to vector<16xf32>
        %max3A_511 = arith.maximumf %neg3A_508, %max3A_510 : vector<16xf32>
        %min3A_512 = arith.constant 1.000000e+00 : f32
        %min3A_513 = vector.broadcast %min3A_512 : f32 to vector<16xf32>
        %min3A_514 = arith.minimumf %max3A_511, %min3A_513 : vector<16xf32>
        %add3A_515 = arith.constant 1.000000e+00 : f32
        %add3A_516 = vector.broadcast %add3A_515 : f32 to vector<16xf32>
        %add3A_517 = arith.addf %min3A_514, %add3A_516 : vector<16xf32>
        %mul3A_518 = arith.constant 3.000000e+00 : f32
        %mul3A_519 = vector.broadcast %mul3A_518 : f32 to vector<16xf32>
        %mul3A_520 = arith.mulf %add3A_517, %mul3A_519 : vector<16xf32>
        %convert_element_type3A_521 = arith.fptosi %mul3A_520 : vector<16xf32> to vector<16xi32>
        %min3A_522 = arith.constant 5 : i32
        %min3A_523 = vector.broadcast %min3A_522 : i32 to vector<16xi32>
        %min3A_524 = arith.minsi %convert_element_type3A_521, %min3A_523 : vector<16xi32>
        %convert_element_type3A_525 = arith.sitofp %min3A_524 : vector<16xi32> to vector<16xf32>
        %mul3A_526 = arith.constant 0.333333343 : f32
        %mul3A_527 = vector.broadcast %mul3A_526 : f32 to vector<16xf32>
        %mul3A_528 = arith.mulf %convert_element_type3A_525, %mul3A_527 : vector<16xf32>
        %sub3A_529 = arith.constant 1.000000e+00 : f32
        %sub3A_530 = vector.broadcast %sub3A_529 : f32 to vector<16xf32>
        %sub3A_531 = arith.subf %mul3A_528, %sub3A_530 : vector<16xf32>
        %sub3A_532 = arith.subf %min3A_514, %sub3A_531 : vector<16xf32>
        %gather3A_533 = tpu.vector_load_idx %arg24[%min3A_524] : memref<32xf32, #tpu.memory_space<vmem>>[vector<16xi32>], vector<16xf32>,
        %add3A_534 = arith.constant 8 : i32
        %add3A_535 = vector.broadcast %add3A_534 : i32 to vector<16xi32>
        %add3A_536 = arith.addi %min3A_524, %add3A_535 : vector<16xi32>
        %gather3A_537 = tpu.vector_load_idx %arg24[%add3A_536] : memref<32xf32, #tpu.memory_space<vmem>>[vector<16xi32>], vector<16xf32>,
        %add3A_538 = arith.constant 16 : i32
        %add3A_539 = vector.broadcast %add3A_538 : i32 to vector<16xi32>
        %add3A_540 = arith.addi %min3A_524, %add3A_539 : vector<16xi32>
        %gather3A_541 = tpu.vector_load_idx %arg24[%add3A_540] : memref<32xf32, #tpu.memory_space<vmem>>[vector<16xi32>], vector<16xf32>,
        %add3A_542 = arith.constant 24 : i32
        %add3A_543 = vector.broadcast %add3A_542 : i32 to vector<16xi32>
        %add3A_544 = arith.addi %min3A_524, %add3A_543 : vector<16xi32>
        %gather3A_545 = tpu.vector_load_idx %arg24[%add3A_544] : memref<32xf32, #tpu.memory_space<vmem>>[vector<16xi32>], vector<16xf32>,
        %mul3A_546 = arith.mulf %sub3A_532, %gather3A_545 : vector<16xf32>
        %add3A_547 = arith.addf %gather3A_541, %mul3A_546 : vector<16xf32>
        %mul3A_548 = arith.mulf %sub3A_532, %add3A_547 : vector<16xf32>
        %add3A_549 = arith.addf %gather3A_537, %mul3A_548 : vector<16xf32>
        %mul3A_550 = arith.mulf %sub3A_532, %add3A_549 : vector<16xf32>
        %add3A_551 = arith.addf %gather3A_533, %mul3A_550 : vector<16xf32>
        %mul3A_552 = arith.mulf %gather3A_488, %gather3A_500 : vector<16xf32>
        %mul3A_553 = arith.mulf %mul3A_552, %add3A_551 : vector<16xf32>
        %lt3A_554 = arith.constant 550 : i32
        %lt3A_555 = vector.broadcast %lt3A_554 : i32 to vector<16xi32>
        %lt3A_556 = arith.cmpi slt, %add3A_470, %lt3A_555 : vector<16xi32>
        %and3A_557 = vector.broadcast %eq3A_124 : i1 to vector<16xi1>
        %and3A_558 = arith.andi %and3A_557, %lt3A_556 : vector<16xi1>
        %or3A_559 = vector.broadcast %ge3A_126 : i1 to vector<16xi1>
        %or3A_560 = arith.ori %and3A_558, %or3A_559 : vector<16xi1>
        %jit3A_561 = arith.constant 0.000000e+00 : f32
        %broadcast_in_dim3A_562 = vector.broadcast %jit3A_561 : f32 to vector<16xf32>
        %select_n3A_563 = arith.select %or3A_560, %broadcast_in_dim3A_562, %mul3A_553 : vector<16xi1>, vector<16xf32>
        %mul3A_564 = arith.constant 16 : i32
        %mul3A_565 = arith.muli %add3A_465, %mul3A_564 : i32
        %swap3A_566 = arith.index_cast %mul3A_565 : i32 to index
        %swap3A_567 = tpu.vector_load %arg21[%swap3A_566] {strides = array<i32>} : memref<2048xf32, #tpu.memory_space<vmem>>, vector<16xf32>,
        tpu.vector_store %arg21[%swap3A_566], %select_n3A_563 {strides = array<i32>} : memref<2048xf32, #tpu.memory_space<vmem>>, vector<16xf32>,
      }
      %scan3A_143 = arith.constant 128 : i32
      %dma_start3A_144 = arith.constant 0 : i32
      %dma_start3A_145 = tpu.memref_slice %arg25[%dma_start3A_144] : memref<802816xf32, #tpu.memory_space<vmem_shared>> -> memref<802816xf32, #tpu.memory_space<vmem_shared>>
      tpu.enqueue_indirect_dma source(%arg21 : memref<2048xf32, #tpu.memory_space<vmem>>) target(%dma_start3A_145 : memref<802816xf32, #tpu.memory_space<vmem_shared>>) offsets(%arg18 : memref<2048xi32, #tpu.memory_space<vmem>>) semaphore(%arg23 : memref<!tpu.dma_semaphore, #tpu.memory_space<semaphore_mem>>) {add = true}
    }
    %scan3A_34 = arith.constant 98 : i32
    %dma_wait3A = arith.constant 0 : i32
    %dma_wait3A_35 = tpu.memref_slice %arg25[%dma_wait3A] : memref<802816xf32, #tpu.memory_space<vmem_shared>> -> memref<802816xf32, #tpu.memory_space<vmem_shared>>
    tpu.wait_indirect_dma semaphore(%arg23 : memref<!tpu.dma_semaphore, #tpu.memory_space<semaphore_mem>>) src(%arg21 : memref<2048xf32, #tpu.memory_space<vmem>>) dst(%dma_wait3A_35 : memref<802816xf32, #tpu.memory_space<vmem_shared>>)
    %barrier3A_36 = arith.constant 0 : index
    tpu.barrier barrier_id(%barrier3A_36)
    %mul3A_37 = arith.constant 50176 : i32
    %mul3A_38 = arith.muli %arg1, %mul3A_37 : i32
    %mul3A_39 = arith.constant 802816 : i32
    %mul3A_40 = arith.muli %arg0, %mul3A_39 : i32
    %mul3A_41 = arith.constant 50176 : i32
    %mul3A_42 = arith.muli %arg1, %mul3A_41 : i32
    %add3A_43 = arith.addi %mul3A_40, %mul3A_42 : i32
    "tpu.region"() ({
      %run_scoped3A = tpu.sem_alloc : memref<!tpu.dma_semaphore, #tpu.memory_space<semaphore_mem>>
      %dma_start3A_44 = tpu.memref_slice %arg9[%add3A_43] : memref<1605632xf32, #tpu.memory_space<hbm>> -> memref<50176xf32, #tpu.memory_space<hbm>>
      %dma_start3A_45 = tpu.memref_slice %arg25[%mul3A_38] : memref<802816xf32, #tpu.memory_space<vmem_shared>> -> memref<50176xf32, #tpu.memory_space<vmem_shared>>
      tpu.enqueue_dma source(%dma_start3A_45 : memref<50176xf32, #tpu.memory_space<vmem_shared>>) target(%dma_start3A_44 : memref<50176xf32, #tpu.memory_space<hbm>>) target_semaphore(%run_scoped3A : memref<!tpu.dma_semaphore, #tpu.memory_space<semaphore_mem>>)
      %dma_wait3A_46 = tpu.memref_slice %arg9[%add3A_43] : memref<1605632xf32, #tpu.memory_space<hbm>> -> memref<50176xf32, #tpu.memory_space<hbm>>
      %dma_wait3A_47 = tpu.memref_slice %arg25[%mul3A_38] : memref<802816xf32, #tpu.memory_space<vmem_shared>> -> memref<50176xf32, #tpu.memory_space<vmem_shared>>
      tpu.wait_dma2 semaphore(%run_scoped3A : memref<!tpu.dma_semaphore, #tpu.memory_space<semaphore_mem>>) src(%dma_wait3A_47 : memref<50176xf32, #tpu.memory_space<vmem_shared>>) dst(%dma_wait3A_46 : memref<50176xf32, #tpu.memory_space<hbm>>)
      tpu.yield
    }) : () -> ()
    return
  }
}

#map = affine_map<(d0, d1) -> (0)>
#map1 = affine_map<(d0, d1) -> (0, 0)>
module attributes {stable_mosaic.version = 14 : i64} {
  func.func @_interleave_body(%arg0: i32, %arg1: i32, %arg2: memref<802816xf32, #tpu.memory_space<hbm>>, %arg3: memref<802816xf32, #tpu.memory_space<hbm>>, %arg4: memref<802816xf32, #tpu.memory_space<hbm>>, %arg5: memref<802816xf32, #tpu.memory_space<hbm>>, %arg6: memref<802816x8xf32, #tpu.memory_space<hbm>>, %arg7: memref<1568xf32, #tpu.memory_space<vmem>>, %arg8: memref<1568xf32, #tpu.memory_space<vmem>>, %arg9: memref<1568xf32, #tpu.memory_space<vmem>>, %arg10: memref<1568xf32, #tpu.memory_space<vmem>>, %arg11: memref<1568x8xf32, #tpu.memory_space<vmem>>, %arg12: memref<!tpu.dma_semaphore, #tpu.memory_space<semaphore_mem>>) attributes {dimension_semantics = [#tpu.dimension_semantics<core_parallel>, #tpu.dimension_semantics<subcore_parallel>], iteration_bounds = array<i64: 2, 16>, scalar_prefetch = 0 : i64, scratch_operands = 6 : i64, tpu.core_type = #tpu.core_type<sc_vector_subcore>, window_params = [{transform_indices = #map}, {transform_indices = #map}, {transform_indices = #map}, {transform_indices = #map}, {transform_indices = #map1}]} {
    %mul3A = arith.constant 16 : i32
    %mul3A_0 = arith.muli %arg0, %mul3A : i32
    %add3A = arith.addi %mul3A_0, %arg1 : i32
    %scan3A = arith.constant 0 : i32
    %scan3A_1 = arith.constant 784 : i32
    %scan3A_2 = arith.addi %scan3A, %scan3A_1 : i32
    %scan3A_3 = arith.constant 1 : i32
    scf.for %scan3A_10 = %scan3A to %scan3A_2 step %scan3A_3  : i32 {
      %mul3A_11 = arith.constant 1 : i32
      %mul3A_12 = arith.muli %scan3A_10, %mul3A_11 : i32
      %add3A_13 = arith.constant 0 : i32
      %add3A_14 = arith.addi %add3A_13, %mul3A_12 : i32
      %broadcast_in_dim3A = arith.constant 0.000000e+00 : f32
      %broadcast_in_dim3A_15 = vector.broadcast %broadcast_in_dim3A : f32 to vector<16xf32>
      %mul3A_16 = arith.constant 2 : i32
      %mul3A_17 = arith.muli %add3A_14, %mul3A_16 : i32
      %iota3A = tpu.iota {dimensions = array<i32: 0>} : vector<16xi32>
      %jit3A = arith.constant 8 : i32
      %div3A = vector.broadcast %jit3A : i32 to vector<16xi32>
      %div3A_18 = arith.divsi %iota3A, %div3A : vector<16xi32>
      %sign3A = arith.constant 0 : i32
      %sign3A_19 = vector.broadcast %sign3A : i32 to vector<16xi32>
      %sign3A_20 = arith.cmpi sgt, %iota3A, %sign3A_19 : vector<16xi32>
      %sign3A_21 = arith.extui %sign3A_20 : vector<16xi1> to vector<16xi32>
      %sign3A_22 = arith.constant 0 : i32
      %sign3A_23 = vector.broadcast %sign3A_22 : i32 to vector<16xi32>
      %sign3A_24 = arith.cmpi slt, %iota3A, %sign3A_23 : vector<16xi32>
      %sign3A_25 = arith.extui %sign3A_24 : vector<16xi1> to vector<16xi32>
      %sign3A_26 = arith.subi %sign3A_21, %sign3A_25 : vector<16xi32>
      %sign3A_27 = arith.constant 0 : i32
      %sign3A_28 = arith.cmpi sgt, %jit3A, %sign3A_27 : i32
      %sign3A_29 = arith.extui %sign3A_28 : i1 to i32
      %sign3A_30 = arith.constant 0 : i32
      %sign3A_31 = arith.cmpi slt, %jit3A, %sign3A_30 : i32
      %sign3A_32 = arith.extui %sign3A_31 : i1 to i32
      %sign3A_33 = arith.subi %sign3A_29, %sign3A_32 : i32
      %ne3A = vector.broadcast %sign3A_33 : i32 to vector<16xi32>
      %ne3A_34 = arith.cmpi ne, %sign3A_26, %ne3A : vector<16xi32>
      %rem3A = vector.broadcast %jit3A : i32 to vector<16xi32>
      %rem3A_35 = arith.remsi %iota3A, %rem3A : vector<16xi32>
      %ne3A_36 = arith.constant 0 : i32
      %ne3A_37 = vector.broadcast %ne3A_36 : i32 to vector<16xi32>
      %ne3A_38 = arith.cmpi ne, %rem3A_35, %ne3A_37 : vector<16xi32>
      %and3A = arith.andi %ne3A_34, %ne3A_38 : vector<16xi1>
      %sub3A = arith.constant 1 : i32
      %sub3A_39 = vector.broadcast %sub3A : i32 to vector<16xi32>
      %sub3A_40 = arith.subi %div3A_18, %sub3A_39 : vector<16xi32>
      %select_n3A = arith.select %and3A, %sub3A_40, %div3A_18 : vector<16xi1>, vector<16xi32>
      %add3A_41 = vector.broadcast %mul3A_17 : i32 to vector<16xi32>
      %add3A_42 = arith.addi %add3A_41, %select_n3A : vector<16xi32>
      %iota3A_43 = tpu.iota {dimensions = array<i32: 0>} : vector<16xi32>
      %jit3A_44 = arith.constant 8 : i32
      %eq3A = arith.constant 0 : i32
      %eq3A_45 = arith.cmpi eq, %jit3A_44, %eq3A : i32
      %jit3A_46 = arith.constant 1 : i32
      %select_n3A_47 = arith.select %eq3A_45, %jit3A_46, %jit3A_44 : i32
      %rem3A_48 = vector.broadcast %select_n3A_47 : i32 to vector<16xi32>
      %rem3A_49 = arith.remsi %iota3A_43, %rem3A_48 : vector<16xi32>
      %ne3A_50 = arith.constant 0 : i32
      %ne3A_51 = vector.broadcast %ne3A_50 : i32 to vector<16xi32>
      %ne3A_52 = arith.cmpi ne, %rem3A_49, %ne3A_51 : vector<16xi32>
      %lt3A = arith.constant 0 : i32
      %lt3A_53 = vector.broadcast %lt3A : i32 to vector<16xi32>
      %lt3A_54 = arith.cmpi slt, %rem3A_49, %lt3A_53 : vector<16xi32>
      %lt3A_55 = arith.constant 0 : i32
      %lt3A_56 = arith.cmpi slt, %select_n3A_47, %lt3A_55 : i32
      %ne3A_57 = vector.broadcast %lt3A_56 : i1 to vector<16xi1>
      %ne3A_58 = vector.broadcast %ne3A_57 : vector<16xi1> to vector<16xi1>
      %ne3A_59 = arith.xori %lt3A_54, %ne3A_58 : vector<16xi1>
      %and3A_60 = arith.andi %ne3A_59, %ne3A_52 : vector<16xi1>
      %add3A_61 = vector.broadcast %select_n3A_47 : i32 to vector<16xi32>
      %add3A_62 = arith.addi %rem3A_49, %add3A_61 : vector<16xi32>
      %select_n3A_63 = arith.select %and3A_60, %add3A_62, %rem3A_49 : vector<16xi1>, vector<16xi32>
      tpu.vector_store_idx %arg11[%add3A_42, %select_n3A_63], %broadcast_in_dim3A_15 : memref<1568x8xf32, #tpu.memory_space<vmem>>[vector<16xi32>, vector<16xi32>], vector<16xf32>,
    }
    %scan3A_4 = arith.constant 784 : i32
    %scan3A_5 = arith.constant 0 : i32
    %scan3A_6 = arith.constant 16 : i32
    %scan3A_7 = arith.addi %scan3A_5, %scan3A_6 : i32
    %scan3A_8 = arith.constant 1 : i32
    scf.for %scan3A_10 = %scan3A_5 to %scan3A_7 step %scan3A_8  : i32 {
      %mul3A_11 = arith.constant 1 : i32
      %mul3A_12 = arith.muli %scan3A_10, %mul3A_11 : i32
      %add3A_13 = arith.constant 0 : i32
      %add3A_14 = arith.addi %add3A_13, %mul3A_12 : i32
      %mul3A_15 = arith.constant 25088 : i32
      %mul3A_16 = arith.muli %add3A, %mul3A_15 : i32
      %mul3A_17 = arith.constant 1568 : i32
      %mul3A_18 = arith.muli %add3A_14, %mul3A_17 : i32
      %add3A_19 = arith.addi %mul3A_16, %mul3A_18 : i32
      "tpu.region"() ({
        %run_scoped3A = tpu.sem_alloc : memref<!tpu.dma_semaphore, #tpu.memory_space<semaphore_mem>>
        %dma_start3A = tpu.memref_slice %arg2[%add3A_19] : memref<802816xf32, #tpu.memory_space<hbm>> -> memref<1568xf32, #tpu.memory_space<hbm>>
        %dma_start3A_25 = tpu.memref_slice %arg2[%add3A_19] : memref<802816xf32, #tpu.memory_space<hbm>> -> memref<1568xf32, #tpu.memory_space<hbm>>
        tpu.enqueue_dma source(%dma_start3A_25 : memref<1568xf32, #tpu.memory_space<hbm>>) target(%arg7 : memref<1568xf32, #tpu.memory_space<vmem>>) target_semaphore(%run_scoped3A : memref<!tpu.dma_semaphore, #tpu.memory_space<semaphore_mem>>)
        %dma_wait3A = tpu.memref_slice %arg2[%add3A_19] : memref<802816xf32, #tpu.memory_space<hbm>> -> memref<1568xf32, #tpu.memory_space<hbm>>
        %dma_wait3A_26 = tpu.memref_slice %arg2[%add3A_19] : memref<802816xf32, #tpu.memory_space<hbm>> -> memref<1568xf32, #tpu.memory_space<hbm>>
        tpu.wait_dma2 semaphore(%run_scoped3A : memref<!tpu.dma_semaphore, #tpu.memory_space<semaphore_mem>>) src(%dma_wait3A_26 : memref<1568xf32, #tpu.memory_space<hbm>>) dst(%arg7 : memref<1568xf32, #tpu.memory_space<vmem>>)
        tpu.yield
      }) : () -> ()
      "tpu.region"() ({
        %run_scoped3A = tpu.sem_alloc : memref<!tpu.dma_semaphore, #tpu.memory_space<semaphore_mem>>
        %dma_start3A = tpu.memref_slice %arg3[%add3A_19] : memref<802816xf32, #tpu.memory_space<hbm>> -> memref<1568xf32, #tpu.memory_space<hbm>>
        %dma_start3A_25 = tpu.memref_slice %arg3[%add3A_19] : memref<802816xf32, #tpu.memory_space<hbm>> -> memref<1568xf32, #tpu.memory_space<hbm>>
        tpu.enqueue_dma source(%dma_start3A_25 : memref<1568xf32, #tpu.memory_space<hbm>>) target(%arg8 : memref<1568xf32, #tpu.memory_space<vmem>>) target_semaphore(%run_scoped3A : memref<!tpu.dma_semaphore, #tpu.memory_space<semaphore_mem>>)
        %dma_wait3A = tpu.memref_slice %arg3[%add3A_19] : memref<802816xf32, #tpu.memory_space<hbm>> -> memref<1568xf32, #tpu.memory_space<hbm>>
        %dma_wait3A_26 = tpu.memref_slice %arg3[%add3A_19] : memref<802816xf32, #tpu.memory_space<hbm>> -> memref<1568xf32, #tpu.memory_space<hbm>>
        tpu.wait_dma2 semaphore(%run_scoped3A : memref<!tpu.dma_semaphore, #tpu.memory_space<semaphore_mem>>) src(%dma_wait3A_26 : memref<1568xf32, #tpu.memory_space<hbm>>) dst(%arg8 : memref<1568xf32, #tpu.memory_space<vmem>>)
        tpu.yield
      }) : () -> ()
      "tpu.region"() ({
        %run_scoped3A = tpu.sem_alloc : memref<!tpu.dma_semaphore, #tpu.memory_space<semaphore_mem>>
        %dma_start3A = tpu.memref_slice %arg4[%add3A_19] : memref<802816xf32, #tpu.memory_space<hbm>> -> memref<1568xf32, #tpu.memory_space<hbm>>
        %dma_start3A_25 = tpu.memref_slice %arg4[%add3A_19] : memref<802816xf32, #tpu.memory_space<hbm>> -> memref<1568xf32, #tpu.memory_space<hbm>>
        tpu.enqueue_dma source(%dma_start3A_25 : memref<1568xf32, #tpu.memory_space<hbm>>) target(%arg9 : memref<1568xf32, #tpu.memory_space<vmem>>) target_semaphore(%run_scoped3A : memref<!tpu.dma_semaphore, #tpu.memory_space<semaphore_mem>>)
        %dma_wait3A = tpu.memref_slice %arg4[%add3A_19] : memref<802816xf32, #tpu.memory_space<hbm>> -> memref<1568xf32, #tpu.memory_space<hbm>>
        %dma_wait3A_26 = tpu.memref_slice %arg4[%add3A_19] : memref<802816xf32, #tpu.memory_space<hbm>> -> memref<1568xf32, #tpu.memory_space<hbm>>
        tpu.wait_dma2 semaphore(%run_scoped3A : memref<!tpu.dma_semaphore, #tpu.memory_space<semaphore_mem>>) src(%dma_wait3A_26 : memref<1568xf32, #tpu.memory_space<hbm>>) dst(%arg9 : memref<1568xf32, #tpu.memory_space<vmem>>)
        tpu.yield
      }) : () -> ()
      "tpu.region"() ({
        %run_scoped3A = tpu.sem_alloc : memref<!tpu.dma_semaphore, #tpu.memory_space<semaphore_mem>>
        %dma_start3A = tpu.memref_slice %arg5[%add3A_19] : memref<802816xf32, #tpu.memory_space<hbm>> -> memref<1568xf32, #tpu.memory_space<hbm>>
        %dma_start3A_25 = tpu.memref_slice %arg5[%add3A_19] : memref<802816xf32, #tpu.memory_space<hbm>> -> memref<1568xf32, #tpu.memory_space<hbm>>
        tpu.enqueue_dma source(%dma_start3A_25 : memref<1568xf32, #tpu.memory_space<hbm>>) target(%arg10 : memref<1568xf32, #tpu.memory_space<vmem>>) target_semaphore(%run_scoped3A : memref<!tpu.dma_semaphore, #tpu.memory_space<semaphore_mem>>)
        %dma_wait3A = tpu.memref_slice %arg5[%add3A_19] : memref<802816xf32, #tpu.memory_space<hbm>> -> memref<1568xf32, #tpu.memory_space<hbm>>
        %dma_wait3A_26 = tpu.memref_slice %arg5[%add3A_19] : memref<802816xf32, #tpu.memory_space<hbm>> -> memref<1568xf32, #tpu.memory_space<hbm>>
        tpu.wait_dma2 semaphore(%run_scoped3A : memref<!tpu.dma_semaphore, #tpu.memory_space<semaphore_mem>>) src(%dma_wait3A_26 : memref<1568xf32, #tpu.memory_space<hbm>>) dst(%arg10 : memref<1568xf32, #tpu.memory_space<vmem>>)
        tpu.yield
      }) : () -> ()
      %scan3A_20 = arith.constant 0 : i32
      %scan3A_21 = arith.constant 98 : i32
      %scan3A_22 = arith.addi %scan3A_20, %scan3A_21 : i32
      %scan3A_23 = arith.constant 1 : i32
      scf.for %scan3A_25 = %scan3A_20 to %scan3A_22 step %scan3A_23  : i32 {
        %mul3A_26 = arith.constant 1 : i32
        %mul3A_27 = arith.muli %scan3A_25, %mul3A_26 : i32
        %add3A_28 = arith.constant 0 : i32
        %add3A_29 = arith.addi %add3A_28, %mul3A_27 : i32
        %mul3A_30 = arith.constant 16 : i32
        %mul3A_31 = arith.muli %add3A_29, %mul3A_30 : i32
        %iota3A = tpu.iota {dimensions = array<i32: 0>} : vector<16xi32>
        %add3A_32 = vector.broadcast %mul3A_31 : i32 to vector<16xi32>
        %add3A_33 = arith.addi %add3A_32, %iota3A : vector<16xi32>
        %mul3A_34 = arith.constant 16 : i32
        %mul3A_35 = arith.muli %add3A_29, %mul3A_34 : i32
        %get3A = arith.index_cast %mul3A_35 : i32 to index
        %get3A_36 = tpu.vector_load %arg7[%get3A] {strides = array<i32>} : memref<1568xf32, #tpu.memory_space<vmem>>, vector<16xf32>,
        %broadcast_in_dim3A = arith.constant 0 : i32
        %broadcast_in_dim3A_37 = vector.broadcast %broadcast_in_dim3A : i32 to vector<16xi32>
        tpu.vector_store_idx %arg11[%add3A_33, %broadcast_in_dim3A_37], %get3A_36 : memref<1568x8xf32, #tpu.memory_space<vmem>>[vector<16xi32>, vector<16xi32>], vector<16xf32>,
        %mul3A_38 = arith.constant 16 : i32
        %mul3A_39 = arith.muli %add3A_29, %mul3A_38 : i32
        %get3A_40 = arith.index_cast %mul3A_39 : i32 to index
        %get3A_41 = tpu.vector_load %arg8[%get3A_40] {strides = array<i32>} : memref<1568xf32, #tpu.memory_space<vmem>>, vector<16xf32>,
        %broadcast_in_dim3A_42 = arith.constant 1 : i32
        %broadcast_in_dim3A_43 = vector.broadcast %broadcast_in_dim3A_42 : i32 to vector<16xi32>
        tpu.vector_store_idx %arg11[%add3A_33, %broadcast_in_dim3A_43], %get3A_41 : memref<1568x8xf32, #tpu.memory_space<vmem>>[vector<16xi32>, vector<16xi32>], vector<16xf32>,
        %mul3A_44 = arith.constant 16 : i32
        %mul3A_45 = arith.muli %add3A_29, %mul3A_44 : i32
        %get3A_46 = arith.index_cast %mul3A_45 : i32 to index
        %get3A_47 = tpu.vector_load %arg9[%get3A_46] {strides = array<i32>} : memref<1568xf32, #tpu.memory_space<vmem>>, vector<16xf32>,
        %broadcast_in_dim3A_48 = arith.constant 2 : i32
        %broadcast_in_dim3A_49 = vector.broadcast %broadcast_in_dim3A_48 : i32 to vector<16xi32>
        tpu.vector_store_idx %arg11[%add3A_33, %broadcast_in_dim3A_49], %get3A_47 : memref<1568x8xf32, #tpu.memory_space<vmem>>[vector<16xi32>, vector<16xi32>], vector<16xf32>,
        %mul3A_50 = arith.constant 16 : i32
        %mul3A_51 = arith.muli %add3A_29, %mul3A_50 : i32
        %get3A_52 = arith.index_cast %mul3A_51 : i32 to index
        %get3A_53 = tpu.vector_load %arg10[%get3A_52] {strides = array<i32>} : memref<1568xf32, #tpu.memory_space<vmem>>, vector<16xf32>,
        %broadcast_in_dim3A_54 = arith.constant 3 : i32
        %broadcast_in_dim3A_55 = vector.broadcast %broadcast_in_dim3A_54 : i32 to vector<16xi32>
        tpu.vector_store_idx %arg11[%add3A_33, %broadcast_in_dim3A_55], %get3A_53 : memref<1568x8xf32, #tpu.memory_space<vmem>>[vector<16xi32>, vector<16xi32>], vector<16xf32>,
      }
      %scan3A_24 = arith.constant 98 : i32
      "tpu.region"() ({
        %run_scoped3A = tpu.sem_alloc : memref<!tpu.dma_semaphore, #tpu.memory_space<semaphore_mem>>
        %dma_start3A = arith.constant 0 : i32
        %dma_start3A_25 = tpu.memref_slice %arg6[%add3A_19, %dma_start3A] : memref<802816x8xf32, #tpu.memory_space<hbm>> -> memref<1568x8xf32, #tpu.memory_space<hbm>>
        %dma_start3A_26 = arith.constant 0 : i32
        %dma_start3A_27 = tpu.memref_slice %arg6[%add3A_19, %dma_start3A_26] : memref<802816x8xf32, #tpu.memory_space<hbm>> -> memref<1568x8xf32, #tpu.memory_space<hbm>>
        tpu.enqueue_dma source(%arg11 : memref<1568x8xf32, #tpu.memory_space<vmem>>) target(%dma_start3A_27 : memref<1568x8xf32, #tpu.memory_space<hbm>>) target_semaphore(%run_scoped3A : memref<!tpu.dma_semaphore, #tpu.memory_space<semaphore_mem>>)
        %dma_wait3A = arith.constant 0 : i32
        %dma_wait3A_28 = tpu.memref_slice %arg6[%add3A_19, %dma_wait3A] : memref<802816x8xf32, #tpu.memory_space<hbm>> -> memref<1568x8xf32, #tpu.memory_space<hbm>>
        %dma_wait3A_29 = arith.constant 0 : i32
        %dma_wait3A_30 = tpu.memref_slice %arg6[%add3A_19, %dma_wait3A_29] : memref<802816x8xf32, #tpu.memory_space<hbm>> -> memref<1568x8xf32, #tpu.memory_space<hbm>>
        tpu.wait_dma2 semaphore(%run_scoped3A : memref<!tpu.dma_semaphore, #tpu.memory_space<semaphore_mem>>) src(%arg11 : memref<1568x8xf32, #tpu.memory_space<vmem>>) dst(%dma_wait3A_30 : memref<1568x8xf32, #tpu.memory_space<hbm>>)
        tpu.yield
      }) : () -> ()
    }
    %scan3A_9 = arith.constant 16 : i32
    return
  }
}

module attributes {stable_mosaic.version = 14 : i64} {
  func.func @_edge_kernel(%arg0: i32, %arg1: memref<6x4xf32, #tpu.memory_space<smem>>, %arg2: memref<784x128xf32, #tpu.memory_space<vmem>>, %arg3: memref<784x128xf32, #tpu.memory_space<vmem>>, %arg4: memref<784x128xf32, #tpu.memory_space<vmem>>, %arg5: memref<784x128xf32, #tpu.memory_space<vmem>>, %arg6: memref<784x128xf32, #tpu.memory_space<vmem>>, %arg7: memref<784x128xf32, #tpu.memory_space<vmem>>, %arg8: memref<784x128xf32, #tpu.memory_space<vmem>>) attributes {dimension_semantics = [#tpu.dimension_semantics<arbitrary>], iteration_bounds = array<i64: 8>, scalar_prefetch = 0 : i64, scratch_operands = 0 : i64, tpu.core_type = #tpu.core_type<tc>, window_params = [{transform_indices = @transform_0, window_bounds = array<i64: 6, 4>}, {transform_indices = @transform_1, window_bounds = array<i64: 784, 128>}, {transform_indices = @transform_2, window_bounds = array<i64: 784, 128>}, {transform_indices = @transform_3, window_bounds = array<i64: 784, 128>}, {transform_indices = @transform_4, window_bounds = array<i64: 784, 128>}, {transform_indices = @transform_5, window_bounds = array<i64: 784, 128>}, {transform_indices = @transform_6, window_bounds = array<i64: 784, 128>}, {transform_indices = @transform_7, window_bounds = array<i64: 784, 128>}]} {
    %get3A = arith.constant 0 : index
    %get3A_0 = arith.constant 0 : index
    %get3A_1 = vector.load %arg2[%get3A, %get3A_0] : memref<784x128xf32, #tpu.memory_space<vmem>>, vector<784x128xf32>
    %get3A_2 = arith.constant 0 : index
    %get3A_3 = arith.constant 0 : index
    %get3A_4 = vector.load %arg3[%get3A_2, %get3A_3] : memref<784x128xf32, #tpu.memory_space<vmem>>, vector<784x128xf32>
    %get3A_5 = arith.constant 0 : index
    %get3A_6 = arith.constant 0 : index
    %get3A_7 = vector.load %arg4[%get3A_5, %get3A_6] : memref<784x128xf32, #tpu.memory_space<vmem>>, vector<784x128xf32>
    %mul3A = arith.mulf %get3A_1, %get3A_1 : vector<784x128xf32>
    %mul3A_8 = arith.mulf %get3A_4, %get3A_4 : vector<784x128xf32>
    %add3A = arith.addf %mul3A, %mul3A_8 : vector<784x128xf32>
    %mul3A_9 = arith.mulf %get3A_7, %get3A_7 : vector<784x128xf32>
    %add3A_10 = arith.addf %add3A, %mul3A_9 : vector<784x128xf32>
    %sqrt3A = math.sqrt %add3A_10 : vector<784x128xf32>
    %div3A = arith.constant 1.000000e+00 : f32
    %div3A_11 = vector.broadcast %div3A : f32 to vector<784x128xf32>
    %div3A_12 = arith.divf %div3A_11, %sqrt3A : vector<784x128xf32>
    %mul3A_13 = arith.mulf %get3A_1, %div3A_12 : vector<784x128xf32>
    %swap3A = arith.constant 0 : index
    %swap3A_14 = arith.constant 0 : index
    %swap3A_15 = vector.load %arg5[%swap3A, %swap3A_14] : memref<784x128xf32, #tpu.memory_space<vmem>>, vector<784x128xf32>
    tpu.vector_store %arg5[%swap3A, %swap3A_14], %mul3A_13 {strides = array<i32>} : memref<784x128xf32, #tpu.memory_space<vmem>>, vector<784x128xf32>,
    %mul3A_16 = arith.mulf %get3A_4, %div3A_12 : vector<784x128xf32>
    %swap3A_17 = arith.constant 0 : index
    %swap3A_18 = arith.constant 0 : index
    %swap3A_19 = vector.load %arg6[%swap3A_17, %swap3A_18] : memref<784x128xf32, #tpu.memory_space<vmem>>, vector<784x128xf32>
    tpu.vector_store %arg6[%swap3A_17, %swap3A_18], %mul3A_16 {strides = array<i32>} : memref<784x128xf32, #tpu.memory_space<vmem>>, vector<784x128xf32>,
    %mul3A_20 = arith.mulf %get3A_7, %div3A_12 : vector<784x128xf32>
    %swap3A_21 = arith.constant 0 : index
    %swap3A_22 = arith.constant 0 : index
    %swap3A_23 = vector.load %arg7[%swap3A_21, %swap3A_22] : memref<784x128xf32, #tpu.memory_space<vmem>>, vector<784x128xf32>
    tpu.vector_store %arg7[%swap3A_21, %swap3A_22], %mul3A_20 {strides = array<i32>} : memref<784x128xf32, #tpu.memory_space<vmem>>, vector<784x128xf32>,
    %mul3A_24 = arith.constant 7.500000e-01 : f32
    %mul3A_25 = vector.broadcast %mul3A_24 : f32 to vector<784x128xf32>
    %mul3A_26 = arith.mulf %sqrt3A, %mul3A_25 : vector<784x128xf32>
    %convert_element_type3A = arith.fptosi %mul3A_26 : vector<784x128xf32> to vector<784x128xi32>
    %min3A = arith.constant 5 : i32
    %min3A_27 = vector.broadcast %min3A : i32 to vector<784x128xi32>
    %min3A_28 = arith.minsi %convert_element_type3A, %min3A_27 : vector<784x128xi32>
    %convert_element_type3A_29 = arith.sitofp %min3A_28 : vector<784x128xi32> to vector<784x128xf32>
    %mul3A_30 = arith.constant 1.33333337 : f32
    %mul3A_31 = vector.broadcast %mul3A_30 : f32 to vector<784x128xf32>
    %mul3A_32 = arith.mulf %convert_element_type3A_29, %mul3A_31 : vector<784x128xf32>
    %sub3A = arith.subf %sqrt3A, %mul3A_32 : vector<784x128xf32>
    %broadcast_in_dim3A = arith.constant 0.000000e+00 : f32
    %broadcast_in_dim3A_33 = vector.broadcast %broadcast_in_dim3A : f32 to vector<784x128xf32>
    %get3A_34 = arith.constant 0 : index
    %get3A_35 = arith.constant 0 : index
    %get3A_36 = memref.load %arg1[%get3A_34, %get3A_35] : memref<6x4xf32, #tpu.memory_space<smem>>
    %get3A_37 = arith.constant 0 : index
    %get3A_38 = arith.constant 1 : index
    %get3A_39 = memref.load %arg1[%get3A_37, %get3A_38] : memref<6x4xf32, #tpu.memory_space<smem>>
    %get3A_40 = arith.constant 0 : index
    %get3A_41 = arith.constant 2 : index
    %get3A_42 = memref.load %arg1[%get3A_40, %get3A_41] : memref<6x4xf32, #tpu.memory_space<smem>>
    %get3A_43 = arith.constant 0 : index
    %get3A_44 = arith.constant 3 : index
    %get3A_45 = memref.load %arg1[%get3A_43, %get3A_44] : memref<6x4xf32, #tpu.memory_space<smem>>
    %mul3A_46 = vector.broadcast %get3A_45 : f32 to vector<784x128xf32>
    %mul3A_47 = arith.mulf %sub3A, %mul3A_46 : vector<784x128xf32>
    %add3A_48 = vector.broadcast %get3A_42 : f32 to vector<784x128xf32>
    %add3A_49 = arith.addf %add3A_48, %mul3A_47 : vector<784x128xf32>
    %mul3A_50 = arith.mulf %sub3A, %add3A_49 : vector<784x128xf32>
    %add3A_51 = vector.broadcast %get3A_39 : f32 to vector<784x128xf32>
    %add3A_52 = arith.addf %add3A_51, %mul3A_50 : vector<784x128xf32>
    %mul3A_53 = arith.mulf %sub3A, %add3A_52 : vector<784x128xf32>
    %add3A_54 = vector.broadcast %get3A_36 : f32 to vector<784x128xf32>
    %add3A_55 = arith.addf %add3A_54, %mul3A_53 : vector<784x128xf32>
    %eq3A = arith.constant 0 : i32
    %eq3A_56 = vector.broadcast %eq3A : i32 to vector<784x128xi32>
    %eq3A_57 = arith.cmpi eq, %min3A_28, %eq3A_56 : vector<784x128xi32>
    %select_n3A = arith.select %eq3A_57, %add3A_55, %broadcast_in_dim3A_33 : vector<784x128xi1>, vector<784x128xf32>
    %get3A_58 = arith.constant 1 : index
    %get3A_59 = arith.constant 0 : index
    %get3A_60 = memref.load %arg1[%get3A_58, %get3A_59] : memref<6x4xf32, #tpu.memory_space<smem>>
    %get3A_61 = arith.constant 1 : index
    %get3A_62 = arith.constant 1 : index
    %get3A_63 = memref.load %arg1[%get3A_61, %get3A_62] : memref<6x4xf32, #tpu.memory_space<smem>>
    %get3A_64 = arith.constant 1 : index
    %get3A_65 = arith.constant 2 : index
    %get3A_66 = memref.load %arg1[%get3A_64, %get3A_65] : memref<6x4xf32, #tpu.memory_space<smem>>
    %get3A_67 = arith.constant 1 : index
    %get3A_68 = arith.constant 3 : index
    %get3A_69 = memref.load %arg1[%get3A_67, %get3A_68] : memref<6x4xf32, #tpu.memory_space<smem>>
    %mul3A_70 = vector.broadcast %get3A_69 : f32 to vector<784x128xf32>
    %mul3A_71 = arith.mulf %sub3A, %mul3A_70 : vector<784x128xf32>
    %add3A_72 = vector.broadcast %get3A_66 : f32 to vector<784x128xf32>
    %add3A_73 = arith.addf %add3A_72, %mul3A_71 : vector<784x128xf32>
    %mul3A_74 = arith.mulf %sub3A, %add3A_73 : vector<784x128xf32>
    %add3A_75 = vector.broadcast %get3A_63 : f32 to vector<784x128xf32>
    %add3A_76 = arith.addf %add3A_75, %mul3A_74 : vector<784x128xf32>
    %mul3A_77 = arith.mulf %sub3A, %add3A_76 : vector<784x128xf32>
    %add3A_78 = vector.broadcast %get3A_60 : f32 to vector<784x128xf32>
    %add3A_79 = arith.addf %add3A_78, %mul3A_77 : vector<784x128xf32>
    %eq3A_80 = arith.constant 1 : i32
    %eq3A_81 = vector.broadcast %eq3A_80 : i32 to vector<784x128xi32>
    %eq3A_82 = arith.cmpi eq, %min3A_28, %eq3A_81 : vector<784x128xi32>
    %select_n3A_83 = arith.select %eq3A_82, %add3A_79, %select_n3A : vector<784x128xi1>, vector<784x128xf32>
    %get3A_84 = arith.constant 2 : index
    %get3A_85 = arith.constant 0 : index
    %get3A_86 = memref.load %arg1[%get3A_84, %get3A_85] : memref<6x4xf32, #tpu.memory_space<smem>>
    %get3A_87 = arith.constant 2 : index
    %get3A_88 = arith.constant 1 : index
    %get3A_89 = memref.load %arg1[%get3A_87, %get3A_88] : memref<6x4xf32, #tpu.memory_space<smem>>
    %get3A_90 = arith.constant 2 : index
    %get3A_91 = arith.constant 2 : index
    %get3A_92 = memref.load %arg1[%get3A_90, %get3A_91] : memref<6x4xf32, #tpu.memory_space<smem>>
    %get3A_93 = arith.constant 2 : index
    %get3A_94 = arith.constant 3 : index
    %get3A_95 = memref.load %arg1[%get3A_93, %get3A_94] : memref<6x4xf32, #tpu.memory_space<smem>>
    %mul3A_96 = vector.broadcast %get3A_95 : f32 to vector<784x128xf32>
    %mul3A_97 = arith.mulf %sub3A, %mul3A_96 : vector<784x128xf32>
    %add3A_98 = vector.broadcast %get3A_92 : f32 to vector<784x128xf32>
    %add3A_99 = arith.addf %add3A_98, %mul3A_97 : vector<784x128xf32>
    %mul3A_100 = arith.mulf %sub3A, %add3A_99 : vector<784x128xf32>
    %add3A_101 = vector.broadcast %get3A_89 : f32 to vector<784x128xf32>
    %add3A_102 = arith.addf %add3A_101, %mul3A_100 : vector<784x128xf32>
    %mul3A_103 = arith.mulf %sub3A, %add3A_102 : vector<784x128xf32>
    %add3A_104 = vector.broadcast %get3A_86 : f32 to vector<784x128xf32>
    %add3A_105 = arith.addf %add3A_104, %mul3A_103 : vector<784x128xf32>
    %eq3A_106 = arith.constant 2 : i32
    %eq3A_107 = vector.broadcast %eq3A_106 : i32 to vector<784x128xi32>
    %eq3A_108 = arith.cmpi eq, %min3A_28, %eq3A_107 : vector<784x128xi32>
    %select_n3A_109 = arith.select %eq3A_108, %add3A_105, %select_n3A_83 : vector<784x128xi1>, vector<784x128xf32>
    %get3A_110 = arith.constant 3 : index
    %get3A_111 = arith.constant 0 : index
    %get3A_112 = memref.load %arg1[%get3A_110, %get3A_111] : memref<6x4xf32, #tpu.memory_space<smem>>
    %get3A_113 = arith.constant 3 : index
    %get3A_114 = arith.constant 1 : index
    %get3A_115 = memref.load %arg1[%get3A_113, %get3A_114] : memref<6x4xf32, #tpu.memory_space<smem>>
    %get3A_116 = arith.constant 3 : index
    %get3A_117 = arith.constant 2 : index
    %get3A_118 = memref.load %arg1[%get3A_116, %get3A_117] : memref<6x4xf32, #tpu.memory_space<smem>>
    %get3A_119 = arith.constant 3 : index
    %get3A_120 = arith.constant 3 : index
    %get3A_121 = memref.load %arg1[%get3A_119, %get3A_120] : memref<6x4xf32, #tpu.memory_space<smem>>
    %mul3A_122 = vector.broadcast %get3A_121 : f32 to vector<784x128xf32>
    %mul3A_123 = arith.mulf %sub3A, %mul3A_122 : vector<784x128xf32>
    %add3A_124 = vector.broadcast %get3A_118 : f32 to vector<784x128xf32>
    %add3A_125 = arith.addf %add3A_124, %mul3A_123 : vector<784x128xf32>
    %mul3A_126 = arith.mulf %sub3A, %add3A_125 : vector<784x128xf32>
    %add3A_127 = vector.broadcast %get3A_115 : f32 to vector<784x128xf32>
    %add3A_128 = arith.addf %add3A_127, %mul3A_126 : vector<784x128xf32>
    %mul3A_129 = arith.mulf %sub3A, %add3A_128 : vector<784x128xf32>
    %add3A_130 = vector.broadcast %get3A_112 : f32 to vector<784x128xf32>
    %add3A_131 = arith.addf %add3A_130, %mul3A_129 : vector<784x128xf32>
    %eq3A_132 = arith.constant 3 : i32
    %eq3A_133 = vector.broadcast %eq3A_132 : i32 to vector<784x128xi32>
    %eq3A_134 = arith.cmpi eq, %min3A_28, %eq3A_133 : vector<784x128xi32>
    %select_n3A_135 = arith.select %eq3A_134, %add3A_131, %select_n3A_109 : vector<784x128xi1>, vector<784x128xf32>
    %get3A_136 = arith.constant 4 : index
    %get3A_137 = arith.constant 0 : index
    %get3A_138 = memref.load %arg1[%get3A_136, %get3A_137] : memref<6x4xf32, #tpu.memory_space<smem>>
    %get3A_139 = arith.constant 4 : index
    %get3A_140 = arith.constant 1 : index
    %get3A_141 = memref.load %arg1[%get3A_139, %get3A_140] : memref<6x4xf32, #tpu.memory_space<smem>>
    %get3A_142 = arith.constant 4 : index
    %get3A_143 = arith.constant 2 : index
    %get3A_144 = memref.load %arg1[%get3A_142, %get3A_143] : memref<6x4xf32, #tpu.memory_space<smem>>
    %get3A_145 = arith.constant 4 : index
    %get3A_146 = arith.constant 3 : index
    %get3A_147 = memref.load %arg1[%get3A_145, %get3A_146] : memref<6x4xf32, #tpu.memory_space<smem>>
    %mul3A_148 = vector.broadcast %get3A_147 : f32 to vector<784x128xf32>
    %mul3A_149 = arith.mulf %sub3A, %mul3A_148 : vector<784x128xf32>
    %add3A_150 = vector.broadcast %get3A_144 : f32 to vector<784x128xf32>
    %add3A_151 = arith.addf %add3A_150, %mul3A_149 : vector<784x128xf32>
    %mul3A_152 = arith.mulf %sub3A, %add3A_151 : vector<784x128xf32>
    %add3A_153 = vector.broadcast %get3A_141 : f32 to vector<784x128xf32>
    %add3A_154 = arith.addf %add3A_153, %mul3A_152 : vector<784x128xf32>
    %mul3A_155 = arith.mulf %sub3A, %add3A_154 : vector<784x128xf32>
    %add3A_156 = vector.broadcast %get3A_138 : f32 to vector<784x128xf32>
    %add3A_157 = arith.addf %add3A_156, %mul3A_155 : vector<784x128xf32>
    %eq3A_158 = arith.constant 4 : i32
    %eq3A_159 = vector.broadcast %eq3A_158 : i32 to vector<784x128xi32>
    %eq3A_160 = arith.cmpi eq, %min3A_28, %eq3A_159 : vector<784x128xi32>
    %select_n3A_161 = arith.select %eq3A_160, %add3A_157, %select_n3A_135 : vector<784x128xi1>, vector<784x128xf32>
    %get3A_162 = arith.constant 5 : index
    %get3A_163 = arith.constant 0 : index
    %get3A_164 = memref.load %arg1[%get3A_162, %get3A_163] : memref<6x4xf32, #tpu.memory_space<smem>>
    %get3A_165 = arith.constant 5 : index
    %get3A_166 = arith.constant 1 : index
    %get3A_167 = memref.load %arg1[%get3A_165, %get3A_166] : memref<6x4xf32, #tpu.memory_space<smem>>
    %get3A_168 = arith.constant 5 : index
    %get3A_169 = arith.constant 2 : index
    %get3A_170 = memref.load %arg1[%get3A_168, %get3A_169] : memref<6x4xf32, #tpu.memory_space<smem>>
    %get3A_171 = arith.constant 5 : index
    %get3A_172 = arith.constant 3 : index
    %get3A_173 = memref.load %arg1[%get3A_171, %get3A_172] : memref<6x4xf32, #tpu.memory_space<smem>>
    %mul3A_174 = vector.broadcast %get3A_173 : f32 to vector<784x128xf32>
    %mul3A_175 = arith.mulf %sub3A, %mul3A_174 : vector<784x128xf32>
    %add3A_176 = vector.broadcast %get3A_170 : f32 to vector<784x128xf32>
    %add3A_177 = arith.addf %add3A_176, %mul3A_175 : vector<784x128xf32>
    %mul3A_178 = arith.mulf %sub3A, %add3A_177 : vector<784x128xf32>
    %add3A_179 = vector.broadcast %get3A_167 : f32 to vector<784x128xf32>
    %add3A_180 = arith.addf %add3A_179, %mul3A_178 : vector<784x128xf32>
    %mul3A_181 = arith.mulf %sub3A, %add3A_180 : vector<784x128xf32>
    %add3A_182 = vector.broadcast %get3A_164 : f32 to vector<784x128xf32>
    %add3A_183 = arith.addf %add3A_182, %mul3A_181 : vector<784x128xf32>
    %eq3A_184 = arith.constant 5 : i32
    %eq3A_185 = vector.broadcast %eq3A_184 : i32 to vector<784x128xi32>
    %eq3A_186 = arith.cmpi eq, %min3A_28, %eq3A_185 : vector<784x128xi32>
    %select_n3A_187 = arith.select %eq3A_186, %add3A_183, %select_n3A_161 : vector<784x128xi1>, vector<784x128xf32>
    %swap3A_188 = arith.constant 0 : index
    %swap3A_189 = arith.constant 0 : index
    %swap3A_190 = vector.load %arg8[%swap3A_188, %swap3A_189] : memref<784x128xf32, #tpu.memory_space<vmem>>, vector<784x128xf32>
    tpu.vector_store %arg8[%swap3A_188, %swap3A_189], %select_n3A_187 {strides = array<i32>} : memref<784x128xf32, #tpu.memory_space<vmem>>, vector<784x128xf32>,
    return
  }
  func.func @transform_0(%arg0: i32) -> (i32, i32) {
    %c0_i32 = arith.constant 0 : i32
    %c0_i32_0 = arith.constant 0 : i32
    %c0_i32_1 = arith.constant 0 : i32
    return %c0_i32, %c0_i32_0 : i32, i32
  }
  func.func @transform_1(%arg0: i32) -> (i32, i32) {
    %c0_i32 = arith.constant 0 : i32
    %c0_i32_0 = arith.constant 0 : i32
    return %arg0, %c0_i32 : i32, i32
  }
  func.func @transform_2(%arg0: i32) -> (i32, i32) {
    %c0_i32 = arith.constant 0 : i32
    %c0_i32_0 = arith.constant 0 : i32
    return %arg0, %c0_i32 : i32, i32
  }
  func.func @transform_3(%arg0: i32) -> (i32, i32) {
    %c0_i32 = arith.constant 0 : i32
    %c0_i32_0 = arith.constant 0 : i32
    return %arg0, %c0_i32 : i32, i32
  }
  func.func @transform_4(%arg0: i32) -> (i32, i32) {
    %c0_i32 = arith.constant 0 : i32
    %c0_i32_0 = arith.constant 0 : i32
    return %arg0, %c0_i32 : i32, i32
  }
  func.func @transform_5(%arg0: i32) -> (i32, i32) {
    %c0_i32 = arith.constant 0 : i32
    %c0_i32_0 = arith.constant 0 : i32
    return %arg0, %c0_i32 : i32, i32
  }
  func.func @transform_6(%arg0: i32) -> (i32, i32) {
    %c0_i32 = arith.constant 0 : i32
    %c0_i32_0 = arith.constant 0 : i32
    return %arg0, %c0_i32 : i32, i32
  }
  func.func @transform_7(%arg0: i32) -> (i32, i32) {
    %c0_i32 = arith.constant 0 : i32
    %c0_i32_0 = arith.constant 0 : i32
    return %arg0, %c0_i32 : i32, i32
  }
}

module attributes {stable_mosaic.version = 14 : i64} {
  func.func @_add_kernel(%arg0: i32, %arg1: memref<784x128xf32, #tpu.memory_space<vmem>>, %arg2: memref<784x128xf32, #tpu.memory_space<vmem>>, %arg3: memref<784x128xf32, #tpu.memory_space<vmem>>) attributes {dimension_semantics = [#tpu.dimension_semantics<arbitrary>], iteration_bounds = array<i64: 8>, scalar_prefetch = 0 : i64, scratch_operands = 0 : i64, tpu.core_type = #tpu.core_type<tc>, window_params = [{transform_indices = @transform_0, window_bounds = array<i64: 784, 128>}, {transform_indices = @transform_1, window_bounds = array<i64: 784, 128>}, {transform_indices = @transform_2, window_bounds = array<i64: 784, 128>}]} {
    %get3A = arith.constant 0 : index
    %get3A_0 = arith.constant 0 : index
    %get3A_1 = vector.load %arg1[%get3A, %get3A_0] : memref<784x128xf32, #tpu.memory_space<vmem>>, vector<784x128xf32>
    %get3A_2 = arith.constant 0 : index
    %get3A_3 = arith.constant 0 : index
    %get3A_4 = vector.load %arg2[%get3A_2, %get3A_3] : memref<784x128xf32, #tpu.memory_space<vmem>>, vector<784x128xf32>
    %add3A = arith.addf %get3A_1, %get3A_4 : vector<784x128xf32>
    %swap3A = arith.constant 0 : index
    %swap3A_5 = arith.constant 0 : index
    %swap3A_6 = vector.load %arg3[%swap3A, %swap3A_5] : memref<784x128xf32, #tpu.memory_space<vmem>>, vector<784x128xf32>
    tpu.vector_store %arg3[%swap3A, %swap3A_5], %add3A {strides = array<i32>} : memref<784x128xf32, #tpu.memory_space<vmem>>, vector<784x128xf32>,
    return
  }
  func.func @transform_0(%arg0: i32) -> (i32, i32) {
    %c0_i32 = arith.constant 0 : i32
    %c0_i32_0 = arith.constant 0 : i32
    return %arg0, %c0_i32 : i32, i32
  }
  func.func @transform_1(%arg0: i32) -> (i32, i32) {
    %c0_i32 = arith.constant 0 : i32
    %c0_i32_0 = arith.constant 0 : i32
    return %arg0, %c0_i32 : i32, i32
  }
  func.func @transform_2(%arg0: i32) -> (i32, i32) {
    %c0_i32 = arith.constant 0 : i32
    %c0_i32_0 = arith.constant 0 : i32
    return %arg0, %c0_i32 : i32, i32
  }
}

</mosaic_0001>

<sc_bundles>
// kernel: kernel.6.cloned.1.call-start
scs
__scs_entry_jumppad:
0x0: {  	(pc) =	sbr.rel $0x88, $3  }
0x1: {  	(tag) =	ssettag $0x0;
	lr =	simm.s32 $0x1  }
0x2: {  	[smem:$0x3F9C] =	sst lr;
	_ =	strace $0xD0000000  }
0x3: {  	_ = 	snop  }
0x4: {  	_ = 	snop  }
0x5: {  	_ = 	snop  }
0x6: {  	_ = 	snop  }
0x7: {  	_ = 	snop  }
__scs_overlays_trampoline_lowered:
0x8: {  	[smem:$0x3FAB] =	sst s0  }
0x9: {  	[smem:$0x3FAC] =	sst s1  }
0xa: {  	[smem:$0x3FAD] =	sst s2  }
0xb: {  	[smem:$0x3FAE] =	sst s3  }
0xc: {  	[smem:$0x3FAF] =	sst s4  }
0xd: {  	[smem:$0x3FB0] =	sst s5  }
0xe: {  	[smem:$0x3FB1] =	sst s6  }
0xf: {  	[smem:$0x3FB2] =	sst s7  }
0x10: {  	[smem:$0x3FB3] =	sst s8  }
0x11: {  	[smem:$0x3FB4] =	sst s9;
	s0 =	simm.s32 @!p0 $0x0  }
0x12: {  	s1 =	sld [smem:$0x3F9A];
	s0 =	simm.s32 @p0 $0x1  }
0x13: {  	[smem:$0x3FB5] =	sst s0;
	s0 =	simm.s32 @!p1 $0x0  }
0x14: {  	s2 =	sld [smem:$0x3F99];
	s0 =	simm.s32 @p1 $0x1  }
0x15: {  	[smem:$0x3FB6] =	sst s0;
	s0 =	simm.s32 @!p2 $0x0  }
0x16: {  	s3 =	sld [smem:$0x3FDB];
	s0 =	simm.s32 @p2 $0x1  }
0x17: {  	s4 =	simm.s32 $0x1BF5;
	[smem:$0x3FB8] =	sst s0  }
0x18: {  	s0 =	sld [smem:$0x3F9B];
	_ =	swait.ge [sflag:s4], $0x0  }
0x19: {  	s7 =	sld [smem:$0x3F9C]  }
0x1a: {  	s8 =	sadd.s32 $0xFFFFE003, lr  }
0x1b: {  	s9 =	sadd.s32 $0xFFFFFEF7, lr;
	s5 =	simm.s32 $0xFFFFFFFF;
	p2 =	slt.u32 s8, $0xFFFFF086  }
0x1c: {  	p1 =	slt.u32 s9, $0xF7A;
	s5 =	simm.s32 @!p2 $0x0  }
0x1d: {  	s5 =	simm.s32 @p1 $0x1;
	p0 =	seq.s32 s7, s2  }
0x1e: {  	s7 =	smul.u32 @!p0 $0xF7A, s2;
	p2 =	seq.s32 @!p0 s5, $0x0  }
0x1f: {  	s9 =	smul.u32 $0xF7A, s1;
	s8 =	simm.s32 @!p0 $0x1BF5;
	p2 =	por !p2, p0  }
0x20: {  	[sflag:s8] =	ssyncset.s32 @!p0 $0xFFFFF086;
	s6 =	sadd.s32 @!p0 s3, s7;
	s7 =	simm.s32 @!p0 $0x108  }
0x21: {  	s3 =	sadd.s32 s3, s9;
	s6 =	sadd.s32 @!p0 $0x88, s6;
	s7 =	simm.s32 @p2 $0x1082  }
0x22: {  	[simem:s7], [sflag:s8] =	dma.local @!p0 [hbm:s6], $0xF7A  }
0x23: {  	s9 =	sor.u32 $0xD0000000, s2;
	s6 =	simm.s32 $0x108;
	_ =	swait.ge @!p0 [sflag:s8], $0x0  }
0x24: {  	s3 =	sadd.s32 $0x88, s3;
	s6 =	simm.s32 @!p1 $0x1082;
	[sflag:s4] =	ssyncset.s32 $0xFFFFF086  }
0x25: {  	[simem:s6], [sflag:s4] =	dma.local [hbm:s3], $0xF7A  }
0x26: {  	[smem:$0x3F9C] =	sst s1;
	(tag) =	ssettag s2;
	_ =	strace s9  }
0x27: {  	s1 =	sld [smem:$0x3FAC]  }
0x28: {  	s2 =	sld [smem:$0x3FAD]  }
0x29: {  	s4 =	sld [smem:$0x3FAF]  }
0x2a: {  	p0 =	seq.s32 s5, $0x0;
	s5 =	sld [smem:$0x3FB0]  }
0x2b: {  	s6 =	sld [smem:$0x3FB1]  }
0x2c: {  	s7 =	sld [smem:$0x3FB2]  }
0x2d: {  	s3 =	simm.s32 $0x108;
	s8 =	sld [smem:$0x3FB3]  }
0x2e: {  	s3 =	simm.s32 @!p0 $0x1082;
	s9 =	sld [smem:$0x3FB4]  }
0x2f: {  	lr =	sadd.s32 s0, s3;
	s0 =	sld [smem:$0x3FAB]  }
0x30: {  	s3 =	sld [smem:$0x3FAE]  }
0x31: {  	[smem:$0x3FB7] =	sst s10  }
0x32: {  	s10 =	sld [smem:$0x3FB5];
	_ =	sdelay $0x3  }
0x33: {  	p0 =	seq.s32 s10, $0x1;
	s10 =	sld [smem:$0x3FB7];
	_ =	sdelay $0x3  }
0x34: {  	[smem:$0x3FB7] =	sst s10  }
0x35: {  	s10 =	sld [smem:$0x3FB6];
	_ =	sdelay $0x3  }
0x36: {  	p1 =	seq.s32 s10, $0x1;
	s10 =	sld [smem:$0x3FB7];
	_ =	sdelay $0x3  }
0x37: {  	[smem:$0x3FB7] =	sst s10  }
0x38: {  	s10 =	sld [smem:$0x3FB8]  }
0x39: {  	_ = 	snop;
	(pc) =	sbr.ind lr, $3  }
0x3a: {  	_ = 	snop  }
0x3b: {  	_ = 	snop  }
0x3c: {  	p2 =	seq.s32 s10, $0x1;
	s10 =	sld [smem:$0x3FB7]  }
0x3d: {  	_ =	shalt  }
0x3e: {  	_ =	shalt  }
0x3f: {  	_ =	shalt  }
0x40: {  	_ =	shalt  }
0x41: {  	_ =	shalt  }
0x42: {  	_ =	shalt  }
0x43: {  	_ =	shalt  }
0x44: {  	_ =	shalt  }
0x45: {  	_ =	shalt  }
0x46: {  	_ =	shalt  }
0x47: {  	_ =	shalt  }
0x48: {  	_ =	shalt  }
0x49: {  	_ =	shalt  }
0x4a: {  	_ =	shalt  }
0x4b: {  	_ =	shalt  }
0x4c: {  	_ =	shalt  }
0x4d: {  	_ =	shalt  }
0x4e: {  	_ =	shalt  }
0x4f: {  	_ =	shalt  }
0x50: {  	_ =	shalt  }
0x51: {  	_ =	shalt  }
0x52: {  	_ =	shalt  }
0x53: {  	_ =	shalt  }
0x54: {  	_ =	shalt  }
0x55: {  	_ =	shalt  }
0x56: {  	_ =	shalt  }
0x57: {  	_ =	shalt  }
0x58: {  	_ =	shalt  }
0x59: {  	_ =	shalt  }
0x5a: {  	_ =	shalt  }
0x5b: {  	_ =	shalt  }
0x5c: {  	_ =	shalt  }
0x5d: {  	_ =	shalt  }
0x5e: {  	_ =	shalt  }
0x5f: {  	_ =	shalt  }
0x60: {  	_ =	shalt  }
0x61: {  	_ =	shalt  }
0x62: {  	_ =	shalt  }
0x63: {  	_ =	shalt  }
0x64: {  	_ =	shalt  }
0x65: {  	_ =	shalt  }
0x66: {  	_ =	shalt  }
0x67: {  	_ =	shalt  }
0x68: {  	_ =	shalt  }
0x69: {  	_ =	shalt  }
0x6a: {  	_ =	shalt  }
0x6b: {  	_ =	shalt  }
0x6c: {  	_ =	shalt  }
0x6d: {  	_ =	shalt  }
0x6e: {  	_ =	shalt  }
0x6f: {  	_ =	shalt  }
0x70: {  	_ =	shalt  }
0x71: {  	_ =	shalt  }
0x72: {  	_ =	shalt  }
0x73: {  	_ =	shalt  }
0x74: {  	_ =	shalt  }
0x75: {  	_ =	shalt  }
0x76: {  	_ =	shalt  }
0x77: {  	_ =	shalt  }
0x78: {  	_ =	shalt  }
0x79: {  	_ =	shalt  }
0x7a: {  	_ =	shalt  }
0x7b: {  	_ =	shalt  }
0x7c: {  	_ =	shalt  }
0x7d: {  	_ =	shalt  }
0x7e: {  	_ =	shalt  }
0x7f: {  	_ =	shalt  }
0x80: {  	_ =	shalt  }
0x81: {  	_ =	shalt  }
0x82: {  	_ =	shalt  }
0x83: {  	_ =	shalt  }
0x84: {  	_ =	shalt  }
0x85: {  	_ =	shalt  }
0x86: {  	_ =	shalt  }
0x87: {  	_ =	shalt  }
.Lfunc_end0:
.L_simem_size_0:
called_computation_lowered:
.L_overlay_start_0:
0x88: {  	s2 =	sld [smem:$0x3FD9]  }
0x89: {  	s3 =	sld [smem:$0x3FFE];
	_ =	sdelay $0x1  }
0x8a: {  	s1 =	srdreg.scid  }
0x8b: {  	s0 =	sand.u32 $0x1, s1  }
0x8c: {  	s16 =	sshll.u32 s0, $0xA;
	s2 =	sadd.s32 s3, s2  }
0x8d: {  	s2 =	sadd.s32 s2, s16  }
0x8e: {  	[smem:$0x3FC3] =	sst s2  }
0x8f: {  	_ = 	snop  }
0x90: {  	(tm) =	ssettm $0x1  }
0x91: {  	s17 =	sld [smem:$0x3FFB];
	_ =	sdelay $0x3  }
0x92: {  	_ =	strace s17  }
0x93: {  	s2 =	sld [smem:$0x3FFC];
	_ =	sdelay $0x3  }
0x94: {  	_ =	strace s2  }
0x95: {  	s2 =	sld [smem:$0x3FFD];
	_ =	sdelay $0x3  }
0x96: {  	_ =	strace s2  }
0x97: {  	_ =	strace $0x8FFFFFFF  }
0x98: {  	s18 =	sld [smem:$0x3FDB];
	_ =	sdelay $0x1  }
0x99: {  	s19 =	simm.s32 $_scs_section_size  }
0x9a: {  	s4 =	simm.s32 $_size__tile_overlayer_lowered;
	s5 =	simm.s32 $_tile_overlayer_lowered  }
0x9b: {  	s22 =	simm.s32 $0x1BFF;
	s21 =	sshll.u32 s5, $0x1;
	s2 =	sadd.s32 s19, s18  }
0x9c: {  	s6 =	simm.s32 $0x0;
	s20 =	sshll.u32 s4, $0x1;
	s4 =	sadd.s32 s21, s2  }
0x9d: {  	[timem:s6], [sflag:s22] =	dma.local [hbm:s4], s20  }
0x9e: {  	_ =	swait.ge [sflag:s22], s20  }
0x9f: {  	s3 =	ssub.s32 $0x0, s20;
	[sflag:s22] =	ssyncset.done $0x0  }
0xa0: {  	[sflag:s22] =	ssyncadd.s32 s3;
	_ =	sdelay $0x1  }
0xa1: {  	s23 =	simm.s32 $0x1B8B  }
0xa2: {  	_ =	swait.ge [sflag:s23], $0x1  }
0xa3: {  	[sflag:s23] =	ssyncset.done $0x0  }
0xa4: {  	s25 =	simm.s32 $0x1B8E;
	s24 =	sld [smem:$0x3FFE];
	[sflag:s23] =	ssyncadd.s32 $0xFFFFFFFF  }
0xa5: {  	s26 =	simm.s32 $execute0_lowered;
	[smem:$0x3FD2] =	sst s25  }
0xa6: {  	s4 =	sshll.u32 s26, $0x1;
	_ =	strace $0x80000046;
	[dreg:$0x1] =	wrdreg $0xFFFFFFFF  }
0xa7: {  	s28 =	simm.s32 $_size_execute0_lowered;
	s2 =	sadd.s32 s2, s4;
	[dreg:$0x0] =	wrdreg $0x0  }
0xa8: {  	s4 =	sshll.u32 s28, $0x1;
	[dreg:$0x2] =	wrdreg s2  }
0xa9: {  	[dreg:$0x3] =	wrdreg s4  }
0xaa: {  	[dreg:$0x4] =	wrdreg $0xC0  }
0xab: {  	_ =	task [dreg:s6], $0x5FFFF  }
0xac: {  	[dreg:$0x1] =	wrdreg $0xFFFFFFFF  }
0xad: {  	[dreg:$0x0] =	wrdreg $0x60  }
0xae: {  	[dreg:$0x2] =	wrdreg s24  }
0xaf: {  	[dreg:$0x3] =	wrdreg $0x9  }
0xb0: {  	_ =	task.clear_ibuf [dreg:s6], $0x4FFFF;
	_ =	strace $0x90000046  }
0xb1: {  	s29 =	simm.s32 $0x9;
	_ =	strace $0x80000048  }
0xb2: {  	_ =	swait.ge [sflag:s29], $0x1  }
0xb3: {  	[sflag:s29] =	ssyncadd.s32 $0xFFFFFFFF  }
0xb4: {  	_ =	strace $0x90000048  }
0xb5: {  	_ =	sfence  }
0xb6: {  	s30 =	sld [smem:$0x0];
	_ =	sdelay $0x2  }
0xb7: {  	s31 =	sshll.u32 s1, $0xD;
	s1 =	sshrl.u32 s1, $0x2  }
0xb8: {  	s3 =	sand.u32 $0x4000, s31;
	s1 =	sadd.s32 s1, s30  }
0xb9: {  	s0 =	sor.u32 s3, s0;
	s1 =	sshll.u32 s1, $0x11  }
0xba: {  	s0 =	sor.u32 s1, s0  }
0xbb: {  	s0 =	sadd.s32 $0x8F2B, s0  }
0xbc: {  	[sflag:s0] =	ssyncadd.remote.s32 $0x1  }
0xbd: {  	_ =	sfence.sel $0xFFFF  }
0xbe: {  	[dreg:$0x0] =	wrdreg $0xFFFFFFFF;
	(pc) =	sbr.abs _section_cstart, $3  }
0xbf: {  	[dreg:$0x1] =	wrdreg $0xFFFFFFFF  }
0xc0: {  	_ =	task.clear_ibuf [dreg:s6], $0x2FFFF;
	_ =	strace $0x9FFFFFFF  }
0xc1: {  	(tm) =	ssettm $0x7FFFFFFF  }
tec
execute0_lowered:
.L_overlay_start_1:
0x0: {  	(tag) =	ssettag $0x1  }
0x1: {  	s7 =	rddreg [dreg:$0x0]  }
0x2: {  	s0 =	rddreg [dreg:$0x1]  }
0x3: {  	s1 =	simm.s32 $0x0;
	s3 =	srdreg.scid;
	s11 =	simm.s32 $0x1  }
0x4: {  	s12 =	simm.s32 $0x0;
	[smem:$0x7FF] =	sst s1;
	s2 =	sadd.s32 $0x2E00, s7  }
0x5: {  	s6 =	sand.u32 $0x1, s3;
	s4 =	sadd.s32 $0x1B600, s7;
	s5 =	sadd.s32 $0x33E00, s7  }
0x6: {  	s3 =	stileid.u32;
	_ =	strace $0x80000047;
	s8 =	ssub.s32 $0x2, s6  }
0x7: {  	v3 =	vlaneseq.u32;
	s10 =	sshll.u32 s6, $0x4;
	s6 =	sadd.s32 $0x4C600, s7;
	s9 =	sshrl.u32 s8, $0x1  }
0x8: {  	v2 =	vimm.f32 $0.0e+00;
	v0 =	vshrl.u32 v3, $0x3;
	s7 =	sadd.s32 $0x64E00, s7;
	s31 =	sor.u32 s3, s10;
	s9 =	ssub.s32 s8, s9  }
0x9: {  	v1 =	vand.u32 $0x7, v3;
	v3 =	vmul.u32 $0x8, v3;
	v0 =	vmul.u32 $0x8, v0;
	s10 =	simm.s32 $0x1880;
	s8 =	smul.u32 $0x6200, s31;
	s9 =	smax.u32 s9, $0x1  }
.LBB2_1:
0xa: {  	v4 =	vmov s1  }
0xb: {  	v4 =	vshll.u32 v4, $0x3  }
0xc: {  	v4 =	vor.u32 v0, v4  }
0xd: {  	s13 =	simm.s32 $0x2;
	v4 =	vor.u32 v1, v4  }
.LBB2_2:
0xe: {  	p0 =	seq.s32 s13, $0x61E  }
.Ltmp0:
0xf: {  	_ = 	snop;
	(pc) =	sbr.rel @!p0 .LBB2_2-.Ltmp0, $4  }
0x10: {  	v5 =	vmov s13  }
0x11: {  	v5 =	vshll.u32 v5, $0x3  }
0x12: {  	v5 =	vor.u32 v0, v5  }
0x13: {  	s13 =	sadd.s32 $0x2, s13;
	[tilespmem:v4+s10+$0x0] =	vst.idx.msk $0xffff, v2;
	v4 =	vor.u32 v1, v5  }
0x14: {  	_ =	sdelay $0x3  }
0x15: {  	[tilespmem:v4+s10+$0x0] =	vst.idx.msk $0xffff, v2;
	s13 =	simm.s32 $0x0;
	s14 =	simm.s32 $0x0  }
.LBB2_4:
0x16: {  	s15 =	smul.u32 $0x620, s14;
	_ =	sdelay $0x1  }
0x17: {  	s15 =	sadd.s32 s8, s15  }
0x18: {  	s18 =	sshrl.u32 s15, $0x3  }
0x19: {  	s16 =	sadd.s32 s2, s18  }
0x1a: {  	[tilespmem:s13], [sflag:$0x1] =	stream.linear.gather [hbm4b:s16+s13], $0x620, $0x38;
	[tilespmem:$0x4980] =	vst v63  }
0x1b: {  	_ =	swait.ge [sflag:s11], $0x620  }
0x1c: {  	[sflag:s11] =	ssyncset.done $0x0  }
0x1d: {  	s17 =	sadd.s32 s4, s18;
	s16 =	simm.s32 $0x620;
	[sflag:s11] =	ssyncadd.s32 $0xFFFFF9E0  }
0x1e: {  	[tilespmem:s16], [sflag:$0x1] =	stream.linear.gather [hbm4b:s17+s13], $0x620, $0x38;
	[tilespmem:$0x4980] =	vst v63  }
0x1f: {  	_ =	swait.ge [sflag:s11], $0x620  }
0x20: {  	[sflag:s11] =	ssyncset.done $0x0  }
0x21: {  	s19 =	sadd.s32 s5, s18;
	s17 =	simm.s32 $0xC40;
	[sflag:s11] =	ssyncadd.s32 $0xFFFFF9E0  }
0x22: {  	[tilespmem:s17], [sflag:$0x1] =	stream.linear.gather [hbm4b:s19+s13], $0x620, $0x38;
	[tilespmem:$0x4980] =	vst v63  }
0x23: {  	_ =	swait.ge [sflag:s11], $0x620  }
0x24: {  	[sflag:s11] =	ssyncset.done $0x0  }
0x25: {  	s30 =	sadd.s32 s6, s18;
	s18 =	simm.s32 $0x1260;
	[sflag:s11] =	ssyncadd.s32 $0xFFFFF9E0  }
0x26: {  	[tilespmem:s18], [sflag:$0x1] =	stream.linear.gather [hbm4b:s30+s13], $0x620, $0x38;
	[tilespmem:$0x4980] =	vst v63  }
0x27: {  	_ =	swait.ge [sflag:s11], $0x620  }
0x28: {  	v4 =	vmov s13;
	[sflag:s11] =	ssyncset.done $0x0  }
0x29: {  	v4 =	vshll.u32 v4, $0x3;
	[sflag:s11] =	ssyncadd.s32 $0xFFFFF9E0  }
0x2a: {  	v6 =	vor.u32 v3, v4;
	v5 =	vld [tilespmem:s13+$0x0];
	_ =	sdelay $0x4  }
0x2b: {  	[tilespmem:v6+s10+$0x0] =	vst.idx.msk $0xffff, v5  }
0x2c: {  	v5 =	vor.u32 $0x1, v6;
	v4 =	vld [tilespmem:s16+$0x0];
	_ =	sdelay $0x4  }
0x2d: {  	[tilespmem:v5+s10+$0x0] =	vst.idx.msk $0xffff, v4  }
0x2e: {  	v5 =	vor.u32 $0x2, v6;
	v4 =	vld [tilespmem:s17+$0x0];
	_ =	sdelay $0x4  }
0x2f: {  	[tilespmem:v5+s10+$0x0] =	vst.idx.msk $0xffff, v4  }
0x30: {  	v5 =	vor.u32 $0x3, v6;
	v4 =	vld [tilespmem:s18+$0x0];
	_ =	sdelay $0x2  }
0x31: {  	s31 =	simm.s32 $0x10  }
0x32: {  	s20 =	simm.s32 $0x20;
	s19 =	simm.s32 $0x0;
	v6 =	vmov s31  }
.LBB2_5:
0x33: {  	p0 =	sne.s32 s20, $0x610;
	v6 =	vshll.u32 v6, $0x3;
	[tilespmem:v5+s10+$0x0] =	vst.idx.msk $0xffff, v4;
	s19 =	sadd.s32 $0x10, s19  }
0x34: {  	v4 =	vld [tilespmem:s19+$0x0];
	v5 =	vor.u32 v3, v6;
	_ =	sdelay $0x4  }
0x35: {  	s16 =	sadd.s32 $0x10, s16;
	[tilespmem:v5+s10+$0x0] =	vst.idx.msk $0xffff, v4  }
0x36: {  	v6 =	vor.u32 $0x1, v5;
	v4 =	vld [tilespmem:s16+$0x0];
	_ =	sdelay $0x4  }
0x37: {  	s17 =	sadd.s32 $0x10, s17;
	[tilespmem:v6+s10+$0x0] =	vst.idx.msk $0xffff, v4  }
0x38: {  	v6 =	vor.u32 $0x2, v5;
	v4 =	vld [tilespmem:s17+$0x0];
	_ =	sdelay $0x4  }
0x39: {  	s18 =	sadd.s32 $0x10, s18;
	[tilespmem:v6+s10+$0x0] =	vst.idx.msk $0xffff, v4  }
.Ltmp1:
0x3a: {  	v5 =	vor.u32 $0x3, v5;
	v4 =	vld [tilespmem:s18+$0x0];
	(pc) =	sbr.rel @p0 .LBB2_5-.Ltmp1, $2  }
0x3b: {  	_ =	sdelay $0x2  }
0x3c: {  	v6 =	vmov s20;
	s20 =	sadd.s32 $0x10, s20  }
0x3d: {  	_ =	sdelay $0x3  }
0x3e: {  	v6 =	vshll.u32 v6, $0x3;
	[tilespmem:v5+s10+$0x0] =	vst.idx.msk $0xffff, v4;
	s19 =	sadd.s32 $0x10, s19  }
0x3f: {  	v4 =	vld [tilespmem:s19+$0x0];
	v5 =	vor.u32 v3, v6;
	_ =	sdelay $0x4  }
0x40: {  	s16 =	sadd.s32 $0x10, s16;
	[tilespmem:v5+s10+$0x0] =	vst.idx.msk $0xffff, v4  }
0x41: {  	v6 =	vor.u32 $0x1, v5;
	v4 =	vld [tilespmem:s16+$0x0];
	_ =	sdelay $0x4  }
0x42: {  	s30 =	sadd.s32 $0x10, s17;
	[tilespmem:v6+s10+$0x0] =	vst.idx.msk $0xffff, v4  }
0x43: {  	v63 =	vor.u32 $0x2, v5;
	v4 =	vld [tilespmem:s30+$0x0];
	_ =	sdelay $0x4  }
0x44: {  	s31 =	sadd.s32 $0x10, s18;
	[tilespmem:v63+s10+$0x0] =	vst.idx.msk $0xffff, v4  }
0x45: {  	v5 =	vor.u32 $0x3, v5;
	v4 =	vld [tilespmem:s31+$0x0];
	_ =	sdelay $0x2  }
0x46: {  	s14 =	sadd.s32 $0x1, s14  }
0x47: {  	p0 =	sne.s32 s14, $0x10  }
.Ltmp2:
0x48: {  	s15 =	sadd.s32 s7, s15;
	[tilespmem:v5+s10+$0x0] =	vst.idx.msk $0xffff, v4;
	(pc) =	sbr.rel @p0 .LBB2_4-.Ltmp2, $4  }
0x49: {  	[hbm4b:s15+s1] =	stream.linear.scatter [tilespmem:s10], [sflag:$0x1], $0x3100, $0x38;
	[tilespmem:$0x4980] =	vst v63  }
0x4a: {  	_ =	swait.ge [sflag:s11], $0x3100  }
0x4b: {  	[sflag:s11] =	ssyncset.done $0x0  }
0x4c: {  	[sflag:s11] =	ssyncadd.s32 $0xFFFFCF00  }
0x4d: {  	s12 =	sadd.s32 $0x1, s12  }
0x4e: {  	p0 =	sne.s32 s12, s9  }
.Ltmp3:
0x4f: {  	_ = 	snop;
	(pc) =	sbr.rel @p0 .LBB2_1-.Ltmp3, $1  }
0x50: {  	_ =	sdelay $0x3  }
0x51: {  	_ =	sfence.sel $0x180000  }
0x52: {  	[bflag:$0x0] =	sbarrier.arrive $0xFFFF  }
0x53: {  	p0 =	sne.s32 s3, $0x0;
	_ =	strace $0x90000047  }
0x54: {  	s0 =	sadd.s32 @!p0 $0x100000, s0;
	[bflag:$0x2] =	sbarrier.arrive $0xFFFF  }
0x55: {  	[sflag:s0] =	ssyncadd.tile.s32 @!p0 $0x1;
	_ =	shalt  }
.Lfunc_end2:
_tile_overlayer_lowered:
.L_overlay_start_2:
0x56: {  	(tag) =	ssettag $0x2  }
0x57: {  	s0 =	rddreg [dreg:$0x0];
	s2 =	stileid.u32  }
0x58: {  	s1 =	rddreg [dreg:$0x1];
	p0 =	sne.s32 s2, $0x0  }
0x59: {  	s3 =	rddreg [dreg:$0x2];
	[bflag:$0x3] =	sbarrier.arrive $0xFFFF;
	s2 =	simm.s32 @!p0 $0x1C01  }
0x5a: {  	[timem:s3], [sflag:s2] =	dma.local @!p0 [hbm:s0], s1  }
0x5b: {  	s0 =	simm.s32 @!p0 $0x1  }
0x5c: {  	_ =	swait.ge @!p0 [sflag:s0], s1  }
0x5d: {  	s1 =	ssub.s32 @!p0 $0x0, s1;
	[sflag:s0] =	ssyncset.done @!p0 $0x0  }
0x5e: {  	[sflag:s0] =	ssyncadd.s32 @!p0 s1  }
0x5f: {  	[bflag:$0x3] =	sbarrier.arrive $0xFFFF  }
0x60: {  	_ =	shalt  }

// kernel: kernel.9.cloned.1.call-start
scs
__scs_entry_jumppad:
0x0: {  	(pc) =	sbr.rel $0x88, $3  }
0x1: {  	(tag) =	ssettag $0x0;
	lr =	simm.s32 $0x1  }
0x2: {  	[smem:$0x3F9C] =	sst lr;
	_ =	strace $0xD0000000  }
0x3: {  	_ = 	snop  }
0x4: {  	_ = 	snop  }
0x5: {  	_ = 	snop  }
0x6: {  	_ = 	snop  }
0x7: {  	_ = 	snop  }
__scs_overlays_trampoline_lowered:
0x8: {  	[smem:$0x3FAB] =	sst s0  }
0x9: {  	[smem:$0x3FAC] =	sst s1  }
0xa: {  	[smem:$0x3FAD] =	sst s2  }
0xb: {  	[smem:$0x3FAE] =	sst s3  }
0xc: {  	[smem:$0x3FAF] =	sst s4  }
0xd: {  	[smem:$0x3FB0] =	sst s5  }
0xe: {  	[smem:$0x3FB1] =	sst s6  }
0xf: {  	[smem:$0x3FB2] =	sst s7  }
0x10: {  	[smem:$0x3FB3] =	sst s8  }
0x11: {  	[smem:$0x3FB4] =	sst s9;
	s0 =	simm.s32 @!p0 $0x0  }
0x12: {  	s1 =	sld [smem:$0x3F9A];
	s0 =	simm.s32 @p0 $0x1  }
0x13: {  	[smem:$0x3FB5] =	sst s0;
	s0 =	simm.s32 @!p1 $0x0  }
0x14: {  	s2 =	sld [smem:$0x3F99];
	s0 =	simm.s32 @p1 $0x1  }
0x15: {  	[smem:$0x3FB6] =	sst s0;
	s0 =	simm.s32 @!p2 $0x0  }
0x16: {  	s3 =	sld [smem:$0x3FDB];
	s0 =	simm.s32 @p2 $0x1  }
0x17: {  	s4 =	simm.s32 $0x1BF5;
	[smem:$0x3FB8] =	sst s0  }
0x18: {  	s0 =	sld [smem:$0x3F9B];
	_ =	swait.ge [sflag:s4], $0x0  }
0x19: {  	s7 =	sld [smem:$0x3F9C]  }
0x1a: {  	s8 =	sadd.s32 $0xFFFFE003, lr  }
0x1b: {  	s9 =	sadd.s32 $0xFFFFFEF7, lr;
	s5 =	simm.s32 $0xFFFFFFFF;
	p2 =	slt.u32 s8, $0xFFFFF086  }
0x1c: {  	p1 =	slt.u32 s9, $0xF7A;
	s5 =	simm.s32 @!p2 $0x0  }
0x1d: {  	s5 =	simm.s32 @p1 $0x1;
	p0 =	seq.s32 s7, s2  }
0x1e: {  	s7 =	smul.u32 @!p0 $0xF7A, s2;
	p2 =	seq.s32 @!p0 s5, $0x0  }
0x1f: {  	s9 =	smul.u32 $0xF7A, s1;
	s8 =	simm.s32 @!p0 $0x1BF5;
	p2 =	por !p2, p0  }
0x20: {  	[sflag:s8] =	ssyncset.s32 @!p0 $0xFFFFF086;
	s6 =	sadd.s32 @!p0 s3, s7;
	s7 =	simm.s32 @!p0 $0x108  }
0x21: {  	s3 =	sadd.s32 s3, s9;
	s6 =	sadd.s32 @!p0 $0x88, s6;
	s7 =	simm.s32 @p2 $0x1082  }
0x22: {  	[simem:s7], [sflag:s8] =	dma.local @!p0 [hbm:s6], $0xF7A  }
0x23: {  	s9 =	sor.u32 $0xD0000000, s2;
	s6 =	simm.s32 $0x108;
	_ =	swait.ge @!p0 [sflag:s8], $0x0  }
0x24: {  	s3 =	sadd.s32 $0x88, s3;
	s6 =	simm.s32 @!p1 $0x1082;
	[sflag:s4] =	ssyncset.s32 $0xFFFFF086  }
0x25: {  	[simem:s6], [sflag:s4] =	dma.local [hbm:s3], $0xF7A  }
0x26: {  	[smem:$0x3F9C] =	sst s1;
	(tag) =	ssettag s2;
	_ =	strace s9  }
0x27: {  	s1 =	sld [smem:$0x3FAC]  }
0x28: {  	s2 =	sld [smem:$0x3FAD]  }
0x29: {  	s4 =	sld [smem:$0x3FAF]  }
0x2a: {  	p0 =	seq.s32 s5, $0x0;
	s5 =	sld [smem:$0x3FB0]  }
0x2b: {  	s6 =	sld [smem:$0x3FB1]  }
0x2c: {  	s7 =	sld [smem:$0x3FB2]  }
0x2d: {  	s3 =	simm.s32 $0x108;
	s8 =	sld [smem:$0x3FB3]  }
0x2e: {  	s3 =	simm.s32 @!p0 $0x1082;
	s9 =	sld [smem:$0x3FB4]  }
0x2f: {  	lr =	sadd.s32 s0, s3;
	s0 =	sld [smem:$0x3FAB]  }
0x30: {  	s3 =	sld [smem:$0x3FAE]  }
0x31: {  	[smem:$0x3FB7] =	sst s10  }
0x32: {  	s10 =	sld [smem:$0x3FB5];
	_ =	sdelay $0x3  }
0x33: {  	p0 =	seq.s32 s10, $0x1;
	s10 =	sld [smem:$0x3FB7];
	_ =	sdelay $0x3  }
0x34: {  	[smem:$0x3FB7] =	sst s10  }
0x35: {  	s10 =	sld [smem:$0x3FB6];
	_ =	sdelay $0x3  }
0x36: {  	p1 =	seq.s32 s10, $0x1;
	s10 =	sld [smem:$0x3FB7];
	_ =	sdelay $0x3  }
0x37: {  	[smem:$0x3FB7] =	sst s10  }
0x38: {  	s10 =	sld [smem:$0x3FB8]  }
0x39: {  	_ = 	snop;
	(pc) =	sbr.ind lr, $3  }
0x3a: {  	_ = 	snop  }
0x3b: {  	_ = 	snop  }
0x3c: {  	p2 =	seq.s32 s10, $0x1;
	s10 =	sld [smem:$0x3FB7]  }
0x3d: {  	_ =	shalt  }
0x3e: {  	_ =	shalt  }
0x3f: {  	_ =	shalt  }
0x40: {  	_ =	shalt  }
0x41: {  	_ =	shalt  }
0x42: {  	_ =	shalt  }
0x43: {  	_ =	shalt  }
0x44: {  	_ =	shalt  }
0x45: {  	_ =	shalt  }
0x46: {  	_ =	shalt  }
0x47: {  	_ =	shalt  }
0x48: {  	_ =	shalt  }
0x49: {  	_ =	shalt  }
0x4a: {  	_ =	shalt  }
0x4b: {  	_ =	shalt  }
0x4c: {  	_ =	shalt  }
0x4d: {  	_ =	shalt  }
0x4e: {  	_ =	shalt  }
0x4f: {  	_ =	shalt  }
0x50: {  	_ =	shalt  }
0x51: {  	_ =	shalt  }
0x52: {  	_ =	shalt  }
0x53: {  	_ =	shalt  }
0x54: {  	_ =	shalt  }
0x55: {  	_ =	shalt  }
0x56: {  	_ =	shalt  }
0x57: {  	_ =	shalt  }
0x58: {  	_ =	shalt  }
0x59: {  	_ =	shalt  }
0x5a: {  	_ =	shalt  }
0x5b: {  	_ =	shalt  }
0x5c: {  	_ =	shalt  }
0x5d: {  	_ =	shalt  }
0x5e: {  	_ =	shalt  }
0x5f: {  	_ =	shalt  }
0x60: {  	_ =	shalt  }
0x61: {  	_ =	shalt  }
0x62: {  	_ =	shalt  }
0x63: {  	_ =	shalt  }
0x64: {  	_ =	shalt  }
0x65: {  	_ =	shalt  }
0x66: {  	_ =	shalt  }
0x67: {  	_ =	shalt  }
0x68: {  	_ =	shalt  }
0x69: {  	_ =	shalt  }
0x6a: {  	_ =	shalt  }
0x6b: {  	_ =	shalt  }
0x6c: {  	_ =	shalt  }
0x6d: {  	_ =	shalt  }
0x6e: {  	_ =	shalt  }
0x6f: {  	_ =	shalt  }
0x70: {  	_ =	shalt  }
0x71: {  	_ =	shalt  }
0x72: {  	_ =	shalt  }
0x73: {  	_ =	shalt  }
0x74: {  	_ =	shalt  }
0x75: {  	_ =	shalt  }
0x76: {  	_ =	shalt  }
0x77: {  	_ =	shalt  }
0x78: {  	_ =	shalt  }
0x79: {  	_ =	shalt  }
0x7a: {  	_ =	shalt  }
0x7b: {  	_ =	shalt  }
0x7c: {  	_ =	shalt  }
0x7d: {  	_ =	shalt  }
0x7e: {  	_ =	shalt  }
0x7f: {  	_ =	shalt  }
0x80: {  	_ =	shalt  }
0x81: {  	_ =	shalt  }
0x82: {  	_ =	shalt  }
0x83: {  	_ =	shalt  }
0x84: {  	_ =	shalt  }
0x85: {  	_ =	shalt  }
0x86: {  	_ =	shalt  }
0x87: {  	_ =	shalt  }
.Lfunc_end0:
.L_simem_size_0:
called_computation.1_lowered:
.L_overlay_start_0:
0x88: {  	s2 =	sld [smem:$0x3FD9]  }
0x89: {  	s3 =	sld [smem:$0x3FFE];
	_ =	sdelay $0x1  }
0x8a: {  	s1 =	srdreg.scid  }
0x8b: {  	s0 =	sand.u32 $0x1, s1  }
0x8c: {  	s17 =	sshll.u32 s0, $0xA;
	s2 =	sadd.s32 s3, s2  }
0x8d: {  	s2 =	sadd.s32 s2, s17  }
0x8e: {  	[smem:$0x3FC3] =	sst s2  }
0x8f: {  	_ = 	snop  }
0x90: {  	s2 =	sld [smem:$0x3FC6]  }
0x91: {  	s18 =	sld [smem:$0x3FC5]  }
0x92: {  	s4 =	sld [smem:$0x3FD0];
	(tm) =	ssettm $0x1  }
0x93: {  	s5 =	sld [smem:$0x3FFB];
	_ =	sdelay $0x3  }
0x94: {  	_ =	strace s5  }
0x95: {  	s5 =	sld [smem:$0x3FFC];
	_ =	sdelay $0x3  }
0x96: {  	_ =	strace s5  }
0x97: {  	s5 =	sld [smem:$0x3FFD];
	_ =	sdelay $0x3  }
0x98: {  	_ =	strace s5  }
0x99: {  	_ =	strace $0x8FFFFFFF  }
0x9a: {  	s19 =	sld [smem:$0x3FDB];
	_ =	sdelay $0x1  }
0x9b: {  	s6 =	simm.s32 $_scs_section_size  }
0x9c: {  	s7 =	simm.s32 $_size__tile_overlayer_lowered;
	s8 =	simm.s32 $_tile_overlayer_lowered  }
0x9d: {  	s22 =	simm.s32 $0x1BFF;
	s21 =	sshll.u32 s8, $0x1;
	s5 =	sadd.s32 s6, s19  }
0x9e: {  	s9 =	simm.s32 $0x0;
	s20 =	sshll.u32 s7, $0x1;
	s7 =	sadd.s32 s21, s5  }
0x9f: {  	[timem:s9], [sflag:s22] =	dma.local [hbm:s7], s20  }
0xa0: {  	_ =	swait.ge [sflag:s22], s20  }
0xa1: {  	s6 =	ssub.s32 $0x0, s20;
	[sflag:s22] =	ssyncset.done $0x0  }
0xa2: {  	[sflag:s22] =	ssyncadd.s32 s6;
	_ =	sdelay $0x1  }
0xa3: {  	s23 =	simm.s32 $0x1B8B  }
0xa4: {  	_ =	swait.ge [sflag:s23], $0x1  }
0xa5: {  	[sflag:s23] =	ssyncset.done $0x0  }
0xa6: {  	s25 =	simm.s32 $0x1B8E;
	s24 =	sld [smem:$0x3FFE];
	[sflag:s23] =	ssyncadd.s32 $0xFFFFFFFF  }
0xa7: {  	s26 =	simm.s32 $execute0_lowered;
	[smem:$0x3FD2] =	sst s25  }
0xa8: {  	s7 =	sshll.u32 s26, $0x1;
	_ =	strace $0x80000049;
	[dreg:$0x1] =	wrdreg $0xFFFFFFFF  }
0xa9: {  	s28 =	simm.s32 $_size_execute0_lowered;
	s5 =	sadd.s32 s5, s7;
	[dreg:$0x0] =	wrdreg $0x0  }
0xaa: {  	s7 =	sshll.u32 s28, $0x1;
	[dreg:$0x2] =	wrdreg s5  }
0xab: {  	[dreg:$0x3] =	wrdreg s7  }
0xac: {  	[dreg:$0x4] =	wrdreg $0xC0  }
0xad: {  	_ =	task [dreg:s9], $0x5FFFF  }
0xae: {  	[dreg:$0x1] =	wrdreg $0xFFFFFFFF  }
0xaf: {  	[dreg:$0x0] =	wrdreg $0x60  }
0xb0: {  	[dreg:$0x2] =	wrdreg s24  }
0xb1: {  	[dreg:$0x3] =	wrdreg s2  }
0xb2: {  	[dreg:$0x4] =	wrdreg s18  }
0xb3: {  	[dreg:$0x5] =	wrdreg s4  }
0xb4: {  	[dreg:$0x6] =	wrdreg $0xC0200  }
0xb5: {  	[dreg:$0x7] =	wrdreg $0x9  }
0xb6: {  	_ =	task.clear_ibuf [dreg:s9], $0x8FFFF;
	_ =	strace $0x90000049  }
0xb7: {  	s29 =	simm.s32 $0x9;
	_ =	strace $0x8000004B  }
0xb8: {  	_ =	swait.ge [sflag:s29], $0x1  }
0xb9: {  	[sflag:s29] =	ssyncadd.s32 $0xFFFFFFFF  }
0xba: {  	_ =	strace $0x9000004B  }
0xbb: {  	_ =	sfence  }
0xbc: {  	s30 =	sld [smem:$0x0];
	_ =	sdelay $0x2  }
0xbd: {  	s31 =	sshll.u32 s1, $0xD;
	s1 =	sshrl.u32 s1, $0x2  }
0xbe: {  	s3 =	sand.u32 $0x4000, s31;
	s1 =	sadd.s32 s1, s30  }
0xbf: {  	s0 =	sor.u32 s3, s0;
	s1 =	sshll.u32 s1, $0x11  }
0xc0: {  	s0 =	sor.u32 s1, s0  }
0xc1: {  	s0 =	sadd.s32 $0x8F2B, s0  }
0xc2: {  	[sflag:s0] =	ssyncadd.remote.s32 $0x1  }
0xc3: {  	_ =	sfence.sel $0xFFFF  }
0xc4: {  	[dreg:$0x0] =	wrdreg $0xFFFFFFFF;
	(pc) =	sbr.abs _section_cstart, $3  }
0xc5: {  	[dreg:$0x1] =	wrdreg $0xFFFFFFFF  }
0xc6: {  	_ =	task.clear_ibuf [dreg:s9], $0x2FFFF;
	_ =	strace $0x9FFFFFFF  }
0xc7: {  	(tm) =	ssettm $0x7FFFFFFF  }
tec
execute0_lowered:
.L_overlay_start_1:
0x0: {  	(tag) =	ssettag $0x1  }
0x1: {  	s0 =	rddreg [dreg:$0x0]  }
0x2: {  	s1 =	rddreg [dreg:$0x1]  }
0x3: {  	s2 =	rddreg [dreg:$0x2]  }
0x4: {  	s4 =	rddreg [dreg:$0x3]  }
0x5: {  	s5 =	rddreg [dreg:$0x4];
	s6 =	simm.s32 $0x0  }
0x6: {  	s13 =	stileid.u32;
	s3 =	srdreg.scid;
	s18 =	simm.s32 $0x5  }
0x7: {  	s19 =	simm.s32 $0xC000;
	s28 =	simm.s32 $0x5800;
	s29 =	simm.s32 $0x2  }
0x8: {  	s30 =	simm.s32 $0x3;
	s31 =	simm.s32 $0xB800;
	[smem:$0x7FF] =	sst s6  }
0x9: {  	s9 =	smul.u32 $0xC400, s13;
	s3 =	sand.u32 $0x1, s3;
	s7 =	sadd.s32 $0x64E00, s0  }
0xa: {  	s8 =	sadd.s32 $0x128E00, s0;
	s12 =	sadd.s32 $0x129000, s0;
	s22 =	sshll.u32 s13, $0x6  }
0xb: {  	_ =	strace $0x8000004A;
	s10 =	smul.u32 $0xC4000, s3;
	[dreg:$0x6] =	wrdreg s12  }
0xc: {  	s20 =	ssub.s32 $0x2, s3;
	s3 =	sshll.u32 s3, $0x4;
	s11 =	sshrl.u32 s9, $0x3  }
0xd: {  	s21 =	sshrl.u32 s20, $0x1;
	s3 =	sor.u32 s13, s3;
	s11 =	sadd.s32 s11, s0  }
0xe: {  	s10 =	sadd.s32 s9, s10;
	s23 =	smul.u32 $0xC400, s3;
	s9 =	sadd.s32 s9, s5  }
0xf: {  	s12 =	smul.u32 $0xC4, s3;
	s3 =	simm.s32 $0x0;
	s10 =	sshrl.u32 s10, $0x3  }
0x10: {  	s11 =	sadd.s32 $0x2E00, s11;
	s17 =	sshrl.u32 s9, $0x3;
	s0 =	sadd.s32 s10, s0  }
0x11: {  	s10 =	ssub.s32 s20, s21;
	[dreg:$0x7] =	wrdreg s11;
	s11 =	sor.u32 $0x1C05, s22  }
0x12: {  	s24 =	sadd.s32 s1, s23;
	s25 =	sadd.s32 s2, s23;
	s20 =	simm.s32 $0x800  }
0x13: {  	s21 =	simm.s32 $0x1000;
	s22 =	simm.s32 $0x1800;
	[dreg:$0x8] =	wrdreg s24  }
0x14: {  	s23 =	simm.s32 $0x6800;
	[dreg:$0x9] =	wrdreg s25;
	s0 =	sadd.s32 $0x1B600, s0  }
0x15: {  	v0 =	vlaneseq.u32;
	s26 =	smax.u32 s10, $0x1;
	s24 =	simm.s32 $0x7000;
	[dreg:$0xa] =	wrdreg s0  }
0x16: {  	vm0 =	vmxor vm0, vm0;
	v1 =	vmul.u32 $0x8, v0;
	s25 =	simm.s32 $0x7800;
	[dreg:$0xb] =	wrdreg s26;
	s26 =	simm.s32 $0x1  }
.LBB2_1:
0x17: {  	s0 =	rddreg [dreg:$0x7]  }
0x18: {  	[spmem:s17], [sflag:s11] =	dma.local [hbm:s0], $0x1880  }
0x19: {  	_ =	swait.ge [sflag:s18], $0x1880  }
0x1a: {  	[sflag:s18] =	ssyncset.done $0x0  }
0x1b: {  	s14 =	rddreg [dreg:$0x6];
	[sflag:s18] =	ssyncadd.s32 $0xFFFFE780  }
0x1c: {  	[tilespmem:s19], [sflag:$0x5] =	stream.linear.gather [hbm4b:s14+s6], $0x20, $0x38;
	[tilespmem:$0x18420] =	vst v63  }
0x1d: {  	_ =	swait.ge [sflag:s18], $0x20  }
0x1e: {  	[sflag:s18] =	ssyncset.done $0x0  }
0x1f: {  	[sflag:s18] =	ssyncadd.s32 $0xFFFFFFE0  }
0x20: {  	[bflag:$0x0] =	sbarrier.arrive $0xFFFF  }
0x21: {  	s15 =	rddreg [dreg:$0x8]  }
0x22: {  	[tilespmem:s6], [sflag:$0x5] =	stream.linear.gather [hbm4b:s15+s6], $0x800, $0x38;
	[tilespmem:$0x18420] =	vst v63  }
0x23: {  	_ =	swait.ge [sflag:s18], $0x800  }
0x24: {  	[sflag:s18] =	ssyncset.done $0x0  }
0x25: {  	s16 =	rddreg [dreg:$0x9];
	[sflag:s18] =	ssyncadd.s32 $0xFFFFF800  }
0x26: {  	[tilespmem:s20], [sflag:$0x5] =	stream.linear.gather [hbm4b:s16+s6], $0x800, $0x38;
	[tilespmem:$0x18420] =	vst v63  }
0x27: {  	_ =	swait.ge [sflag:s18], $0x800  }
0x28: {  	[sflag:s18] =	ssyncset.done $0x0  }
0x29: {  	[sflag:s18] =	ssyncadd.s32 $0xFFFFF800  }
0x2a: {  	v2 =	vld [tilespmem:$0x0];
	_ =	sdelay $0x4  }
0x2b: {  	v2 =	vxor.u32 $0x80000000, v2  }
0x2c: {  	(xrf0) =	vmin.scan.msk.u32 $0xffff, v2;
	_ =	sdelay $0x5  }
0x2d: {  	v2, _, _ =	vpop (xrf0)  }
0x2e: {  	(v2sf) =	vpush v2, $0xF;
	_ =	sdelay $0xe  }
0x2f: {  	s9 =	spop (v2sf)  }
0x30: {  	s9 =	sand.u32 $0x1FFFFFF8, s9  }
0x31: {  	s9 =	sadd.s32 s7, s9  }
0x32: {  	[tilespmem:s21], [sflag:$0x1] =	stream.linear.gather [hbm4b:s9+s6], $0x800, $0x38;
	[tilespmem:$0x18420] =	vst v63  }
0x33: {  	s9 =	simm.s32 $0x0  }
0x34: {  	[tilespmem:s22], [sflag:$0x1] =	stream.indirect.gather [hbm4b:s7+s20], $0x8, s20, s20, $0xb8;
	[tilespmem:$0x18420] =	vst v63  }
.LBB2_2:
0x35: {  	s13 =	sshll.u32 s9, $0x1  }
0x36: {  	s14 =	sadd.s32 s12, s13  }
0x37: {  	p1 =	seq.s32 s9, $0x0;
	p0 =	sne.s32 s14, $0x1868  }
0x38: {  	s10 =	simm.s32 @!p1 $0x4;
	p2 =	slt.u32 @p0 s14, $0x186A;
	s15 =	sshll.u32 @p0 s14, $0x8  }
0x39: {  	_ =	swait.ge @!p1 [sflag:s10], $0x800;
	s15 =	sor.u32 @p0 $0x100, s15;
	p2 =	por !p2, !p0  }
0x3a: {  	[sflag:s10] =	ssyncset.done @!p1 $0x0;
	s16 =	simm.s32 @p0 $0x0;
	s15 =	simm.s32 @p2 $0x0  }
0x3b: {  	s0 =	simm.s32 @p0 $0x6000;
	[sflag:s10] =	ssyncadd.s32 @!p1 $0xFFFFF800;
	s10 =	sadd.s32 @p0 s1, s15  }
0x3c: {  	[tilespmem:s0], [sflag:$0x5] =	stream.linear.gather @p0 [hbm4b:s10+s16], $0x800, $0x38;
	[tilespmem:$0x18420] =	vst v63  }
0x3d: {  	s0 =	simm.s32 @p0 $0x5  }
0x3e: {  	_ =	swait.ge @p0 [sflag:s0], $0x800  }
0x3f: {  	[sflag:s0] =	ssyncset.done @p0 $0x0  }
0x40: {  	s10 =	simm.s32 @!p0 $0x6000;
	[sflag:s0] =	ssyncadd.s32 @p0 $0xFFFFF800;
	s0 =	simm.s32 @!p0 $0x0  }
0x41: {  	[tilespmem:s10], [sflag:$0x5] =	stream.linear.gather @!p0 [hbm4b:s4+s0], $0x800, $0x38;
	[tilespmem:$0x18420] =	vst v63  }
0x42: {  	s0 =	simm.s32 @!p0 $0x5  }
0x43: {  	_ =	swait.ge @!p0 [sflag:s0], $0x800  }
0x44: {  	s10 =	sadd.s32 @p0 s2, s15;
	s15 =	smov.u32 s8;
	[sflag:s0] =	ssyncset.done @!p0 $0x0  }
0x45: {  	s15 =	smov.u32 @p0 s10;
	s10 =	simm.s32 $0x0;
	[sflag:s0] =	ssyncadd.s32 @!p0 $0xFFFFF800  }
0x46: {  	[tilespmem:s23], [sflag:$0x5] =	stream.linear.gather [hbm4b:s15+s10], $0x800, $0x38;
	[tilespmem:$0x18420] =	vst v63  }
0x47: {  	_ =	swait.ge [sflag:s18], $0x800  }
0x48: {  	[sflag:s18] =	ssyncset.done $0x0  }
0x49: {  	[sflag:s18] =	ssyncadd.s32 $0xFFFFF800  }
0x4a: {  	v2 =	vld [tilespmem:$0x6000];
	_ =	sdelay $0x4  }
0x4b: {  	v2 =	vxor.u32 $0x80000000, v2  }
0x4c: {  	(xrf0) =	vmin.scan.msk.u32 $0xffff, v2;
	_ =	sdelay $0x5  }
0x4d: {  	v2, _, _ =	vpop (xrf0)  }
0x4e: {  	(v2sf) =	vpush v2, $0xF;
	_ =	sdelay $0xe  }
0x4f: {  	s15 =	spop (v2sf)  }
0x50: {  	s0 =	sand.u32 $0x1FFFFFF8, s15  }
0x51: {  	s0 =	sadd.s32 s7, s0  }
0x52: {  	[tilespmem:s24], [sflag:$0x3] =	stream.linear.gather [hbm4b:s0+s10], $0x800, $0x38;
	[tilespmem:$0x18420] =	vst v63  }
0x53: {  	_ = 	snop  }
0x54: {  	[tilespmem:s25], [sflag:$0x3] =	stream.indirect.gather [hbm4b:s7+s20], $0x8, s23, s20, $0xb8;
	[tilespmem:$0x18420] =	vst v63  }
0x55: {  	_ =	swait.ge [sflag:s26], $0x800  }
0x56: {  	[sflag:s26] =	ssyncset.done $0x0  }
0x57: {  	[sflag:s26] =	ssyncadd.s32 $0xFFFFF800  }
0x58: {  	_ =	swait.ge [sflag:s26], $0x4000  }
0x59: {  	[sflag:s26] =	ssyncset.done $0x0  }
0x5a: {  	[sflag:s26] =	ssyncadd.s32 $0xFFFFC000  }
0x5b: {  	v2 =	vld [tilespmem:$0x0];
	_ =	sdelay $0x4  }
0x5c: {  	v2 =	vxor.u32 $0x80000000, v2  }
0x5d: {  	(xrf0) =	vmin.scan.msk.u32 $0xffff, v2;
	_ =	sdelay $0x5  }
0x5e: {  	v2, _, _ =	vpop (xrf0)  }
0x5f: {  	(v2sf) =	vpush v2, $0xF;
	_ =	sdelay $0xe  }
0x60: {  	s16 =	spop (v2sf)  }
0x61: {  	s13 =	sor.u32 $0x1, s13;
	p0 =	sgt.u32 s14, $0x1869;
	s0 =	sand.u32 $0xFFFFFFF8, s16  }
0x62: {  	s14 =	simm.s32 $0xFFFFFFFC;
	s15 =	simm.s32 $0x20;
	s16 =	simm.s32 $0x5820;
	v2 =	vmov s0  }
.LBB2_3:
0x63: {  	v3 =	vld [tilespmem:s15+$0xFFFFFFE0];
	_ =	sdelay $0x1  }
0x64: {  	v4 =	vmov s10  }
0x65: {  	v4 =	vshll.u32 v4, $0x3  }
0x66: {  	v4 =	vor.u32 v1, v4  }
0x67: {  	v6 =	vor.u32 $0x1, v4;
	v3 =	vsub.s32 v3, v2  }
0x68: {  	v3 =	vshll.u32 v3, $0x3  }
0x69: {  	v5 =	vor.u32 $0x1, v3  }
0x6a: {  	v9 =	vor.u32 $0x2, v4  }
0x6b: {  	v7 =	vor.u32 $0x2, v3;
	v10 =	vld.idx.msk [tilespmem:v4+s22+$0x0], $0xffff  }
0x6c: {  	v6 =	vld.idx.msk [tilespmem:v6+s22+$0x0], $0xffff  }
0x6d: {  	v8 =	vld.idx.msk [tilespmem:v3+s21+$0x0], $0xffff  }
0x6e: {  	v5 =	vld.idx.msk [tilespmem:v5+s21+$0x0], $0xffff  }
0x6f: {  	v9 =	vld.idx.msk [tilespmem:v9+s22+$0x0], $0xffff  }
0x70: {  	v7 =	vld.idx.msk [tilespmem:v7+s21+$0x0], $0xffff;
	_ =	sdelay $0x2  }
0x71: {  	v8 =	vmul.f32 v10, v8;
	v5 =	vmul.f32 v6, v5;
	_ =	sdelay $0x1  }
0x72: {  	v15 =	vmul.f32 v9, v7;
	v5 =	vadd.f32 v5, v8;
	_ =	sdelay $0x1  }
0x73: {  	v5 =	vadd.f32 v15, v5;
	_ =	sdelay $0x1  }
0x74: {  	v5 =	vsub.f32 $0.0e+00, v5;
	_ =	sdelay $0x1  }
0x75: {  	v5 =	vmax.f32 v5, $-1.000000000e+00  }
0x76: {  	v5 =	vmin.f32 v5, $1.000000000e+00  }
0x77: {  	v16 =	vadd.f32 $1.000000000e+00, v5;
	_ =	sdelay $0x1  }
0x78: {  	v6 =	vmul.f32 $3.000000000e+00, v16;
	_ =	sdelay $0x1  }
0x79: {  	v6 =	vtrunc.f32 v6  }
0x7a: {  	v6 =	vcvt.f32.s32 v6;
	_ =	sdelay $0x1  }
0x7b: {  	vm1 =	vlt.s32 v6, $0x5  }
0x7c: {  	v6 =	vnsel vm1, $0x5, v6  }
0x7d: {  	v17 =	vadd.s32 $0x18, v6;
	_ =	sdelay $0x1  }
0x7e: {  	v18 =	vcvt.s32.f32 v6;
	v19 =	vadd.s32 $0x10, v6;
	_ =	sdelay $0x1  }
0x7f: {  	v8 =	vmul.f32 $3.333333430e-01, v18  }
0x80: {  	v7 =	vld.idx.msk [tilespmem:v17+s19+$0x0], $0xffff  }
0x81: {  	v20 =	vadd.s32 $0x8, v6;
	v8 =	vadd.f32 $-1.000000000e+00, v8  }
0x82: {  	v9 =	vld.idx.msk [tilespmem:v19+s19+$0x0], $0xffff  }
0x83: {  	v4 =	vor.u32 $0x3, v4;
	v5 =	vsub.f32 v5, v8  }
0x84: {  	v3 =	vor.u32 $0x3, v3  }
0x85: {  	v7 =	vmul.f32 v5, v7  }
0x86: {  	v21 =	vld.idx.msk [tilespmem:v20+s19+$0x0], $0xffff  }
0x87: {  	v7 =	vadd.f32 v7, v9  }
0x88: {  	v4 =	vld.idx.msk [tilespmem:v4+s22+$0x0], $0xffff  }
0x89: {  	v3 =	vld.idx.msk [tilespmem:v3+s21+$0x0], $0xffff;
	v7 =	vmul.f32 v7, v5  }
0x8a: {  	v6 =	vld.idx.msk [tilespmem:v6+s19+$0x0], $0xffff  }
0x8b: {  	v7 =	vadd.f32 v7, v21;
	_ =	sdelay $0x1  }
0x8c: {  	v5 =	vmul.f32 v7, v5;
	_ =	sdelay $0x1  }
0x8d: {  	v3 =	vmul.f32 v4, v3;
	v5 =	vadd.f32 v5, v6;
	_ =	sdelay $0x1  }
0x8e: {  	v3 =	vmul.f32 v5, v3;
	_ =	sdelay $0x1  }
0x8f: {  	v3 =	vpsel p0, $0x0, v3  }
0x90: {  	[tilespmem:s16+$0xFFFFFFE0] =	vst v3  }
0x91: {  	v3 =	vld [tilespmem:s15+$0xFFFFFFF0]  }
0x92: {  	s0 =	sadd.s32 $0x10, s10  }
0x93: {  	v22 =	vmov s0  }
0x94: {  	v4 =	vshll.u32 v22, $0x3  }
0x95: {  	v4 =	vor.u32 v1, v4  }
0x96: {  	v24 =	vor.u32 $0x1, v4;
	v3 =	vsub.s32 v3, v2  }
0x97: {  	v3 =	vshll.u32 v3, $0x3  }
0x98: {  	v23 =	vor.u32 $0x1, v3  }
0x99: {  	v27 =	vor.u32 $0x2, v4  }
0x9a: {  	v28 =	vld.idx.msk [tilespmem:v4+s22+$0x0], $0xffff;
	v25 =	vor.u32 $0x2, v3  }
0x9b: {  	v6 =	vld.idx.msk [tilespmem:v24+s22+$0x0], $0xffff  }
0x9c: {  	v26 =	vld.idx.msk [tilespmem:v3+s21+$0x0], $0xffff  }
0x9d: {  	v5 =	vld.idx.msk [tilespmem:v23+s21+$0x0], $0xffff  }
0x9e: {  	v9 =	vld.idx.msk [tilespmem:v27+s22+$0x0], $0xffff  }
0x9f: {  	v7 =	vld.idx.msk [tilespmem:v25+s21+$0x0], $0xffff;
	_ =	sdelay $0x2  }
0xa0: {  	v8 =	vmul.f32 v28, v26;
	v5 =	vmul.f32 v6, v5;
	_ =	sdelay $0x1  }
0xa1: {  	v29 =	vmul.f32 v9, v7;
	v5 =	vadd.f32 v5, v8;
	_ =	sdelay $0x1  }
0xa2: {  	v5 =	vadd.f32 v29, v5;
	_ =	sdelay $0x1  }
0xa3: {  	v5 =	vsub.f32 $0.0e+00, v5;
	_ =	sdelay $0x1  }
0xa4: {  	v5 =	vmax.f32 v5, $-1.000000000e+00  }
0xa5: {  	v5 =	vmin.f32 v5, $1.000000000e+00  }
0xa6: {  	v30 =	vadd.f32 $1.000000000e+00, v5;
	_ =	sdelay $0x1  }
0xa7: {  	v6 =	vmul.f32 $3.000000000e+00, v30;
	_ =	sdelay $0x1  }
0xa8: {  	v6 =	vtrunc.f32 v6  }
0xa9: {  	v6 =	vcvt.f32.s32 v6;
	_ =	sdelay $0x1  }
0xaa: {  	vm1 =	vlt.s32 v6, $0x5  }
0xab: {  	v6 =	vnsel vm1, $0x5, v6  }
0xac: {  	v31 =	vadd.s32 $0x18, v6;
	_ =	sdelay $0x1  }
0xad: {  	v32 =	vcvt.s32.f32 v6;
	v33 =	vadd.s32 $0x10, v6;
	_ =	sdelay $0x1  }
0xae: {  	v8 =	vmul.f32 $3.333333430e-01, v32  }
0xaf: {  	v7 =	vld.idx.msk [tilespmem:v31+s19+$0x0], $0xffff  }
0xb0: {  	v34 =	vadd.s32 $0x8, v6;
	v8 =	vadd.f32 $-1.000000000e+00, v8  }
0xb1: {  	v9 =	vld.idx.msk [tilespmem:v33+s19+$0x0], $0xffff  }
0xb2: {  	v4 =	vor.u32 $0x3, v4;
	v5 =	vsub.f32 v5, v8  }
0xb3: {  	v3 =	vor.u32 $0x3, v3  }
0xb4: {  	v7 =	vmul.f32 v5, v7  }
0xb5: {  	v35 =	vld.idx.msk [tilespmem:v34+s19+$0x0], $0xffff  }
0xb6: {  	v7 =	vadd.f32 v7, v9  }
0xb7: {  	v4 =	vld.idx.msk [tilespmem:v4+s22+$0x0], $0xffff  }
0xb8: {  	v3 =	vld.idx.msk [tilespmem:v3+s21+$0x0], $0xffff;
	v7 =	vmul.f32 v7, v5  }
0xb9: {  	v6 =	vld.idx.msk [tilespmem:v6+s19+$0x0], $0xffff  }
0xba: {  	v7 =	vadd.f32 v7, v35;
	_ =	sdelay $0x1  }
0xbb: {  	v5 =	vmul.f32 v7, v5;
	_ =	sdelay $0x1  }
0xbc: {  	v3 =	vmul.f32 v4, v3;
	v5 =	vadd.f32 v5, v6;
	_ =	sdelay $0x1  }
0xbd: {  	v3 =	vmul.f32 v5, v3;
	_ =	sdelay $0x1  }
0xbe: {  	v3 =	vpsel p0, $0x0, v3  }
0xbf: {  	[tilespmem:s16+$0xFFFFFFF0] =	vst v3  }
0xc0: {  	v3 =	vld [tilespmem:s15+$0x0]  }
0xc1: {  	s0 =	sadd.s32 $0x20, s10  }
0xc2: {  	v36 =	vmov s0  }
0xc3: {  	v4 =	vshll.u32 v36, $0x3  }
0xc4: {  	v4 =	vor.u32 v1, v4  }
0xc5: {  	v38 =	vor.u32 $0x1, v4;
	v3 =	vsub.s32 v3, v2  }
0xc6: {  	v3 =	vshll.u32 v3, $0x3  }
0xc7: {  	v37 =	vor.u32 $0x1, v3  }
0xc8: {  	v41 =	vor.u32 $0x2, v4  }
0xc9: {  	v42 =	vld.idx.msk [tilespmem:v4+s22+$0x0], $0xffff;
	v39 =	vor.u32 $0x2, v3  }
0xca: {  	v6 =	vld.idx.msk [tilespmem:v38+s22+$0x0], $0xffff  }
0xcb: {  	v40 =	vld.idx.msk [tilespmem:v3+s21+$0x0], $0xffff  }
0xcc: {  	v5 =	vld.idx.msk [tilespmem:v37+s21+$0x0], $0xffff  }
0xcd: {  	v9 =	vld.idx.msk [tilespmem:v41+s22+$0x0], $0xffff  }
0xce: {  	v7 =	vld.idx.msk [tilespmem:v39+s21+$0x0], $0xffff;
	_ =	sdelay $0x2  }
0xcf: {  	v8 =	vmul.f32 v42, v40;
	v5 =	vmul.f32 v6, v5;
	_ =	sdelay $0x1  }
0xd0: {  	v43 =	vmul.f32 v9, v7;
	v5 =	vadd.f32 v5, v8;
	_ =	sdelay $0x1  }
0xd1: {  	v5 =	vadd.f32 v43, v5;
	_ =	sdelay $0x1  }
0xd2: {  	v5 =	vsub.f32 $0.0e+00, v5;
	_ =	sdelay $0x1  }
0xd3: {  	v5 =	vmax.f32 v5, $-1.000000000e+00  }
0xd4: {  	v5 =	vmin.f32 v5, $1.000000000e+00  }
0xd5: {  	v44 =	vadd.f32 $1.000000000e+00, v5;
	_ =	sdelay $0x1  }
0xd6: {  	v6 =	vmul.f32 $3.000000000e+00, v44;
	_ =	sdelay $0x1  }
0xd7: {  	v6 =	vtrunc.f32 v6  }
0xd8: {  	v6 =	vcvt.f32.s32 v6;
	_ =	sdelay $0x1  }
0xd9: {  	vm1 =	vlt.s32 v6, $0x5  }
0xda: {  	v6 =	vnsel vm1, $0x5, v6  }
0xdb: {  	v45 =	vadd.s32 $0x18, v6;
	_ =	sdelay $0x1  }
0xdc: {  	v46 =	vcvt.s32.f32 v6;
	v47 =	vadd.s32 $0x10, v6;
	_ =	sdelay $0x1  }
0xdd: {  	v8 =	vmul.f32 $3.333333430e-01, v46  }
0xde: {  	v7 =	vld.idx.msk [tilespmem:v45+s19+$0x0], $0xffff  }
0xdf: {  	v48 =	vadd.s32 $0x8, v6;
	v8 =	vadd.f32 $-1.000000000e+00, v8  }
0xe0: {  	v9 =	vld.idx.msk [tilespmem:v47+s19+$0x0], $0xffff  }
0xe1: {  	v4 =	vor.u32 $0x3, v4;
	v5 =	vsub.f32 v5, v8  }
0xe2: {  	v3 =	vor.u32 $0x3, v3  }
0xe3: {  	v7 =	vmul.f32 v5, v7  }
0xe4: {  	v49 =	vld.idx.msk [tilespmem:v48+s19+$0x0], $0xffff  }
0xe5: {  	v7 =	vadd.f32 v7, v9  }
0xe6: {  	v4 =	vld.idx.msk [tilespmem:v4+s22+$0x0], $0xffff  }
0xe7: {  	v3 =	vld.idx.msk [tilespmem:v3+s21+$0x0], $0xffff;
	v7 =	vmul.f32 v7, v5  }
0xe8: {  	v6 =	vld.idx.msk [tilespmem:v6+s19+$0x0], $0xffff  }
0xe9: {  	v7 =	vadd.f32 v7, v49;
	_ =	sdelay $0x1  }
0xea: {  	v5 =	vmul.f32 v7, v5;
	_ =	sdelay $0x1  }
0xeb: {  	v3 =	vmul.f32 v4, v3;
	v5 =	vadd.f32 v5, v6;
	_ =	sdelay $0x1  }
0xec: {  	v3 =	vmul.f32 v5, v3;
	_ =	sdelay $0x1  }
0xed: {  	v3 =	vpsel p0, $0x0, v3  }
0xee: {  	[tilespmem:s16+$0x0] =	vst v3  }
0xef: {  	v3 =	vld [tilespmem:s15+$0x10]  }
0xf0: {  	s0 =	sadd.s32 $0x30, s10  }
0xf1: {  	v50 =	vmov s0  }
0xf2: {  	v4 =	vshll.u32 v50, $0x3  }
0xf3: {  	v4 =	vor.u32 v1, v4  }
0xf4: {  	v52 =	vor.u32 $0x1, v4;
	v3 =	vsub.s32 v3, v2  }
0xf5: {  	v3 =	vshll.u32 v3, $0x3  }
0xf6: {  	v51 =	vor.u32 $0x1, v3  }
0xf7: {  	v55 =	vor.u32 $0x2, v4  }
0xf8: {  	v56 =	vld.idx.msk [tilespmem:v4+s22+$0x0], $0xffff;
	v53 =	vor.u32 $0x2, v3  }
0xf9: {  	v6 =	vld.idx.msk [tilespmem:v52+s22+$0x0], $0xffff  }
0xfa: {  	v54 =	vld.idx.msk [tilespmem:v3+s21+$0x0], $0xffff  }
0xfb: {  	v5 =	vld.idx.msk [tilespmem:v51+s21+$0x0], $0xffff  }
0xfc: {  	v9 =	vld.idx.msk [tilespmem:v55+s22+$0x0], $0xffff  }
0xfd: {  	v7 =	vld.idx.msk [tilespmem:v53+s21+$0x0], $0xffff;
	_ =	sdelay $0x2  }
0xfe: {  	v8 =	vmul.f32 v56, v54;
	v5 =	vmul.f32 v6, v5;
	_ =	sdelay $0x1  }
0xff: {  	v57 =	vmul.f32 v9, v7;
	v5 =	vadd.f32 v5, v8;
	_ =	sdelay $0x1  }
0x100: {  	v5 =	vadd.f32 v57, v5;
	_ =	sdelay $0x1  }
0x101: {  	v5 =	vsub.f32 $0.0e+00, v5;
	_ =	sdelay $0x1  }
0x102: {  	v5 =	vmax.f32 v5, $-1.000000000e+00  }
0x103: {  	v5 =	vmin.f32 v5, $1.000000000e+00  }
0x104: {  	v58 =	vadd.f32 $1.000000000e+00, v5;
	_ =	sdelay $0x1  }
0x105: {  	v6 =	vmul.f32 $3.000000000e+00, v58;
	_ =	sdelay $0x1  }
0x106: {  	v6 =	vtrunc.f32 v6  }
0x107: {  	v6 =	vcvt.f32.s32 v6;
	_ =	sdelay $0x1  }
0x108: {  	vm1 =	vlt.s32 v6, $0x5  }
0x109: {  	v6 =	vnsel vm1, $0x5, v6  }
0x10a: {  	v59 =	vadd.s32 $0x18, v6;
	_ =	sdelay $0x1  }
0x10b: {  	v60 =	vcvt.s32.f32 v6;
	v61 =	vadd.s32 $0x10, v6;
	_ =	sdelay $0x1  }
0x10c: {  	v8 =	vmul.f32 $3.333333430e-01, v60  }
0x10d: {  	v7 =	vld.idx.msk [tilespmem:v59+s19+$0x0], $0xffff  }
0x10e: {  	v62 =	vadd.s32 $0x8, v6;
	v8 =	vadd.f32 $-1.000000000e+00, v8  }
0x10f: {  	v9 =	vld.idx.msk [tilespmem:v61+s19+$0x0], $0xffff  }
0x110: {  	v4 =	vor.u32 $0x3, v4;
	v5 =	vsub.f32 v5, v8  }
0x111: {  	v3 =	vor.u32 $0x3, v3  }
0x112: {  	v7 =	vmul.f32 v5, v7  }
0x113: {  	v63 =	vld.idx.msk [tilespmem:v62+s19+$0x0], $0xffff  }
0x114: {  	v7 =	vadd.f32 v7, v9  }
0x115: {  	v4 =	vld.idx.msk [tilespmem:v4+s22+$0x0], $0xffff  }
0x116: {  	v3 =	vld.idx.msk [tilespmem:v3+s21+$0x0], $0xffff;
	v7 =	vmul.f32 v7, v5  }
0x117: {  	v6 =	vld.idx.msk [tilespmem:v6+s19+$0x0], $0xffff  }
0x118: {  	v7 =	vadd.f32 v7, v63;
	_ =	sdelay $0x1  }
0x119: {  	v5 =	vmul.f32 v7, v5  }
0x11a: {  	s14 =	sadd.s32 $0x4, s14  }
0x11b: {  	p1 =	slt.u32 s14, $0x7C;
	v3 =	vmul.f32 v4, v3;
	v5 =	vadd.f32 v5, v6  }
.Ltmp0:
0x11c: {  	_ = 	snop;
	(pc) =	sbr.rel @p1 .LBB2_3-.Ltmp0, $3  }
0x11d: {  	v3 =	vmul.f32 v5, v3;
	_ =	sdelay $0x1  }
0x11e: {  	v3 =	vpsel p0, $0x0, v3  }
0x11f: {  	s10 =	sadd.s32 $0x40, s10;
	s15 =	sadd.s32 $0x40, s15;
	[tilespmem:s16+$0x10] =	vst v3;
	s16 =	sadd.s32 $0x40, s16  }
0x120: {  	[spmem:s5] =	stream.indirect.scatter.add.f32 [tilespmem:s28], [sflag:$0x2], $0x1, s20, s20, $0xb8;
	[tilespmem:$0x18420] =	vst v63  }
0x121: {  	s0 =	sadd.s32 s12, s13;
	p0 =	seq.s32 s9, $0x61  }
0x122: {  	p1 =	slt.u32 @!p0 s0, $0x1869;
	s10 =	sshll.u32 @!p0 s0, $0x8  }
0x123: {  	_ =	swait.ge [sflag:s29], $0x800;
	s10 =	sadd.s32 @!p0 $0x100, s10;
	p1 =	por !p1, p0  }
0x124: {  	[sflag:s29] =	ssyncset.done $0x0;
	s10 =	simm.s32 @p1 $0x0  }
0x125: {  	s14 =	simm.s32 @!p0 $0x0;
	[sflag:s29] =	ssyncadd.s32 $0xFFFFF800;
	s13 =	sadd.s32 @!p0 s1, s10  }
0x126: {  	[tilespmem:s14], [sflag:$0x5] =	stream.linear.gather @!p0 [hbm4b:s13+s14], $0x800, $0x38;
	[tilespmem:$0x18420] =	vst v63  }
0x127: {  	s13 =	simm.s32 @!p0 $0x5  }
0x128: {  	_ =	swait.ge @!p0 [sflag:s13], $0x800  }
0x129: {  	[sflag:s13] =	ssyncset.done @!p0 $0x0  }
0x12a: {  	s15 =	simm.s32 @!p0 $0x800;
	s10 =	sadd.s32 @!p0 s2, s10;
	[sflag:s13] =	ssyncadd.s32 @!p0 $0xFFFFF800  }
0x12b: {  	[tilespmem:s15], [sflag:$0x5] =	stream.linear.gather @!p0 [hbm4b:s10+s14], $0x800, $0x38;
	[tilespmem:$0x18420] =	vst v63  }
0x12c: {  	_ =	swait.ge @!p0 [sflag:s13], $0x800  }
0x12d: {  	[sflag:s13] =	ssyncset.done @!p0 $0x0  }
0x12e: {  	[sflag:s13] =	ssyncadd.s32 @!p0 $0xFFFFF800  }
0x12f: {  	v2 =	vld @!p0 [tilespmem:$0x0];
	_ =	sdelay $0x4  }
0x130: {  	v2 =	vxor.u32 @!p0 $0x80000000, v2  }
0x131: {  	(xrf0) =	vmin.scan.msk.u32 @!p0 $0xffff, v2;
	_ =	sdelay $0x5  }
0x132: {  	v2, _, _ =	vpop @!p0 (xrf0)  }
0x133: {  	(v2sf) =	vpush @!p0 v2, $0xF;
	_ =	sdelay $0xe  }
0x134: {  	s10 =	spop @!p0 (v2sf)  }
0x135: {  	s10 =	sand.u32 @!p0 $0x1FFFFFF8, s10  }
0x136: {  	s13 =	simm.s32 @!p0 $0x1000;
	s10 =	sadd.s32 @!p0 s7, s10  }
0x137: {  	[tilespmem:s13], [sflag:$0x1] =	stream.linear.gather @!p0 [hbm4b:s10+s14], $0x800, $0x38;
	[tilespmem:$0x18420] =	vst v63  }
0x138: {  	s10 =	simm.s32 @!p0 $0x1800  }
0x139: {  	[tilespmem:s10], [sflag:$0x1] =	stream.indirect.gather @!p0 [hbm4b:s7+s15], $0x8, s15, s15, $0xb8;
	[tilespmem:$0x18420] =	vst v63  }
0x13a: {  	_ =	swait.ge [sflag:s30], $0x800  }
0x13b: {  	[sflag:s30] =	ssyncset.done $0x0  }
0x13c: {  	[sflag:s30] =	ssyncadd.s32 $0xFFFFF800  }
0x13d: {  	_ =	swait.ge [sflag:s30], $0x4000  }
0x13e: {  	[sflag:s30] =	ssyncset.done $0x0  }
0x13f: {  	[sflag:s30] =	ssyncadd.s32 $0xFFFFC000  }
0x140: {  	v2 =	vld [tilespmem:$0x6000];
	_ =	sdelay $0x4  }
0x141: {  	v2 =	vxor.u32 $0x80000000, v2  }
0x142: {  	(xrf0) =	vmin.scan.msk.u32 $0xffff, v2;
	_ =	sdelay $0x5  }
0x143: {  	v2, _, _ =	vpop (xrf0)  }
0x144: {  	(v2sf) =	vpush v2, $0xF;
	_ =	sdelay $0xe  }
0x145: {  	p1 =	sgt.u32 s0, $0x1869;
	s15 =	spop (v2sf)  }
0x146: {  	vm1 =	vmmov vm0;
	vm2 =	vmmov vm0;
	s13 =	simm.s32 $0x0;
	p0 =	seq.s32 s0, $0x1869;
	s16 =	sand.u32 $0xFFFFFFF8, s15  }
0x147: {  	vm2 =	vmneg @p1 vm2;
	s14 =	simm.s32 $0x6020;
	s10 =	simm.s32 $0xFFFFFFFC;
	vm1 =	vmneg @p0 vm1;
	s15 =	simm.s32 $0xB820;
	v2 =	vmov s16  }
.LBB2_5:
0x148: {  	v3 =	vld [tilespmem:s14+$0xFFFFFFE0];
	_ =	sdelay $0x2  }
0x149: {  	v4 =	vor.u32 s13, v0  }
0x14a: {  	v6 =	vshll.u32 v4, $0x3  }
0x14b: {  	v7 =	vor.u32 $0x1, v6;
	v3 =	vsub.s32 v3, v2  }
0x14c: {  	v3 =	vshll.u32 v3, $0x3  }
0x14d: {  	v5 =	vor.u32 $0x1, v3  }
0x14e: {  	v10 =	vor.u32 $0x2, v6  }
0x14f: {  	v11 =	vld.idx.msk [tilespmem:v6+s25+$0x0], $0xffff;
	v8 =	vor.u32 $0x2, v3  }
0x150: {  	v7 =	vld.idx.msk [tilespmem:v7+s25+$0x0], $0xffff  }
0x151: {  	v9 =	vld.idx.msk [tilespmem:v3+s24+$0x0], $0xffff  }
0x152: {  	v5 =	vld.idx.msk [tilespmem:v5+s24+$0x0], $0xffff  }
0x153: {  	v10 =	vld.idx.msk [tilespmem:v10+s25+$0x0], $0xffff  }
0x154: {  	v8 =	vld.idx.msk [tilespmem:v8+s24+$0x0], $0xffff;
	_ =	sdelay $0x2  }
0x155: {  	v9 =	vmul.f32 v11, v9;
	v5 =	vmul.f32 v7, v5;
	_ =	sdelay $0x1  }
0x156: {  	v12 =	vmul.f32 v10, v8;
	v5 =	vadd.f32 v5, v9;
	_ =	sdelay $0x1  }
0x157: {  	v5 =	vadd.f32 v12, v5;
	_ =	sdelay $0x1  }
0x158: {  	v5 =	vsub.f32 $0.0e+00, v5;
	_ =	sdelay $0x1  }
0x159: {  	v5 =	vmax.f32 v5, $-1.000000000e+00  }
0x15a: {  	v5 =	vmin.f32 v5, $1.000000000e+00  }
0x15b: {  	v13 =	vadd.f32 $1.000000000e+00, v5;
	_ =	sdelay $0x1  }
0x15c: {  	v7 =	vmul.f32 $3.000000000e+00, v13;
	_ =	sdelay $0x1  }
0x15d: {  	v7 =	vtrunc.f32 v7  }
0x15e: {  	v7 =	vcvt.f32.s32 v7;
	_ =	sdelay $0x1  }
0x15f: {  	vm3 =	vlt.s32 v7, $0x5  }
0x160: {  	v7 =	vnsel vm3, $0x5, v7  }
0x161: {  	v14 =	vadd.s32 $0x18, v7;
	_ =	sdelay $0x1  }
0x162: {  	v15 =	vcvt.s32.f32 v7;
	v16 =	vadd.s32 $0x10, v7;
	_ =	sdelay $0x1  }
0x163: {  	v9 =	vmul.f32 $3.333333430e-01, v15  }
0x164: {  	v8 =	vld.idx.msk [tilespmem:v14+s19+$0x0], $0xffff  }
0x165: {  	v17 =	vadd.s32 $0x8, v7;
	v9 =	vadd.f32 $-1.000000000e+00, v9  }
0x166: {  	v10 =	vld.idx.msk [tilespmem:v16+s19+$0x0], $0xffff  }
0x167: {  	v6 =	vor.u32 $0x3, v6;
	v5 =	vsub.f32 v5, v9  }
0x168: {  	v3 =	vor.u32 $0x3, v3  }
0x169: {  	v8 =	vmul.f32 v5, v8  }
0x16a: {  	v18 =	vld.idx.msk [tilespmem:v17+s19+$0x0], $0xffff  }
0x16b: {  	v8 =	vadd.f32 v8, v10  }
0x16c: {  	v6 =	vld.idx.msk [tilespmem:v6+s25+$0x0], $0xffff  }
0x16d: {  	v3 =	vld.idx.msk [tilespmem:v3+s24+$0x0], $0xffff;
	v8 =	vmul.f32 v8, v5  }
0x16e: {  	v7 =	vld.idx.msk [tilespmem:v7+s19+$0x0], $0xffff  }
0x16f: {  	v8 =	vadd.f32 v8, v18;
	_ =	sdelay $0x1  }
0x170: {  	v5 =	vmul.f32 v8, v5;
	_ =	sdelay $0x1  }
0x171: {  	v3 =	vmul.f32 v6, v3;
	v5 =	vadd.f32 v5, v7  }
0x172: {  	vm3 =	vlt.u32 v4, $0x226  }
0x173: {  	vm3 =	vmand vm1, vm3;
	v3 =	vmul.f32 v5, v3  }
0x174: {  	vm3 =	vmor vm2, vm3  }
0x175: {  	v3 =	vsel vm3, $0x0, v3  }
0x176: {  	[tilespmem:s15+$0xFFFFFFE0] =	vst v3  }
0x177: {  	v3 =	vld [tilespmem:s14+$0xFFFFFFF0];
	_ =	sdelay $0x1  }
0x178: {  	s0 =	sadd.s32 $0x10, s13  }
0x179: {  	v19 =	vor.u32 s0, v0  }
0x17a: {  	v21 =	vshll.u32 v19, $0x3  }
0x17b: {  	v22 =	vor.u32 $0x1, v21;
	v3 =	vsub.s32 v3, v2  }
0x17c: {  	v3 =	vshll.u32 v3, $0x3  }
0x17d: {  	v20 =	vor.u32 $0x1, v3  }
0x17e: {  	v25 =	vor.u32 $0x2, v21  }
0x17f: {  	v26 =	vld.idx.msk [tilespmem:v21+s25+$0x0], $0xffff;
	v23 =	vor.u32 $0x2, v3  }
0x180: {  	v7 =	vld.idx.msk [tilespmem:v22+s25+$0x0], $0xffff  }
0x181: {  	v24 =	vld.idx.msk [tilespmem:v3+s24+$0x0], $0xffff  }
0x182: {  	v5 =	vld.idx.msk [tilespmem:v20+s24+$0x0], $0xffff  }
0x183: {  	v10 =	vld.idx.msk [tilespmem:v25+s25+$0x0], $0xffff  }
0x184: {  	v8 =	vld.idx.msk [tilespmem:v23+s24+$0x0], $0xffff;
	_ =	sdelay $0x2  }
0x185: {  	v9 =	vmul.f32 v26, v24;
	v5 =	vmul.f32 v7, v5;
	_ =	sdelay $0x1  }
0x186: {  	v27 =	vmul.f32 v10, v8;
	v5 =	vadd.f32 v5, v9;
	_ =	sdelay $0x1  }
0x187: {  	v5 =	vadd.f32 v27, v5;
	_ =	sdelay $0x1  }
0x188: {  	v5 =	vsub.f32 $0.0e+00, v5;
	_ =	sdelay $0x1  }
0x189: {  	v5 =	vmax.f32 v5, $-1.000000000e+00  }
0x18a: {  	v5 =	vmin.f32 v5, $1.000000000e+00  }
0x18b: {  	v28 =	vadd.f32 $1.000000000e+00, v5;
	_ =	sdelay $0x1  }
0x18c: {  	v7 =	vmul.f32 $3.000000000e+00, v28;
	_ =	sdelay $0x1  }
0x18d: {  	v7 =	vtrunc.f32 v7  }
0x18e: {  	v7 =	vcvt.f32.s32 v7;
	_ =	sdelay $0x1  }
0x18f: {  	vm3 =	vlt.s32 v7, $0x5  }
0x190: {  	v7 =	vnsel vm3, $0x5, v7  }
0x191: {  	v29 =	vadd.s32 $0x18, v7;
	_ =	sdelay $0x1  }
0x192: {  	v30 =	vcvt.s32.f32 v7;
	v31 =	vadd.s32 $0x10, v7;
	_ =	sdelay $0x1  }
0x193: {  	v9 =	vmul.f32 $3.333333430e-01, v30  }
0x194: {  	v8 =	vld.idx.msk [tilespmem:v29+s19+$0x0], $0xffff  }
0x195: {  	v32 =	vadd.s32 $0x8, v7;
	v9 =	vadd.f32 $-1.000000000e+00, v9  }
0x196: {  	v10 =	vld.idx.msk [tilespmem:v31+s19+$0x0], $0xffff  }
0x197: {  	v6 =	vor.u32 $0x3, v21;
	v5 =	vsub.f32 v5, v9  }
0x198: {  	v3 =	vor.u32 $0x3, v3  }
0x199: {  	v8 =	vmul.f32 v5, v8  }
0x19a: {  	v33 =	vld.idx.msk [tilespmem:v32+s19+$0x0], $0xffff  }
0x19b: {  	v8 =	vadd.f32 v8, v10  }
0x19c: {  	v6 =	vld.idx.msk [tilespmem:v6+s25+$0x0], $0xffff  }
0x19d: {  	v3 =	vld.idx.msk [tilespmem:v3+s24+$0x0], $0xffff;
	v8 =	vmul.f32 v8, v5  }
0x19e: {  	v7 =	vld.idx.msk [tilespmem:v7+s19+$0x0], $0xffff  }
0x19f: {  	v8 =	vadd.f32 v8, v33;
	_ =	sdelay $0x1  }
0x1a0: {  	v5 =	vmul.f32 v8, v5;
	_ =	sdelay $0x1  }
0x1a1: {  	v3 =	vmul.f32 v6, v3;
	v5 =	vadd.f32 v5, v7  }
0x1a2: {  	vm3 =	vlt.u32 v19, $0x226  }
0x1a3: {  	vm3 =	vmand vm1, vm3;
	v3 =	vmul.f32 v5, v3  }
0x1a4: {  	vm3 =	vmor vm2, vm3  }
0x1a5: {  	v3 =	vsel vm3, $0x0, v3  }
0x1a6: {  	[tilespmem:s15+$0xFFFFFFF0] =	vst v3  }
0x1a7: {  	v3 =	vld [tilespmem:s14+$0x0];
	_ =	sdelay $0x1  }
0x1a8: {  	s16 =	sadd.s32 $0x20, s13  }
0x1a9: {  	v34 =	vor.u32 s16, v0  }
0x1aa: {  	v36 =	vshll.u32 v34, $0x3  }
0x1ab: {  	v37 =	vor.u32 $0x1, v36;
	v3 =	vsub.s32 v3, v2  }
0x1ac: {  	v3 =	vshll.u32 v3, $0x3  }
0x1ad: {  	v35 =	vor.u32 $0x1, v3  }
0x1ae: {  	v40 =	vor.u32 $0x2, v36  }
0x1af: {  	v41 =	vld.idx.msk [tilespmem:v36+s25+$0x0], $0xffff;
	v38 =	vor.u32 $0x2, v3  }
0x1b0: {  	v7 =	vld.idx.msk [tilespmem:v37+s25+$0x0], $0xffff  }
0x1b1: {  	v39 =	vld.idx.msk [tilespmem:v3+s24+$0x0], $0xffff  }
0x1b2: {  	v5 =	vld.idx.msk [tilespmem:v35+s24+$0x0], $0xffff  }
0x1b3: {  	v10 =	vld.idx.msk [tilespmem:v40+s25+$0x0], $0xffff  }
0x1b4: {  	v8 =	vld.idx.msk [tilespmem:v38+s24+$0x0], $0xffff;
	_ =	sdelay $0x2  }
0x1b5: {  	v9 =	vmul.f32 v41, v39;
	v5 =	vmul.f32 v7, v5;
	_ =	sdelay $0x1  }
0x1b6: {  	v42 =	vmul.f32 v10, v8;
	v5 =	vadd.f32 v5, v9;
	_ =	sdelay $0x1  }
0x1b7: {  	v5 =	vadd.f32 v42, v5;
	_ =	sdelay $0x1  }
0x1b8: {  	v5 =	vsub.f32 $0.0e+00, v5;
	_ =	sdelay $0x1  }
0x1b9: {  	v5 =	vmax.f32 v5, $-1.000000000e+00  }
0x1ba: {  	v5 =	vmin.f32 v5, $1.000000000e+00  }
0x1bb: {  	v43 =	vadd.f32 $1.000000000e+00, v5;
	_ =	sdelay $0x1  }
0x1bc: {  	v7 =	vmul.f32 $3.000000000e+00, v43;
	_ =	sdelay $0x1  }
0x1bd: {  	v7 =	vtrunc.f32 v7  }
0x1be: {  	v7 =	vcvt.f32.s32 v7;
	_ =	sdelay $0x1  }
0x1bf: {  	vm3 =	vlt.s32 v7, $0x5  }
0x1c0: {  	v7 =	vnsel vm3, $0x5, v7  }
0x1c1: {  	v44 =	vadd.s32 $0x18, v7;
	_ =	sdelay $0x1  }
0x1c2: {  	v45 =	vcvt.s32.f32 v7;
	v46 =	vadd.s32 $0x10, v7;
	_ =	sdelay $0x1  }
0x1c3: {  	v9 =	vmul.f32 $3.333333430e-01, v45  }
0x1c4: {  	v8 =	vld.idx.msk [tilespmem:v44+s19+$0x0], $0xffff  }
0x1c5: {  	v47 =	vadd.s32 $0x8, v7;
	v9 =	vadd.f32 $-1.000000000e+00, v9  }
0x1c6: {  	v10 =	vld.idx.msk [tilespmem:v46+s19+$0x0], $0xffff  }
0x1c7: {  	v6 =	vor.u32 $0x3, v36;
	v5 =	vsub.f32 v5, v9  }
0x1c8: {  	v3 =	vor.u32 $0x3, v3  }
0x1c9: {  	v8 =	vmul.f32 v5, v8  }
0x1ca: {  	v48 =	vld.idx.msk [tilespmem:v47+s19+$0x0], $0xffff  }
0x1cb: {  	v8 =	vadd.f32 v8, v10  }
0x1cc: {  	v6 =	vld.idx.msk [tilespmem:v6+s25+$0x0], $0xffff  }
0x1cd: {  	v3 =	vld.idx.msk [tilespmem:v3+s24+$0x0], $0xffff;
	v8 =	vmul.f32 v8, v5  }
0x1ce: {  	v7 =	vld.idx.msk [tilespmem:v7+s19+$0x0], $0xffff  }
0x1cf: {  	v8 =	vadd.f32 v8, v48;
	_ =	sdelay $0x1  }
0x1d0: {  	v5 =	vmul.f32 v8, v5;
	_ =	sdelay $0x1  }
0x1d1: {  	v3 =	vmul.f32 v6, v3;
	v5 =	vadd.f32 v5, v7  }
0x1d2: {  	vm3 =	vlt.u32 v34, $0x226  }
0x1d3: {  	vm3 =	vmand vm1, vm3;
	v3 =	vmul.f32 v5, v3  }
0x1d4: {  	vm3 =	vmor vm2, vm3  }
0x1d5: {  	v3 =	vsel vm3, $0x0, v3  }
0x1d6: {  	[tilespmem:s15+$0x0] =	vst v3  }
0x1d7: {  	v3 =	vld [tilespmem:s14+$0x10];
	_ =	sdelay $0x1  }
0x1d8: {  	s16 =	sadd.s32 $0x30, s13  }
0x1d9: {  	v49 =	vor.u32 s16, v0  }
0x1da: {  	v51 =	vshll.u32 v49, $0x3  }
0x1db: {  	v52 =	vor.u32 $0x1, v51;
	v3 =	vsub.s32 v3, v2  }
0x1dc: {  	v3 =	vshll.u32 v3, $0x3  }
0x1dd: {  	v50 =	vor.u32 $0x1, v3  }
0x1de: {  	v55 =	vor.u32 $0x2, v51  }
0x1df: {  	v56 =	vld.idx.msk [tilespmem:v51+s25+$0x0], $0xffff;
	v53 =	vor.u32 $0x2, v3  }
0x1e0: {  	v7 =	vld.idx.msk [tilespmem:v52+s25+$0x0], $0xffff  }
0x1e1: {  	v54 =	vld.idx.msk [tilespmem:v3+s24+$0x0], $0xffff  }
0x1e2: {  	v5 =	vld.idx.msk [tilespmem:v50+s24+$0x0], $0xffff  }
0x1e3: {  	v10 =	vld.idx.msk [tilespmem:v55+s25+$0x0], $0xffff  }
0x1e4: {  	v8 =	vld.idx.msk [tilespmem:v53+s24+$0x0], $0xffff;
	_ =	sdelay $0x2  }
0x1e5: {  	v9 =	vmul.f32 v56, v54;
	v5 =	vmul.f32 v7, v5;
	_ =	sdelay $0x1  }
0x1e6: {  	v57 =	vmul.f32 v10, v8;
	v5 =	vadd.f32 v5, v9;
	_ =	sdelay $0x1  }
0x1e7: {  	v5 =	vadd.f32 v57, v5;
	_ =	sdelay $0x1  }
0x1e8: {  	v5 =	vsub.f32 $0.0e+00, v5;
	_ =	sdelay $0x1  }
0x1e9: {  	v5 =	vmax.f32 v5, $-1.000000000e+00  }
0x1ea: {  	v5 =	vmin.f32 v5, $1.000000000e+00  }
0x1eb: {  	v58 =	vadd.f32 $1.000000000e+00, v5;
	_ =	sdelay $0x1  }
0x1ec: {  	v7 =	vmul.f32 $3.000000000e+00, v58;
	_ =	sdelay $0x1  }
0x1ed: {  	v7 =	vtrunc.f32 v7  }
0x1ee: {  	v7 =	vcvt.f32.s32 v7;
	_ =	sdelay $0x1  }
0x1ef: {  	vm3 =	vlt.s32 v7, $0x5  }
0x1f0: {  	v7 =	vnsel vm3, $0x5, v7  }
0x1f1: {  	v59 =	vadd.s32 $0x18, v7;
	_ =	sdelay $0x1  }
0x1f2: {  	v60 =	vcvt.s32.f32 v7;
	v61 =	vadd.s32 $0x10, v7;
	_ =	sdelay $0x1  }
0x1f3: {  	v9 =	vmul.f32 $3.333333430e-01, v60  }
0x1f4: {  	v8 =	vld.idx.msk [tilespmem:v59+s19+$0x0], $0xffff  }
0x1f5: {  	v62 =	vadd.s32 $0x8, v7;
	v9 =	vadd.f32 $-1.000000000e+00, v9  }
0x1f6: {  	v10 =	vld.idx.msk [tilespmem:v61+s19+$0x0], $0xffff  }
0x1f7: {  	v6 =	vor.u32 $0x3, v51;
	v5 =	vsub.f32 v5, v9  }
0x1f8: {  	v3 =	vor.u32 $0x3, v3  }
0x1f9: {  	v8 =	vmul.f32 v5, v8  }
0x1fa: {  	v63 =	vld.idx.msk [tilespmem:v62+s19+$0x0], $0xffff  }
0x1fb: {  	v8 =	vadd.f32 v8, v10  }
0x1fc: {  	v6 =	vld.idx.msk [tilespmem:v6+s25+$0x0], $0xffff  }
0x1fd: {  	v3 =	vld.idx.msk [tilespmem:v3+s24+$0x0], $0xffff;
	v8 =	vmul.f32 v8, v5  }
0x1fe: {  	v7 =	vld.idx.msk [tilespmem:v7+s19+$0x0], $0xffff  }
0x1ff: {  	v8 =	vadd.f32 v8, v63;
	_ =	sdelay $0x1  }
0x200: {  	v5 =	vmul.f32 v8, v5  }
0x201: {  	s10 =	sadd.s32 $0x4, s10  }
0x202: {  	p0 =	slt.u32 s10, $0x7C;
	v3 =	vmul.f32 v6, v3;
	v5 =	vadd.f32 v5, v7  }
.Ltmp1:
0x203: {  	vm3 =	vlt.u32 v49, $0x226;
	(pc) =	sbr.rel @p0 .LBB2_5-.Ltmp1, $4  }
0x204: {  	vm3 =	vmand vm1, vm3;
	v3 =	vmul.f32 v5, v3  }
0x205: {  	vm3 =	vmor vm2, vm3  }
0x206: {  	v3 =	vsel vm3, $0x0, v3  }
0x207: {  	s13 =	sadd.s32 $0x40, s13;
	s14 =	sadd.s32 $0x40, s14;
	[tilespmem:s15+$0x10] =	vst v3;
	s15 =	sadd.s32 $0x40, s15  }
0x208: {  	s9 =	sadd.s32 $0x1, s9  }
0x209: {  	p0 =	sne.s32 s9, $0x62  }
.Ltmp2:
0x20a: {  	_ = 	snop;
	(pc) =	sbr.rel @p0 .LBB2_2-.Ltmp2, $2  }
0x20b: {  	_ =	sdelay $0x2  }
0x20c: {  	[spmem:s5] =	stream.indirect.scatter.add.f32 [tilespmem:s31], [sflag:$0x4], $0x1, s23, s20, $0xb8;
	[tilespmem:$0x18420] =	vst v63  }
0x20d: {  	s0 =	simm.s32 $0x4  }
0x20e: {  	_ =	swait.ge [sflag:s0], $0x800  }
0x20f: {  	[sflag:s0] =	ssyncset.done $0x0  }
0x210: {  	[sflag:s0] =	ssyncadd.s32 $0xFFFFF800  }
0x211: {  	[bflag:$0x0] =	sbarrier.arrive $0xFFFF  }
0x212: {  	s15 =	rddreg [dreg:$0xa]  }
0x213: {  	[hbm:s15], [sflag:s11] =	dma.local [spmem:s17], $0x1880  }
0x214: {  	_ =	swait.ge [sflag:s18], $0x1880  }
0x215: {  	s3 =	sadd.s32 $0x1, s3;
	s16 =	rddreg [dreg:$0xb]  }
0x216: {  	p0 =	sne.s32 s3, s16  }
.Ltmp3:
0x217: {  	_ = 	snop;
	(pc) =	sbr.rel @p0 .LBB2_1-.Ltmp3, $3  }
0x218: {  	_ =	sdelay $0x1  }
0x219: {  	[sflag:s18] =	ssyncset.done $0x0  }
0x21a: {  	[sflag:s18] =	ssyncadd.s32 $0xFFFFE780  }
0x21b: {  	_ =	sfence.sel $0x180000  }
0x21c: {  	[bflag:$0x0] =	sbarrier.arrive $0xFFFF  }
0x21d: {  	_ =	strace $0x9000004A  }
0x21e: {  	s0 =	stileid.u32;
	[bflag:$0x2] =	sbarrier.arrive $0xFFFF  }
0x21f: {  	p0 =	sne.s32 s0, $0x0;
	s0 =	rddreg [dreg:$0x5]  }
0x220: {  	s0 =	sadd.s32 @!p0 $0x100000, s0  }
0x221: {  	[sflag:s0] =	ssyncadd.tile.s32 @!p0 $0x1;
	_ =	shalt  }
.Lfunc_end2:
_tile_overlayer_lowered:
.L_overlay_start_2:
0x222: {  	(tag) =	ssettag $0x2  }
0x223: {  	s0 =	rddreg [dreg:$0x0];
	s2 =	stileid.u32  }
0x224: {  	s1 =	rddreg [dreg:$0x1];
	p0 =	sne.s32 s2, $0x0  }
0x225: {  	s3 =	rddreg [dreg:$0x2];
	[bflag:$0x3] =	sbarrier.arrive $0xFFFF;
	s2 =	simm.s32 @!p0 $0x1C05  }
0x226: {  	[timem:s3], [sflag:s2] =	dma.local @!p0 [hbm:s0], s1  }
0x227: {  	s0 =	simm.s32 @!p0 $0x5  }
0x228: {  	_ =	swait.ge @!p0 [sflag:s0], s1  }
0x229: {  	s1 =	ssub.s32 @!p0 $0x0, s1;
	[sflag:s0] =	ssyncset.done @!p0 $0x0  }
0x22a: {  	[sflag:s0] =	ssyncadd.s32 @!p0 s1  }
0x22b: {  	[bflag:$0x3] =	sbarrier.arrive $0xFFFF  }
0x22c: {  	_ =	shalt  }

</sc_bundles>
